<compile_context>
chip_gen: v7x
topology: tpu7x:2x2x1
jax: 0.10.2.dev20260603
libtpu: 0.0.44.dev20260713+nightly
codegen_flags: <defaults>
</compile_context>

<pallas_src>
import functools

import jax
import jax.numpy as jnp
from jax import lax
from jax.experimental import pallas as pl
from jax.experimental.pallas import tpu as pltpu
from jax.experimental.pallas import tpu_sc as plsc

_NC = 2
_NS = 16
_NW = _NC * _NS
_B = 80
_RB = 256


def _deg_fn(Np, NB):
  rows_pt = Np // _NS
  NBH = NB // 2
  mesh = plsc.VectorSubcoreMesh(core_axis_name="c", subcore_axis_name="s")

  @functools.partial(
      pl.kernel,
      out_type=jax.ShapeDtypeStruct((_NC * Np,), jnp.float32),
      mesh=mesh,
      scratch_types=[
          pltpu.VMEM((2, NBH, _B), jnp.int32),
          pltpu.VMEM((_B,), jnp.float32),
          pltpu.VMEM((rows_pt,), jnp.float32),
          pltpu.VMEM_SHARED((Np,), jnp.float32),
      ],
  )
  def deg_k(dst_hbm, out_hbm, dst_v, ones_v, zeros_v, acc):
    c = lax.axis_index("c")
    s = lax.axis_index("s")
    wid = c * _NS + s
    pltpu.sync_copy(dst_hbm.at[wid], dst_v)

    def fill_ones(i, _):
      ones_v[pl.ds(i * 16, 16)] = jnp.full((16,), 1.0, jnp.float32)
      return 0

    lax.fori_loop(0, _B // 16, fill_ones, 0)

    def fill_zeros(i, _):
      zeros_v[pl.ds(i * 16, 16)] = jnp.zeros((16,), jnp.float32)
      return 0

    lax.fori_loop(0, rows_pt // 16, fill_zeros, 0)

    row0 = s * rows_pt
    pltpu.sync_copy(zeros_v, acc.at[pl.ds(row0, rows_pt)])
    plsc.subcore_barrier()

    for h in range(2):
      def body(i, _):
        pltpu.sync_copy(ones_v, acc.at[dst_v.at[h, i]], add=True)
        return 0

      lax.fori_loop(0, NBH, body, 0)
    plsc.subcore_barrier()
    pltpu.sync_copy(acc.at[pl.ds(row0, rows_pt)],
                    out_hbm.at[pl.ds(c * Np + row0, rows_pt)])

  return deg_k


def _agg_fn(Np, D, NB):
  rows_pt = Np // _NS
  mesh = plsc.VectorSubcoreMesh(core_axis_name="c", subcore_axis_name="s")

  NBH = NB // 2

  @functools.partial(
      pl.kernel,
      out_type=jax.ShapeDtypeStruct((_NC * Np, D), jnp.float32),
      mesh=mesh,
      scratch_types=[
          pltpu.VMEM((NBH, _B), jnp.int32),
          pltpu.VMEM((NBH, _B), jnp.int32),
          pltpu.VMEM((_B, D), jnp.float32),
          pltpu.VMEM((_B, D), jnp.float32),
          pltpu.VMEM((_B, D), jnp.float32),
          pltpu.VMEM_SHARED((Np, D), jnp.float32),
          pltpu.SemaphoreType.DMA,
          pltpu.SemaphoreType.DMA,
          pltpu.SemaphoreType.DMA,
      ],
  )
  def agg_k(h_hbm, src_hbm, dst_hbm, out_hbm, idxs, idxd, buf0, buf1, buf2,
            acc, sem0, sem1, sem2):
    c = lax.axis_index("c")
    s = lax.axis_index("s")
    wid = c * _NS + s
    bufs = (buf0, buf1, buf2)
    sems = (sem0, sem1, sem2)

    nvec = D // 16

    def fill_zeros(r, _):
      for j in range(nvec):
        buf0[r, pl.ds(j * 16, 16)] = jnp.zeros((16,), jnp.float32)
      return 0

    lax.fori_loop(0, _B, fill_zeros, 0)

    row0 = s * rows_pt
    zfull = rows_pt // _B
    zrem = rows_pt % _B

    def zero_acc(i, _):
      pltpu.sync_copy(buf0, acc.at[pl.ds(row0 + i * _B, _B)])
      return 0

    lax.fori_loop(0, zfull, zero_acc, 0)
    if zrem:
      pltpu.sync_copy(buf0.at[pl.ds(0, zrem)],
                      acc.at[pl.ds(row0 + zfull * _B, zrem)])

    def body(k, _):
      for j in range(3):
        i = 3 * k + j
        pltpu.make_async_copy(h_hbm.at[pl.ds(0, _B)], bufs[j], sems[j]).wait()

        @pl.when(i + 2 < NBH)
        def _():
          pltpu.async_copy(h_hbm.at[idxs.at[i + 2]], bufs[(j + 2) % 3],
                           sems[(j + 2) % 3])

        pltpu.sync_copy(bufs[j], acc.at[idxd.at[i]], add=True)
      return 0

    for h in range(2):
      pltpu.sync_copy(src_hbm.at[wid, h], idxs)
      pltpu.sync_copy(dst_hbm.at[wid, h], idxd)
      pltpu.async_copy(h_hbm.at[idxs.at[0]], buf0, sem0)
      pltpu.async_copy(h_hbm.at[idxs.at[1]], buf1, sem1)
      if h == 0:
        plsc.subcore_barrier()
      lax.fori_loop(0, NBH // 3, body, 0)

    plsc.subcore_barrier()
    pltpu.sync_copy(acc.at[pl.ds(row0, rows_pt)],
                    out_hbm.at[pl.ds(c * Np + row0, rows_pt)])

  return agg_k


def _tc_mm_scale(xp, W, dinv):
  Np, D = xp.shape
  g = Np // _RB

  def body(x_ref, w_ref, d_ref, o_ref):
    o_ref[...] = jnp.dot(x_ref[...], w_ref[...],
                         preferred_element_type=jnp.float32) * d_ref[...]

  return pl.pallas_call(
      body,
      grid=(g,),
      in_specs=[pl.BlockSpec((_RB, D), lambda i: (i, 0)),
                pl.BlockSpec((D, D), lambda i: (0, 0)),
                pl.BlockSpec((_RB, 1), lambda i: (i, 0))],
      out_specs=pl.BlockSpec((_RB, D), lambda i: (i, 0)),
      out_shape=jax.ShapeDtypeStruct((Np, D), jnp.float32),
  )(xp, W, dinv)


def _tc_mid(aggf, h1p, dinv, b1r, gsc, betar, W2):
  Np, D = h1p.shape
  g = Np // _RB
  off = g

  def body(a0, a1, hp, d, b1_, g_, be_, w_, o):
    pre = (a0[...] + a1[...] + hp[...]) * d[...] + b1_[...]
    z = jnp.maximum(pre * g_[...] + be_[...], 0.0)
    o[...] = jnp.dot(z, w_[...], preferred_element_type=jnp.float32) * d[...]

  return pl.pallas_call(
      body,
      grid=(g,),
      in_specs=[pl.BlockSpec((_RB, D), lambda i: (i, 0)),
                pl.BlockSpec((_RB, D), lambda i: (i + off, 0)),
                pl.BlockSpec((_RB, D), lambda i: (i, 0)),
                pl.BlockSpec((_RB, 1), lambda i: (i, 0)),
                pl.BlockSpec((1, D), lambda i: (0, 0)),
                pl.BlockSpec((1, D), lambda i: (0, 0)),
                pl.BlockSpec((1, D), lambda i: (0, 0)),
                pl.BlockSpec((D, D), lambda i: (0, 0))],
      out_specs=pl.BlockSpec((_RB, D), lambda i: (i, 0)),
      out_shape=jax.ShapeDtypeStruct((Np, D), jnp.float32),
  )(aggf, aggf, h1p, dinv, b1r, gsc, betar, W2)


def _tc_out(aggf, h2p, dinv, b2r, N):
  Np, D = h2p.shape
  g = Np // _RB
  off = g

  def body(a0, a1, hp, d, b2_, o):
    pre = (a0[...] + a1[...] + hp[...]) * d[...] + b2_[...]
    m = jnp.max(pre, axis=-1, keepdims=True)
    e = jnp.exp(pre - m)
    lse = jnp.log(jnp.sum(e, axis=-1, keepdims=True)) + m
    o[...] = pre - lse

  return pl.pallas_call(
      body,
      grid=(g,),
      in_specs=[pl.BlockSpec((_RB, D), lambda i: (i, 0)),
                pl.BlockSpec((_RB, D), lambda i: (i + off, 0)),
                pl.BlockSpec((_RB, D), lambda i: (i, 0)),
                pl.BlockSpec((_RB, 1), lambda i: (i, 0)),
                pl.BlockSpec((1, D), lambda i: (0, 0))],
      out_specs=pl.BlockSpec((_RB, D), lambda i: (i, 0)),
      out_shape=jax.ShapeDtypeStruct((N, D), jnp.float32),
  )(aggf, aggf, h2p, dinv, b2r)


def kernel(x, edge_index, W1, b1, gamma, beta, W2, b2):
  N, D = x.shape
  E = edge_index.shape[1]
  Np = _RB * ((N + _RB - 1) // _RB)
  if Np == N:
    Np += _RB
  NB = (E + _NW * _B - 1) // (_NW * _B)
  NB = 6 * ((NB + 5) // 6)
  NBH = NB // 2
  Ep = _NW * _B * NB
  pad = Ep - E

  src = edge_index[0].astype(jnp.int32)
  dst = edge_index[1].astype(jnp.int32)
  ar = jnp.arange(pad, dtype=jnp.int32)
  src_w = jnp.concatenate([src, ar % N]).reshape(_NW, 2, NBH, _B)
  dst_w = jnp.concatenate([dst, N + ar % (Np - N)]).reshape(_NW, 2, NBH, _B)

  xp = jnp.pad(x, ((0, Np - N), (0, 0)))

  degp = _deg_fn(Np, NB)(dst_w)
  deg = degp[:Np] + degp[Np:] + 1.0
  dinv = lax.rsqrt(deg)[:, None]

  b1r = b1.reshape(1, D)
  b2r = b2.reshape(1, D)
  gsc = (gamma * (1.0 / jnp.sqrt(1.0 + 1e-5))).reshape(1, D)
  betar = beta.reshape(1, D)

  agg = _agg_fn(Np, D, NB)

  h1p = _tc_mm_scale(xp, W1, dinv)
  a1 = agg(h1p, src_w, dst_w)
  h2p = _tc_mid(a1, h1p, dinv, b1r, gsc, betar, W2)
  a2 = agg(h2p, src_w, dst_w)
  return _tc_out(a2, h2p, dinv, b2r, N)

# --- scband reference (transcript-rebuilt; emitter-appended) ---
"""Pipeline reference for scband-gcn-37142877175912 (READ-ONLY COPY).

The authoritative reference and input builder live on the scoring server;
editing this copy changes nothing except your own understanding.
"""

import jax, jax.numpy as jnp
import numpy as np

N_NODES = 10000
N_EDGES = 320000
D = 128


def gcn_conv(x, edge_index, W, b):
    # PyG GCNConv: add self-loops, symmetric normalization D^-1/2 (A+I) D^-1/2 X W + b
    N = x.shape[0]
    loop = jnp.arange(N, dtype=edge_index.dtype)
    src = jnp.concatenate([edge_index[0], loop])
    dst = jnp.concatenate([edge_index[1], loop])
    deg = jax.ops.segment_sum(jnp.ones(src.shape[0], dtype=x.dtype), dst, num_segments=N)
    dinv = jnp.where(deg > 0, jax.lax.rsqrt(deg), 0.0)
    norm = dinv[src] * dinv[dst]
    h = x @ W
    msg = h[src] * norm[:, None]
    out = jax.ops.segment_sum(msg, dst, num_segments=N)
    return out + b


def batch_norm_eval(x, gamma, beta, eps=1e-5):
    # BatchNorm1d in eval mode with running_mean=0, running_var=1
    return (x / jnp.sqrt(1.0 + eps)) * gamma + beta


def setup_inputs(seed: int = 0) -> dict:
    key = jax.random.key(seed)
    ks = jax.random.split(key, 8)
    x = jax.random.normal(ks[0], (N_NODES, D), dtype=jnp.float32)
    edge_index = jax.random.randint(ks[1], (2, N_EDGES), 0, N_NODES, dtype=jnp.int64)
    W1 = jax.random.normal(ks[2], (D, D), dtype=jnp.float32) * (1.0 / np.sqrt(D))
    b1 = jnp.zeros((D,), dtype=jnp.float32)
    gamma = jnp.ones((D,), dtype=jnp.float32)
    beta = jnp.zeros((D,), dtype=jnp.float32)
    W2 = jax.random.normal(ks[3], (D, D), dtype=jnp.float32) * (1.0 / np.sqrt(D))
    b2 = jnp.zeros((D,), dtype=jnp.float32)
    return {"x": x, "edge_index": edge_index, "W1": W1, "b1": b1, "gamma": gamma, "beta": beta, "W2": W2, "b2": b2}


def reference(x, edge_index, W1, b1, gamma, beta, W2, b2):
    h = gcn_conv(x, edge_index, W1, b1)
    h = jax.nn.relu(batch_norm_eval(h, gamma, beta))
    # eval mode: dropout is identity
    out = gcn_conv(h, edge_index, W2, b2)
    return jax.nn.log_softmax(out, axis=-1)

if __name__ == "__main__":
    import jax
    _d = setup_inputs()
    print(jax.jit(kernel)(*tuple(_d.values())))

</pallas_src>

<mosaic_0001>
#map = affine_map<(d0, d1) -> (0, 0)>
#map1 = affine_map<(d0, d1) -> (0, 0, 0, 0)>
module attributes {stable_mosaic.version = 14 : i64} {
  func.func @agg_k(%arg0: i32, %arg1: i32, %arg2: memref<10240x128xf32, #tpu.memory_space<hbm>>, %arg3: memref<32x2x63x80xi32, #tpu.memory_space<hbm>>, %arg4: memref<32x2x63x80xi32, #tpu.memory_space<hbm>>, %arg5: memref<20480x128xf32, #tpu.memory_space<hbm>>, %arg6: memref<63x80xi32, #tpu.memory_space<vmem>>, %arg7: memref<63x80xi32, #tpu.memory_space<vmem>>, %arg8: memref<80x128xf32, #tpu.memory_space<vmem>>, %arg9: memref<80x128xf32, #tpu.memory_space<vmem>>, %arg10: memref<80x128xf32, #tpu.memory_space<vmem>>, %arg11: memref<10240x128xf32, #tpu.memory_space<vmem_shared>>, %arg12: memref<!tpu.dma_semaphore, #tpu.memory_space<semaphore_mem>>, %arg13: memref<!tpu.dma_semaphore, #tpu.memory_space<semaphore_mem>>, %arg14: memref<!tpu.dma_semaphore, #tpu.memory_space<semaphore_mem>>) attributes {dimension_semantics = [#tpu.dimension_semantics<core_parallel>, #tpu.dimension_semantics<subcore_parallel>], iteration_bounds = array<i64: 2, 16>, scalar_prefetch = 0 : i64, scratch_operands = 9 : i64, tpu.core_type = #tpu.core_type<sc_vector_subcore>, window_params = [{transform_indices = #map}, {transform_indices = #map1}, {transform_indices = #map1}, {transform_indices = #map}]} {
    %mul3A = arith.constant 16 : i32
    %mul3A_0 = arith.muli %arg0, %mul3A : i32
    %add3A = arith.addi %mul3A_0, %arg1 : i32
    %scan3A = arith.constant 0 : i32
    %scan3A_1 = arith.constant 0 : i32
    %scan3A_2 = arith.constant 80 : i32
    %scan3A_3 = arith.addi %scan3A_1, %scan3A_2 : i32
    %scan3A_4 = arith.constant 1 : i32
    %scan3A_5 = scf.for %scan3A_64 = %scan3A_1 to %scan3A_3 step %scan3A_4 iter_args(%scan3A_65 = %scan3A) -> (i32)  : i32 {
      %broadcast_in_dim3A = arith.constant 0.000000e+00 : f32
      %broadcast_in_dim3A_66 = vector.broadcast %broadcast_in_dim3A : f32 to vector<16xf32>
      %swap3A = arith.index_cast %scan3A_64 : i32 to index
      %swap3A_67 = arith.constant 0 : index
      %swap3A_68 = tpu.vector_load %arg8[%swap3A, %swap3A_67] {strides = array<i32>} : memref<80x128xf32, #tpu.memory_space<vmem>>, vector<1x16xf32>,
      %swap3A_69 = vector.shape_cast %swap3A_68 : vector<1x16xf32> to vector<16xf32>
      %swap3A_70 = vector.shape_cast %broadcast_in_dim3A_66 : vector<16xf32> to vector<1x16xf32>
      tpu.vector_store %arg8[%swap3A, %swap3A_67], %swap3A_70 {strides = array<i32>} : memref<80x128xf32, #tpu.memory_space<vmem>>, vector<1x16xf32>,
      %broadcast_in_dim3A_71 = arith.constant 0.000000e+00 : f32
      %broadcast_in_dim3A_72 = vector.broadcast %broadcast_in_dim3A_71 : f32 to vector<16xf32>
      %swap3A_73 = arith.index_cast %scan3A_64 : i32 to index
      %swap3A_74 = arith.constant 16 : index
      %swap3A_75 = tpu.vector_load %arg8[%swap3A_73, %swap3A_74] {strides = array<i32>} : memref<80x128xf32, #tpu.memory_space<vmem>>, vector<1x16xf32>,
      %swap3A_76 = vector.shape_cast %swap3A_75 : vector<1x16xf32> to vector<16xf32>
      %swap3A_77 = vector.shape_cast %broadcast_in_dim3A_72 : vector<16xf32> to vector<1x16xf32>
      tpu.vector_store %arg8[%swap3A_73, %swap3A_74], %swap3A_77 {strides = array<i32>} : memref<80x128xf32, #tpu.memory_space<vmem>>, vector<1x16xf32>,
      %broadcast_in_dim3A_78 = arith.constant 0.000000e+00 : f32
      %broadcast_in_dim3A_79 = vector.broadcast %broadcast_in_dim3A_78 : f32 to vector<16xf32>
      %swap3A_80 = arith.index_cast %scan3A_64 : i32 to index
      %swap3A_81 = arith.constant 32 : index
      %swap3A_82 = tpu.vector_load %arg8[%swap3A_80, %swap3A_81] {strides = array<i32>} : memref<80x128xf32, #tpu.memory_space<vmem>>, vector<1x16xf32>,
      %swap3A_83 = vector.shape_cast %swap3A_82 : vector<1x16xf32> to vector<16xf32>
      %swap3A_84 = vector.shape_cast %broadcast_in_dim3A_79 : vector<16xf32> to vector<1x16xf32>
      tpu.vector_store %arg8[%swap3A_80, %swap3A_81], %swap3A_84 {strides = array<i32>} : memref<80x128xf32, #tpu.memory_space<vmem>>, vector<1x16xf32>,
      %broadcast_in_dim3A_85 = arith.constant 0.000000e+00 : f32
      %broadcast_in_dim3A_86 = vector.broadcast %broadcast_in_dim3A_85 : f32 to vector<16xf32>
      %swap3A_87 = arith.index_cast %scan3A_64 : i32 to index
      %swap3A_88 = arith.constant 48 : index
      %swap3A_89 = tpu.vector_load %arg8[%swap3A_87, %swap3A_88] {strides = array<i32>} : memref<80x128xf32, #tpu.memory_space<vmem>>, vector<1x16xf32>,
      %swap3A_90 = vector.shape_cast %swap3A_89 : vector<1x16xf32> to vector<16xf32>
      %swap3A_91 = vector.shape_cast %broadcast_in_dim3A_86 : vector<16xf32> to vector<1x16xf32>
      tpu.vector_store %arg8[%swap3A_87, %swap3A_88], %swap3A_91 {strides = array<i32>} : memref<80x128xf32, #tpu.memory_space<vmem>>, vector<1x16xf32>,
      %broadcast_in_dim3A_92 = arith.constant 0.000000e+00 : f32
      %broadcast_in_dim3A_93 = vector.broadcast %broadcast_in_dim3A_92 : f32 to vector<16xf32>
      %swap3A_94 = arith.index_cast %scan3A_64 : i32 to index
      %swap3A_95 = arith.constant 64 : index
      %swap3A_96 = tpu.vector_load %arg8[%swap3A_94, %swap3A_95] {strides = array<i32>} : memref<80x128xf32, #tpu.memory_space<vmem>>, vector<1x16xf32>,
      %swap3A_97 = vector.shape_cast %swap3A_96 : vector<1x16xf32> to vector<16xf32>
      %swap3A_98 = vector.shape_cast %broadcast_in_dim3A_93 : vector<16xf32> to vector<1x16xf32>
      tpu.vector_store %arg8[%swap3A_94, %swap3A_95], %swap3A_98 {strides = array<i32>} : memref<80x128xf32, #tpu.memory_space<vmem>>, vector<1x16xf32>,
      %broadcast_in_dim3A_99 = arith.constant 0.000000e+00 : f32
      %broadcast_in_dim3A_100 = vector.broadcast %broadcast_in_dim3A_99 : f32 to vector<16xf32>
      %swap3A_101 = arith.index_cast %scan3A_64 : i32 to index
      %swap3A_102 = arith.constant 80 : index
      %swap3A_103 = tpu.vector_load %arg8[%swap3A_101, %swap3A_102] {strides = array<i32>} : memref<80x128xf32, #tpu.memory_space<vmem>>, vector<1x16xf32>,
      %swap3A_104 = vector.shape_cast %swap3A_103 : vector<1x16xf32> to vector<16xf32>
      %swap3A_105 = vector.shape_cast %broadcast_in_dim3A_100 : vector<16xf32> to vector<1x16xf32>
      tpu.vector_store %arg8[%swap3A_101, %swap3A_102], %swap3A_105 {strides = array<i32>} : memref<80x128xf32, #tpu.memory_space<vmem>>, vector<1x16xf32>,
      %broadcast_in_dim3A_106 = arith.constant 0.000000e+00 : f32
      %broadcast_in_dim3A_107 = vector.broadcast %broadcast_in_dim3A_106 : f32 to vector<16xf32>
      %swap3A_108 = arith.index_cast %scan3A_64 : i32 to index
      %swap3A_109 = arith.constant 96 : index
      %swap3A_110 = tpu.vector_load %arg8[%swap3A_108, %swap3A_109] {strides = array<i32>} : memref<80x128xf32, #tpu.memory_space<vmem>>, vector<1x16xf32>,
      %swap3A_111 = vector.shape_cast %swap3A_110 : vector<1x16xf32> to vector<16xf32>
      %swap3A_112 = vector.shape_cast %broadcast_in_dim3A_107 : vector<16xf32> to vector<1x16xf32>
      tpu.vector_store %arg8[%swap3A_108, %swap3A_109], %swap3A_112 {strides = array<i32>} : memref<80x128xf32, #tpu.memory_space<vmem>>, vector<1x16xf32>,
      %broadcast_in_dim3A_113 = arith.constant 0.000000e+00 : f32
      %broadcast_in_dim3A_114 = vector.broadcast %broadcast_in_dim3A_113 : f32 to vector<16xf32>
      %swap3A_115 = arith.index_cast %scan3A_64 : i32 to index
      %swap3A_116 = arith.constant 112 : index
      %swap3A_117 = tpu.vector_load %arg8[%swap3A_115, %swap3A_116] {strides = array<i32>} : memref<80x128xf32, #tpu.memory_space<vmem>>, vector<1x16xf32>,
      %swap3A_118 = vector.shape_cast %swap3A_117 : vector<1x16xf32> to vector<16xf32>
      %swap3A_119 = vector.shape_cast %broadcast_in_dim3A_114 : vector<16xf32> to vector<1x16xf32>
      tpu.vector_store %arg8[%swap3A_115, %swap3A_116], %swap3A_119 {strides = array<i32>} : memref<80x128xf32, #tpu.memory_space<vmem>>, vector<1x16xf32>,
      %scan3A_120 = arith.constant 0 : i32
      scf.yield %scan3A_120 : i32
    }
    %scan3A_6 = arith.constant 80 : i32
    %mul3A_7 = arith.constant 640 : i32
    %mul3A_8 = arith.muli %arg1, %mul3A_7 : i32
    %scan3A_9 = arith.constant 0 : i32
    %scan3A_10 = arith.constant 0 : i32
    %scan3A_11 = arith.constant 8 : i32
    %scan3A_12 = arith.addi %scan3A_10, %scan3A_11 : i32
    %scan3A_13 = arith.constant 1 : i32
    %scan3A_14 = scf.for %scan3A_64 = %scan3A_10 to %scan3A_12 step %scan3A_13 iter_args(%scan3A_65 = %scan3A_9) -> (i32)  : i32 {
      %mul3A_66 = arith.constant 80 : i32
      %mul3A_67 = arith.muli %scan3A_64, %mul3A_66 : i32
      %add3A_68 = arith.addi %mul3A_8, %mul3A_67 : i32
      "tpu.region"() ({
        %run_scoped3A_70 = tpu.sem_alloc : memref<!tpu.dma_semaphore, #tpu.memory_space<semaphore_mem>>
        %dma_start3A_71 = arith.constant 0 : i32
        %dma_start3A_72 = tpu.memref_slice %arg11[%add3A_68, %dma_start3A_71] : memref<10240x128xf32, #tpu.memory_space<vmem_shared>> -> memref<80x128xf32, #tpu.memory_space<vmem_shared>>
        %dma_start3A_73 = arith.constant 0 : i32
        %dma_start3A_74 = tpu.memref_slice %arg11[%add3A_68, %dma_start3A_73] : memref<10240x128xf32, #tpu.memory_space<vmem_shared>> -> memref<80x128xf32, #tpu.memory_space<vmem_shared>>
        tpu.enqueue_dma source(%arg8 : memref<80x128xf32, #tpu.memory_space<vmem>>) target(%dma_start3A_74 : memref<80x128xf32, #tpu.memory_space<vmem_shared>>) target_semaphore(%run_scoped3A_70 : memref<!tpu.dma_semaphore, #tpu.memory_space<semaphore_mem>>)
        %dma_wait3A = arith.constant 0 : i32
        %dma_wait3A_75 = tpu.memref_slice %arg11[%add3A_68, %dma_wait3A] : memref<10240x128xf32, #tpu.memory_space<vmem_shared>> -> memref<80x128xf32, #tpu.memory_space<vmem_shared>>
        %dma_wait3A_76 = arith.constant 0 : i32
        %dma_wait3A_77 = tpu.memref_slice %arg11[%add3A_68, %dma_wait3A_76] : memref<10240x128xf32, #tpu.memory_space<vmem_shared>> -> memref<80x128xf32, #tpu.memory_space<vmem_shared>>
        tpu.wait_dma2 semaphore(%run_scoped3A_70 : memref<!tpu.dma_semaphore, #tpu.memory_space<semaphore_mem>>) src(%arg8 : memref<80x128xf32, #tpu.memory_space<vmem>>) dst(%dma_wait3A_77 : memref<80x128xf32, #tpu.memory_space<vmem_shared>>)
        tpu.yield
      }) : () -> ()
      %scan3A_69 = arith.constant 0 : i32
      scf.yield %scan3A_69 : i32
    }
    %scan3A_15 = arith.constant 8 : i32
    %run_scoped3A = arith.constant 0 : i32
    "tpu.region"() ({
      %run_scoped3A_64 = tpu.sem_alloc : memref<!tpu.dma_semaphore, #tpu.memory_space<semaphore_mem>>
      %dma_start3A_65 = arith.constant 0 : i32
      %dma_start3A_66 = arith.constant 0 : i32
      %dma_start3A_67 = tpu.memref_slice %arg3[%add3A, %run_scoped3A, %dma_start3A_65, %dma_start3A_66] : memref<32x2x63x80xi32, #tpu.memory_space<hbm>> -> memref<1x1x63x80xi32, #tpu.memory_space<hbm>>
      %dma_start3A_68 = tpu.memref_squeeze %dma_start3A_67 : memref<1x1x63x80xi32, #tpu.memory_space<hbm>> -> memref<63x80xi32, #tpu.memory_space<hbm>>
      %dma_start3A_69 = arith.constant 0 : i32
      %dma_start3A_70 = arith.constant 0 : i32
      %dma_start3A_71 = tpu.memref_slice %arg3[%add3A, %run_scoped3A, %dma_start3A_69, %dma_start3A_70] : memref<32x2x63x80xi32, #tpu.memory_space<hbm>> -> memref<1x1x63x80xi32, #tpu.memory_space<hbm>>
      %dma_start3A_72 = tpu.memref_squeeze %dma_start3A_71 : memref<1x1x63x80xi32, #tpu.memory_space<hbm>> -> memref<63x80xi32, #tpu.memory_space<hbm>>
      tpu.enqueue_dma source(%dma_start3A_72 : memref<63x80xi32, #tpu.memory_space<hbm>>) target(%arg6 : memref<63x80xi32, #tpu.memory_space<vmem>>) target_semaphore(%run_scoped3A_64 : memref<!tpu.dma_semaphore, #tpu.memory_space<semaphore_mem>>)
      %dma_wait3A = arith.constant 0 : i32
      %dma_wait3A_73 = arith.constant 0 : i32
      %dma_wait3A_74 = tpu.memref_slice %arg3[%add3A, %run_scoped3A, %dma_wait3A, %dma_wait3A_73] : memref<32x2x63x80xi32, #tpu.memory_space<hbm>> -> memref<1x1x63x80xi32, #tpu.memory_space<hbm>>
      %dma_wait3A_75 = tpu.memref_squeeze %dma_wait3A_74 : memref<1x1x63x80xi32, #tpu.memory_space<hbm>> -> memref<63x80xi32, #tpu.memory_space<hbm>>
      %dma_wait3A_76 = arith.constant 0 : i32
      %dma_wait3A_77 = arith.constant 0 : i32
      %dma_wait3A_78 = tpu.memref_slice %arg3[%add3A, %run_scoped3A, %dma_wait3A_76, %dma_wait3A_77] : memref<32x2x63x80xi32, #tpu.memory_space<hbm>> -> memref<1x1x63x80xi32, #tpu.memory_space<hbm>>
      %dma_wait3A_79 = tpu.memref_squeeze %dma_wait3A_78 : memref<1x1x63x80xi32, #tpu.memory_space<hbm>> -> memref<63x80xi32, #tpu.memory_space<hbm>>
      tpu.wait_dma2 semaphore(%run_scoped3A_64 : memref<!tpu.dma_semaphore, #tpu.memory_space<semaphore_mem>>) src(%dma_wait3A_79 : memref<63x80xi32, #tpu.memory_space<hbm>>) dst(%arg6 : memref<63x80xi32, #tpu.memory_space<vmem>>)
      tpu.yield
    }) : () -> ()
    %run_scoped3A_16 = arith.constant 0 : i32
    "tpu.region"() ({
      %run_scoped3A_64 = tpu.sem_alloc : memref<!tpu.dma_semaphore, #tpu.memory_space<semaphore_mem>>
      %dma_start3A_65 = arith.constant 0 : i32
      %dma_start3A_66 = arith.constant 0 : i32
      %dma_start3A_67 = tpu.memref_slice %arg4[%add3A, %run_scoped3A_16, %dma_start3A_65, %dma_start3A_66] : memref<32x2x63x80xi32, #tpu.memory_space<hbm>> -> memref<1x1x63x80xi32, #tpu.memory_space<hbm>>
      %dma_start3A_68 = tpu.memref_squeeze %dma_start3A_67 : memref<1x1x63x80xi32, #tpu.memory_space<hbm>> -> memref<63x80xi32, #tpu.memory_space<hbm>>
      %dma_start3A_69 = arith.constant 0 : i32
      %dma_start3A_70 = arith.constant 0 : i32
      %dma_start3A_71 = tpu.memref_slice %arg4[%add3A, %run_scoped3A_16, %dma_start3A_69, %dma_start3A_70] : memref<32x2x63x80xi32, #tpu.memory_space<hbm>> -> memref<1x1x63x80xi32, #tpu.memory_space<hbm>>
      %dma_start3A_72 = tpu.memref_squeeze %dma_start3A_71 : memref<1x1x63x80xi32, #tpu.memory_space<hbm>> -> memref<63x80xi32, #tpu.memory_space<hbm>>
      tpu.enqueue_dma source(%dma_start3A_72 : memref<63x80xi32, #tpu.memory_space<hbm>>) target(%arg7 : memref<63x80xi32, #tpu.memory_space<vmem>>) target_semaphore(%run_scoped3A_64 : memref<!tpu.dma_semaphore, #tpu.memory_space<semaphore_mem>>)
      %dma_wait3A = arith.constant 0 : i32
      %dma_wait3A_73 = arith.constant 0 : i32
      %dma_wait3A_74 = tpu.memref_slice %arg4[%add3A, %run_scoped3A_16, %dma_wait3A, %dma_wait3A_73] : memref<32x2x63x80xi32, #tpu.memory_space<hbm>> -> memref<1x1x63x80xi32, #tpu.memory_space<hbm>>
      %dma_wait3A_75 = tpu.memref_squeeze %dma_wait3A_74 : memref<1x1x63x80xi32, #tpu.memory_space<hbm>> -> memref<63x80xi32, #tpu.memory_space<hbm>>
      %dma_wait3A_76 = arith.constant 0 : i32
      %dma_wait3A_77 = arith.constant 0 : i32
      %dma_wait3A_78 = tpu.memref_slice %arg4[%add3A, %run_scoped3A_16, %dma_wait3A_76, %dma_wait3A_77] : memref<32x2x63x80xi32, #tpu.memory_space<hbm>> -> memref<1x1x63x80xi32, #tpu.memory_space<hbm>>
      %dma_wait3A_79 = tpu.memref_squeeze %dma_wait3A_78 : memref<1x1x63x80xi32, #tpu.memory_space<hbm>> -> memref<63x80xi32, #tpu.memory_space<hbm>>
      tpu.wait_dma2 semaphore(%run_scoped3A_64 : memref<!tpu.dma_semaphore, #tpu.memory_space<semaphore_mem>>) src(%dma_wait3A_79 : memref<63x80xi32, #tpu.memory_space<hbm>>) dst(%arg7 : memref<63x80xi32, #tpu.memory_space<vmem>>)
      tpu.yield
    }) : () -> ()
    %dma_start3A = arith.constant 0 : i32
    %dma_start3A_17 = arith.constant 0 : i32
    %dma_start3A_18 = tpu.memref_slice %arg6[%dma_start3A, %dma_start3A_17] : memref<63x80xi32, #tpu.memory_space<vmem>> -> memref<1x80xi32, #tpu.memory_space<vmem>>
    %dma_start3A_19 = tpu.memref_squeeze %dma_start3A_18 : memref<1x80xi32, #tpu.memory_space<vmem>> -> memref<80xi32, #tpu.memory_space<vmem>>
    %dma_start3A_20 = arith.constant 0 : i32
    %dma_start3A_21 = arith.constant 0 : i32
    %dma_start3A_22 = tpu.memref_slice %arg2[%dma_start3A_20, %dma_start3A_21] : memref<10240x128xf32, #tpu.memory_space<hbm>> -> memref<10240x128xf32, #tpu.memory_space<hbm>>
    tpu.enqueue_indirect_dma source(%dma_start3A_22 : memref<10240x128xf32, #tpu.memory_space<hbm>>) target(%arg8 : memref<80x128xf32, #tpu.memory_space<vmem>>) offsets(%dma_start3A_19 : memref<80xi32, #tpu.memory_space<vmem>>) semaphore(%arg12 : memref<!tpu.dma_semaphore, #tpu.memory_space<semaphore_mem>>)
    %dma_start3A_23 = arith.constant 1 : i32
    %dma_start3A_24 = arith.constant 0 : i32
    %dma_start3A_25 = tpu.memref_slice %arg6[%dma_start3A_23, %dma_start3A_24] : memref<63x80xi32, #tpu.memory_space<vmem>> -> memref<1x80xi32, #tpu.memory_space<vmem>>
    %dma_start3A_26 = tpu.memref_squeeze %dma_start3A_25 : memref<1x80xi32, #tpu.memory_space<vmem>> -> memref<80xi32, #tpu.memory_space<vmem>>
    %dma_start3A_27 = arith.constant 0 : i32
    %dma_start3A_28 = arith.constant 0 : i32
    %dma_start3A_29 = tpu.memref_slice %arg2[%dma_start3A_27, %dma_start3A_28] : memref<10240x128xf32, #tpu.memory_space<hbm>> -> memref<10240x128xf32, #tpu.memory_space<hbm>>
    tpu.enqueue_indirect_dma source(%dma_start3A_29 : memref<10240x128xf32, #tpu.memory_space<hbm>>) target(%arg9 : memref<80x128xf32, #tpu.memory_space<vmem>>) offsets(%dma_start3A_26 : memref<80xi32, #tpu.memory_space<vmem>>) semaphore(%arg13 : memref<!tpu.dma_semaphore, #tpu.memory_space<semaphore_mem>>)
    %barrier3A = arith.constant 0 : index
    tpu.barrier barrier_id(%barrier3A)
    %scan3A_30 = arith.constant 0 : i32
    %scan3A_31 = arith.constant 0 : i32
    %scan3A_32 = arith.constant 21 : i32
    %scan3A_33 = arith.addi %scan3A_31, %scan3A_32 : i32
    %scan3A_34 = arith.constant 1 : i32
    %scan3A_35 = scf.for %scan3A_64 = %scan3A_31 to %scan3A_33 step %scan3A_34 iter_args(%scan3A_65 = %scan3A_30) -> (i32)  : i32 {
      %mul3A_66 = arith.constant 3 : i32
      %mul3A_67 = arith.muli %mul3A_66, %scan3A_64 : i32
      %add3A_68 = arith.constant 0 : i32
      %add3A_69 = arith.addi %mul3A_67, %add3A_68 : i32
      %dma_wait3A = arith.constant 0 : i32
      %dma_wait3A_70 = arith.constant 0 : i32
      %dma_wait3A_71 = tpu.memref_slice %arg2[%dma_wait3A, %dma_wait3A_70] : memref<10240x128xf32, #tpu.memory_space<hbm>> -> memref<80x128xf32, #tpu.memory_space<hbm>>
      %dma_wait3A_72 = arith.constant 0 : i32
      %dma_wait3A_73 = arith.constant 0 : i32
      %dma_wait3A_74 = tpu.memref_slice %arg2[%dma_wait3A_72, %dma_wait3A_73] : memref<10240x128xf32, #tpu.memory_space<hbm>> -> memref<80x128xf32, #tpu.memory_space<hbm>>
      tpu.wait_dma2 semaphore(%arg12 : memref<!tpu.dma_semaphore, #tpu.memory_space<semaphore_mem>>) src(%dma_wait3A_74 : memref<80x128xf32, #tpu.memory_space<hbm>>) dst(%arg8 : memref<80x128xf32, #tpu.memory_space<vmem>>)
      %add3A_75 = arith.constant 2 : i32
      %add3A_76 = arith.addi %add3A_69, %add3A_75 : i32
      %lt3A = arith.constant 63 : i32
      %lt3A_77 = arith.cmpi slt, %add3A_76, %lt3A : i32
      %convert_element_type3A = arith.extui %lt3A_77 : i1 to i32
      %cond3A = arith.constant 0 : i32
      %cond3A_78 = arith.cmpi ne, %convert_element_type3A, %cond3A : i32
      scf.if %cond3A_78 {
        %add3A_114 = arith.constant 2 : i32
        %add3A_115 = arith.addi %add3A_69, %add3A_114 : i32
        %dma_start3A_116 = arith.constant 0 : i32
        %dma_start3A_117 = tpu.memref_slice %arg6[%add3A_115, %dma_start3A_116] : memref<63x80xi32, #tpu.memory_space<vmem>> -> memref<1x80xi32, #tpu.memory_space<vmem>>
        %dma_start3A_118 = tpu.memref_squeeze %dma_start3A_117 : memref<1x80xi32, #tpu.memory_space<vmem>> -> memref<80xi32, #tpu.memory_space<vmem>>
        %dma_start3A_119 = arith.constant 0 : i32
        %dma_start3A_120 = arith.constant 0 : i32
        %dma_start3A_121 = tpu.memref_slice %arg2[%dma_start3A_119, %dma_start3A_120] : memref<10240x128xf32, #tpu.memory_space<hbm>> -> memref<10240x128xf32, #tpu.memory_space<hbm>>
        tpu.enqueue_indirect_dma source(%dma_start3A_121 : memref<10240x128xf32, #tpu.memory_space<hbm>>) target(%arg10 : memref<80x128xf32, #tpu.memory_space<vmem>>) offsets(%dma_start3A_118 : memref<80xi32, #tpu.memory_space<vmem>>) semaphore(%arg14 : memref<!tpu.dma_semaphore, #tpu.memory_space<semaphore_mem>>)
      } else {
      }
      "tpu.region"() ({
        %run_scoped3A_114 = tpu.sem_alloc : memref<!tpu.dma_semaphore, #tpu.memory_space<semaphore_mem>>
        %dma_start3A_115 = arith.constant 0 : i32
        %dma_start3A_116 = tpu.memref_slice %arg7[%add3A_69, %dma_start3A_115] : memref<63x80xi32, #tpu.memory_space<vmem>> -> memref<1x80xi32, #tpu.memory_space<vmem>>
        %dma_start3A_117 = tpu.memref_squeeze %dma_start3A_116 : memref<1x80xi32, #tpu.memory_space<vmem>> -> memref<80xi32, #tpu.memory_space<vmem>>
        %dma_start3A_118 = arith.constant 0 : i32
        %dma_start3A_119 = arith.constant 0 : i32
        %dma_start3A_120 = tpu.memref_slice %arg11[%dma_start3A_118, %dma_start3A_119] : memref<10240x128xf32, #tpu.memory_space<vmem_shared>> -> memref<10240x128xf32, #tpu.memory_space<vmem_shared>>
        tpu.enqueue_indirect_dma source(%arg8 : memref<80x128xf32, #tpu.memory_space<vmem>>) target(%dma_start3A_120 : memref<10240x128xf32, #tpu.memory_space<vmem_shared>>) offsets(%dma_start3A_117 : memref<80xi32, #tpu.memory_space<vmem>>) semaphore(%run_scoped3A_114 : memref<!tpu.dma_semaphore, #tpu.memory_space<semaphore_mem>>) {add = true}
        %dma_wait3A_121 = arith.constant 0 : i32
        %dma_wait3A_122 = tpu.memref_slice %arg7[%add3A_69, %dma_wait3A_121] : memref<63x80xi32, #tpu.memory_space<vmem>> -> memref<1x80xi32, #tpu.memory_space<vmem>>
        %dma_wait3A_123 = tpu.memref_squeeze %dma_wait3A_122 : memref<1x80xi32, #tpu.memory_space<vmem>> -> memref<80xi32, #tpu.memory_space<vmem>>
        %dma_wait3A_124 = arith.constant 0 : i32
        %dma_wait3A_125 = arith.constant 0 : i32
        %dma_wait3A_126 = tpu.memref_slice %arg11[%dma_wait3A_124, %dma_wait3A_125] : memref<10240x128xf32, #tpu.memory_space<vmem_shared>> -> memref<10240x128xf32, #tpu.memory_space<vmem_shared>>
        tpu.wait_indirect_dma semaphore(%run_scoped3A_114 : memref<!tpu.dma_semaphore, #tpu.memory_space<semaphore_mem>>) src(%arg8 : memref<80x128xf32, #tpu.memory_space<vmem>>) dst(%dma_wait3A_126 : memref<10240x128xf32, #tpu.memory_space<vmem_shared>>)
        tpu.yield
      }) : () -> ()
      %mul3A_79 = arith.constant 3 : i32
      %mul3A_80 = arith.muli %mul3A_79, %scan3A_64 : i32
      %add3A_81 = arith.constant 1 : i32
      %add3A_82 = arith.addi %mul3A_80, %add3A_81 : i32
      %dma_wait3A_83 = arith.constant 0 : i32
      %dma_wait3A_84 = arith.constant 0 : i32
      %dma_wait3A_85 = tpu.memref_slice %arg2[%dma_wait3A_83, %dma_wait3A_84] : memref<10240x128xf32, #tpu.memory_space<hbm>> -> memref<80x128xf32, #tpu.memory_space<hbm>>
      %dma_wait3A_86 = arith.constant 0 : i32
      %dma_wait3A_87 = arith.constant 0 : i32
      %dma_wait3A_88 = tpu.memref_slice %arg2[%dma_wait3A_86, %dma_wait3A_87] : memref<10240x128xf32, #tpu.memory_space<hbm>> -> memref<80x128xf32, #tpu.memory_space<hbm>>
      tpu.wait_dma2 semaphore(%arg13 : memref<!tpu.dma_semaphore, #tpu.memory_space<semaphore_mem>>) src(%dma_wait3A_88 : memref<80x128xf32, #tpu.memory_space<hbm>>) dst(%arg9 : memref<80x128xf32, #tpu.memory_space<vmem>>)
      %add3A_89 = arith.constant 2 : i32
      %add3A_90 = arith.addi %add3A_82, %add3A_89 : i32
      %lt3A_91 = arith.constant 63 : i32
      %lt3A_92 = arith.cmpi slt, %add3A_90, %lt3A_91 : i32
      %convert_element_type3A_93 = arith.extui %lt3A_92 : i1 to i32
      %cond3A_94 = arith.constant 0 : i32
      %cond3A_95 = arith.cmpi ne, %convert_element_type3A_93, %cond3A_94 : i32
      scf.if %cond3A_95 {
        %add3A_114 = arith.constant 2 : i32
        %add3A_115 = arith.addi %add3A_82, %add3A_114 : i32
        %dma_start3A_116 = arith.constant 0 : i32
        %dma_start3A_117 = tpu.memref_slice %arg6[%add3A_115, %dma_start3A_116] : memref<63x80xi32, #tpu.memory_space<vmem>> -> memref<1x80xi32, #tpu.memory_space<vmem>>
        %dma_start3A_118 = tpu.memref_squeeze %dma_start3A_117 : memref<1x80xi32, #tpu.memory_space<vmem>> -> memref<80xi32, #tpu.memory_space<vmem>>
        %dma_start3A_119 = arith.constant 0 : i32
        %dma_start3A_120 = arith.constant 0 : i32
        %dma_start3A_121 = tpu.memref_slice %arg2[%dma_start3A_119, %dma_start3A_120] : memref<10240x128xf32, #tpu.memory_space<hbm>> -> memref<10240x128xf32, #tpu.memory_space<hbm>>
        tpu.enqueue_indirect_dma source(%dma_start3A_121 : memref<10240x128xf32, #tpu.memory_space<hbm>>) target(%arg8 : memref<80x128xf32, #tpu.memory_space<vmem>>) offsets(%dma_start3A_118 : memref<80xi32, #tpu.memory_space<vmem>>) semaphore(%arg12 : memref<!tpu.dma_semaphore, #tpu.memory_space<semaphore_mem>>)
      } else {
      }
      "tpu.region"() ({
        %run_scoped3A_114 = tpu.sem_alloc : memref<!tpu.dma_semaphore, #tpu.memory_space<semaphore_mem>>
        %dma_start3A_115 = arith.constant 0 : i32
        %dma_start3A_116 = tpu.memref_slice %arg7[%add3A_82, %dma_start3A_115] : memref<63x80xi32, #tpu.memory_space<vmem>> -> memref<1x80xi32, #tpu.memory_space<vmem>>
        %dma_start3A_117 = tpu.memref_squeeze %dma_start3A_116 : memref<1x80xi32, #tpu.memory_space<vmem>> -> memref<80xi32, #tpu.memory_space<vmem>>
        %dma_start3A_118 = arith.constant 0 : i32
        %dma_start3A_119 = arith.constant 0 : i32
        %dma_start3A_120 = tpu.memref_slice %arg11[%dma_start3A_118, %dma_start3A_119] : memref<10240x128xf32, #tpu.memory_space<vmem_shared>> -> memref<10240x128xf32, #tpu.memory_space<vmem_shared>>
        tpu.enqueue_indirect_dma source(%arg9 : memref<80x128xf32, #tpu.memory_space<vmem>>) target(%dma_start3A_120 : memref<10240x128xf32, #tpu.memory_space<vmem_shared>>) offsets(%dma_start3A_117 : memref<80xi32, #tpu.memory_space<vmem>>) semaphore(%run_scoped3A_114 : memref<!tpu.dma_semaphore, #tpu.memory_space<semaphore_mem>>) {add = true}
        %dma_wait3A_121 = arith.constant 0 : i32
        %dma_wait3A_122 = tpu.memref_slice %arg7[%add3A_82, %dma_wait3A_121] : memref<63x80xi32, #tpu.memory_space<vmem>> -> memref<1x80xi32, #tpu.memory_space<vmem>>
        %dma_wait3A_123 = tpu.memref_squeeze %dma_wait3A_122 : memref<1x80xi32, #tpu.memory_space<vmem>> -> memref<80xi32, #tpu.memory_space<vmem>>
        %dma_wait3A_124 = arith.constant 0 : i32
        %dma_wait3A_125 = arith.constant 0 : i32
        %dma_wait3A_126 = tpu.memref_slice %arg11[%dma_wait3A_124, %dma_wait3A_125] : memref<10240x128xf32, #tpu.memory_space<vmem_shared>> -> memref<10240x128xf32, #tpu.memory_space<vmem_shared>>
        tpu.wait_indirect_dma semaphore(%run_scoped3A_114 : memref<!tpu.dma_semaphore, #tpu.memory_space<semaphore_mem>>) src(%arg9 : memref<80x128xf32, #tpu.memory_space<vmem>>) dst(%dma_wait3A_126 : memref<10240x128xf32, #tpu.memory_space<vmem_shared>>)
        tpu.yield
      }) : () -> ()
      %mul3A_96 = arith.constant 3 : i32
      %mul3A_97 = arith.muli %mul3A_96, %scan3A_64 : i32
      %add3A_98 = arith.constant 2 : i32
      %add3A_99 = arith.addi %mul3A_97, %add3A_98 : i32
      %dma_wait3A_100 = arith.constant 0 : i32
      %dma_wait3A_101 = arith.constant 0 : i32
      %dma_wait3A_102 = tpu.memref_slice %arg2[%dma_wait3A_100, %dma_wait3A_101] : memref<10240x128xf32, #tpu.memory_space<hbm>> -> memref<80x128xf32, #tpu.memory_space<hbm>>
      %dma_wait3A_103 = arith.constant 0 : i32
      %dma_wait3A_104 = arith.constant 0 : i32
      %dma_wait3A_105 = tpu.memref_slice %arg2[%dma_wait3A_103, %dma_wait3A_104] : memref<10240x128xf32, #tpu.memory_space<hbm>> -> memref<80x128xf32, #tpu.memory_space<hbm>>
      tpu.wait_dma2 semaphore(%arg14 : memref<!tpu.dma_semaphore, #tpu.memory_space<semaphore_mem>>) src(%dma_wait3A_105 : memref<80x128xf32, #tpu.memory_space<hbm>>) dst(%arg10 : memref<80x128xf32, #tpu.memory_space<vmem>>)
      %add3A_106 = arith.constant 2 : i32
      %add3A_107 = arith.addi %add3A_99, %add3A_106 : i32
      %lt3A_108 = arith.constant 63 : i32
      %lt3A_109 = arith.cmpi slt, %add3A_107, %lt3A_108 : i32
      %convert_element_type3A_110 = arith.extui %lt3A_109 : i1 to i32
      %cond3A_111 = arith.constant 0 : i32
      %cond3A_112 = arith.cmpi ne, %convert_element_type3A_110, %cond3A_111 : i32
      scf.if %cond3A_112 {
        %add3A_114 = arith.constant 2 : i32
        %add3A_115 = arith.addi %add3A_99, %add3A_114 : i32
        %dma_start3A_116 = arith.constant 0 : i32
        %dma_start3A_117 = tpu.memref_slice %arg6[%add3A_115, %dma_start3A_116] : memref<63x80xi32, #tpu.memory_space<vmem>> -> memref<1x80xi32, #tpu.memory_space<vmem>>
        %dma_start3A_118 = tpu.memref_squeeze %dma_start3A_117 : memref<1x80xi32, #tpu.memory_space<vmem>> -> memref<80xi32, #tpu.memory_space<vmem>>
        %dma_start3A_119 = arith.constant 0 : i32
        %dma_start3A_120 = arith.constant 0 : i32
        %dma_start3A_121 = tpu.memref_slice %arg2[%dma_start3A_119, %dma_start3A_120] : memref<10240x128xf32, #tpu.memory_space<hbm>> -> memref<10240x128xf32, #tpu.memory_space<hbm>>
        tpu.enqueue_indirect_dma source(%dma_start3A_121 : memref<10240x128xf32, #tpu.memory_space<hbm>>) target(%arg9 : memref<80x128xf32, #tpu.memory_space<vmem>>) offsets(%dma_start3A_118 : memref<80xi32, #tpu.memory_space<vmem>>) semaphore(%arg13 : memref<!tpu.dma_semaphore, #tpu.memory_space<semaphore_mem>>)
      } else {
      }
      "tpu.region"() ({
        %run_scoped3A_114 = tpu.sem_alloc : memref<!tpu.dma_semaphore, #tpu.memory_space<semaphore_mem>>
        %dma_start3A_115 = arith.constant 0 : i32
        %dma_start3A_116 = tpu.memref_slice %arg7[%add3A_99, %dma_start3A_115] : memref<63x80xi32, #tpu.memory_space<vmem>> -> memref<1x80xi32, #tpu.memory_space<vmem>>
        %dma_start3A_117 = tpu.memref_squeeze %dma_start3A_116 : memref<1x80xi32, #tpu.memory_space<vmem>> -> memref<80xi32, #tpu.memory_space<vmem>>
        %dma_start3A_118 = arith.constant 0 : i32
        %dma_start3A_119 = arith.constant 0 : i32
        %dma_start3A_120 = tpu.memref_slice %arg11[%dma_start3A_118, %dma_start3A_119] : memref<10240x128xf32, #tpu.memory_space<vmem_shared>> -> memref<10240x128xf32, #tpu.memory_space<vmem_shared>>
        tpu.enqueue_indirect_dma source(%arg10 : memref<80x128xf32, #tpu.memory_space<vmem>>) target(%dma_start3A_120 : memref<10240x128xf32, #tpu.memory_space<vmem_shared>>) offsets(%dma_start3A_117 : memref<80xi32, #tpu.memory_space<vmem>>) semaphore(%run_scoped3A_114 : memref<!tpu.dma_semaphore, #tpu.memory_space<semaphore_mem>>) {add = true}
        %dma_wait3A_121 = arith.constant 0 : i32
        %dma_wait3A_122 = tpu.memref_slice %arg7[%add3A_99, %dma_wait3A_121] : memref<63x80xi32, #tpu.memory_space<vmem>> -> memref<1x80xi32, #tpu.memory_space<vmem>>
        %dma_wait3A_123 = tpu.memref_squeeze %dma_wait3A_122 : memref<1x80xi32, #tpu.memory_space<vmem>> -> memref<80xi32, #tpu.memory_space<vmem>>
        %dma_wait3A_124 = arith.constant 0 : i32
        %dma_wait3A_125 = arith.constant 0 : i32
        %dma_wait3A_126 = tpu.memref_slice %arg11[%dma_wait3A_124, %dma_wait3A_125] : memref<10240x128xf32, #tpu.memory_space<vmem_shared>> -> memref<10240x128xf32, #tpu.memory_space<vmem_shared>>
        tpu.wait_indirect_dma semaphore(%run_scoped3A_114 : memref<!tpu.dma_semaphore, #tpu.memory_space<semaphore_mem>>) src(%arg10 : memref<80x128xf32, #tpu.memory_space<vmem>>) dst(%dma_wait3A_126 : memref<10240x128xf32, #tpu.memory_space<vmem_shared>>)
        tpu.yield
      }) : () -> ()
      %scan3A_113 = arith.constant 0 : i32
      scf.yield %scan3A_113 : i32
    }
    %scan3A_36 = arith.constant 21 : i32
    %run_scoped3A_37 = arith.constant 1 : i32
    "tpu.region"() ({
      %run_scoped3A_64 = tpu.sem_alloc : memref<!tpu.dma_semaphore, #tpu.memory_space<semaphore_mem>>
      %dma_start3A_65 = arith.constant 0 : i32
      %dma_start3A_66 = arith.constant 0 : i32
      %dma_start3A_67 = tpu.memref_slice %arg3[%add3A, %run_scoped3A_37, %dma_start3A_65, %dma_start3A_66] : memref<32x2x63x80xi32, #tpu.memory_space<hbm>> -> memref<1x1x63x80xi32, #tpu.memory_space<hbm>>
      %dma_start3A_68 = tpu.memref_squeeze %dma_start3A_67 : memref<1x1x63x80xi32, #tpu.memory_space<hbm>> -> memref<63x80xi32, #tpu.memory_space<hbm>>
      %dma_start3A_69 = arith.constant 0 : i32
      %dma_start3A_70 = arith.constant 0 : i32
      %dma_start3A_71 = tpu.memref_slice %arg3[%add3A, %run_scoped3A_37, %dma_start3A_69, %dma_start3A_70] : memref<32x2x63x80xi32, #tpu.memory_space<hbm>> -> memref<1x1x63x80xi32, #tpu.memory_space<hbm>>
      %dma_start3A_72 = tpu.memref_squeeze %dma_start3A_71 : memref<1x1x63x80xi32, #tpu.memory_space<hbm>> -> memref<63x80xi32, #tpu.memory_space<hbm>>
      tpu.enqueue_dma source(%dma_start3A_72 : memref<63x80xi32, #tpu.memory_space<hbm>>) target(%arg6 : memref<63x80xi32, #tpu.memory_space<vmem>>) target_semaphore(%run_scoped3A_64 : memref<!tpu.dma_semaphore, #tpu.memory_space<semaphore_mem>>)
      %dma_wait3A = arith.constant 0 : i32
      %dma_wait3A_73 = arith.constant 0 : i32
      %dma_wait3A_74 = tpu.memref_slice %arg3[%add3A, %run_scoped3A_37, %dma_wait3A, %dma_wait3A_73] : memref<32x2x63x80xi32, #tpu.memory_space<hbm>> -> memref<1x1x63x80xi32, #tpu.memory_space<hbm>>
      %dma_wait3A_75 = tpu.memref_squeeze %dma_wait3A_74 : memref<1x1x63x80xi32, #tpu.memory_space<hbm>> -> memref<63x80xi32, #tpu.memory_space<hbm>>
      %dma_wait3A_76 = arith.constant 0 : i32
      %dma_wait3A_77 = arith.constant 0 : i32
      %dma_wait3A_78 = tpu.memref_slice %arg3[%add3A, %run_scoped3A_37, %dma_wait3A_76, %dma_wait3A_77] : memref<32x2x63x80xi32, #tpu.memory_space<hbm>> -> memref<1x1x63x80xi32, #tpu.memory_space<hbm>>
      %dma_wait3A_79 = tpu.memref_squeeze %dma_wait3A_78 : memref<1x1x63x80xi32, #tpu.memory_space<hbm>> -> memref<63x80xi32, #tpu.memory_space<hbm>>
      tpu.wait_dma2 semaphore(%run_scoped3A_64 : memref<!tpu.dma_semaphore, #tpu.memory_space<semaphore_mem>>) src(%dma_wait3A_79 : memref<63x80xi32, #tpu.memory_space<hbm>>) dst(%arg6 : memref<63x80xi32, #tpu.memory_space<vmem>>)
      tpu.yield
    }) : () -> ()
    %run_scoped3A_38 = arith.constant 1 : i32
    "tpu.region"() ({
      %run_scoped3A_64 = tpu.sem_alloc : memref<!tpu.dma_semaphore, #tpu.memory_space<semaphore_mem>>
      %dma_start3A_65 = arith.constant 0 : i32
      %dma_start3A_66 = arith.constant 0 : i32
      %dma_start3A_67 = tpu.memref_slice %arg4[%add3A, %run_scoped3A_38, %dma_start3A_65, %dma_start3A_66] : memref<32x2x63x80xi32, #tpu.memory_space<hbm>> -> memref<1x1x63x80xi32, #tpu.memory_space<hbm>>
      %dma_start3A_68 = tpu.memref_squeeze %dma_start3A_67 : memref<1x1x63x80xi32, #tpu.memory_space<hbm>> -> memref<63x80xi32, #tpu.memory_space<hbm>>
      %dma_start3A_69 = arith.constant 0 : i32
      %dma_start3A_70 = arith.constant 0 : i32
      %dma_start3A_71 = tpu.memref_slice %arg4[%add3A, %run_scoped3A_38, %dma_start3A_69, %dma_start3A_70] : memref<32x2x63x80xi32, #tpu.memory_space<hbm>> -> memref<1x1x63x80xi32, #tpu.memory_space<hbm>>
      %dma_start3A_72 = tpu.memref_squeeze %dma_start3A_71 : memref<1x1x63x80xi32, #tpu.memory_space<hbm>> -> memref<63x80xi32, #tpu.memory_space<hbm>>
      tpu.enqueue_dma source(%dma_start3A_72 : memref<63x80xi32, #tpu.memory_space<hbm>>) target(%arg7 : memref<63x80xi32, #tpu.memory_space<vmem>>) target_semaphore(%run_scoped3A_64 : memref<!tpu.dma_semaphore, #tpu.memory_space<semaphore_mem>>)
      %dma_wait3A = arith.constant 0 : i32
      %dma_wait3A_73 = arith.constant 0 : i32
      %dma_wait3A_74 = tpu.memref_slice %arg4[%add3A, %run_scoped3A_38, %dma_wait3A, %dma_wait3A_73] : memref<32x2x63x80xi32, #tpu.memory_space<hbm>> -> memref<1x1x63x80xi32, #tpu.memory_space<hbm>>
      %dma_wait3A_75 = tpu.memref_squeeze %dma_wait3A_74 : memref<1x1x63x80xi32, #tpu.memory_space<hbm>> -> memref<63x80xi32, #tpu.memory_space<hbm>>
      %dma_wait3A_76 = arith.constant 0 : i32
      %dma_wait3A_77 = arith.constant 0 : i32
      %dma_wait3A_78 = tpu.memref_slice %arg4[%add3A, %run_scoped3A_38, %dma_wait3A_76, %dma_wait3A_77] : memref<32x2x63x80xi32, #tpu.memory_space<hbm>> -> memref<1x1x63x80xi32, #tpu.memory_space<hbm>>
      %dma_wait3A_79 = tpu.memref_squeeze %dma_wait3A_78 : memref<1x1x63x80xi32, #tpu.memory_space<hbm>> -> memref<63x80xi32, #tpu.memory_space<hbm>>
      tpu.wait_dma2 semaphore(%run_scoped3A_64 : memref<!tpu.dma_semaphore, #tpu.memory_space<semaphore_mem>>) src(%dma_wait3A_79 : memref<63x80xi32, #tpu.memory_space<hbm>>) dst(%arg7 : memref<63x80xi32, #tpu.memory_space<vmem>>)
      tpu.yield
    }) : () -> ()
    %dma_start3A_39 = arith.constant 0 : i32
    %dma_start3A_40 = arith.constant 0 : i32
    %dma_start3A_41 = tpu.memref_slice %arg6[%dma_start3A_39, %dma_start3A_40] : memref<63x80xi32, #tpu.memory_space<vmem>> -> memref<1x80xi32, #tpu.memory_space<vmem>>
    %dma_start3A_42 = tpu.memref_squeeze %dma_start3A_41 : memref<1x80xi32, #tpu.memory_space<vmem>> -> memref<80xi32, #tpu.memory_space<vmem>>
    %dma_start3A_43 = arith.constant 0 : i32
    %dma_start3A_44 = arith.constant 0 : i32
    %dma_start3A_45 = tpu.memref_slice %arg2[%dma_start3A_43, %dma_start3A_44] : memref<10240x128xf32, #tpu.memory_space<hbm>> -> memref<10240x128xf32, #tpu.memory_space<hbm>>
    tpu.enqueue_indirect_dma source(%dma_start3A_45 : memref<10240x128xf32, #tpu.memory_space<hbm>>) target(%arg8 : memref<80x128xf32, #tpu.memory_space<vmem>>) offsets(%dma_start3A_42 : memref<80xi32, #tpu.memory_space<vmem>>) semaphore(%arg12 : memref<!tpu.dma_semaphore, #tpu.memory_space<semaphore_mem>>)
    %dma_start3A_46 = arith.constant 1 : i32
    %dma_start3A_47 = arith.constant 0 : i32
    %dma_start3A_48 = tpu.memref_slice %arg6[%dma_start3A_46, %dma_start3A_47] : memref<63x80xi32, #tpu.memory_space<vmem>> -> memref<1x80xi32, #tpu.memory_space<vmem>>
    %dma_start3A_49 = tpu.memref_squeeze %dma_start3A_48 : memref<1x80xi32, #tpu.memory_space<vmem>> -> memref<80xi32, #tpu.memory_space<vmem>>
    %dma_start3A_50 = arith.constant 0 : i32
    %dma_start3A_51 = arith.constant 0 : i32
    %dma_start3A_52 = tpu.memref_slice %arg2[%dma_start3A_50, %dma_start3A_51] : memref<10240x128xf32, #tpu.memory_space<hbm>> -> memref<10240x128xf32, #tpu.memory_space<hbm>>
    tpu.enqueue_indirect_dma source(%dma_start3A_52 : memref<10240x128xf32, #tpu.memory_space<hbm>>) target(%arg9 : memref<80x128xf32, #tpu.memory_space<vmem>>) offsets(%dma_start3A_49 : memref<80xi32, #tpu.memory_space<vmem>>) semaphore(%arg13 : memref<!tpu.dma_semaphore, #tpu.memory_space<semaphore_mem>>)
    %scan3A_53 = arith.constant 0 : i32
    %scan3A_54 = arith.constant 0 : i32
    %scan3A_55 = arith.constant 21 : i32
    %scan3A_56 = arith.addi %scan3A_54, %scan3A_55 : i32
    %scan3A_57 = arith.constant 1 : i32
    %scan3A_58 = scf.for %scan3A_64 = %scan3A_54 to %scan3A_56 step %scan3A_57 iter_args(%scan3A_65 = %scan3A_53) -> (i32)  : i32 {
      %mul3A_66 = arith.constant 3 : i32
      %mul3A_67 = arith.muli %mul3A_66, %scan3A_64 : i32
      %add3A_68 = arith.constant 0 : i32
      %add3A_69 = arith.addi %mul3A_67, %add3A_68 : i32
      %dma_wait3A = arith.constant 0 : i32
      %dma_wait3A_70 = arith.constant 0 : i32
      %dma_wait3A_71 = tpu.memref_slice %arg2[%dma_wait3A, %dma_wait3A_70] : memref<10240x128xf32, #tpu.memory_space<hbm>> -> memref<80x128xf32, #tpu.memory_space<hbm>>
      %dma_wait3A_72 = arith.constant 0 : i32
      %dma_wait3A_73 = arith.constant 0 : i32
      %dma_wait3A_74 = tpu.memref_slice %arg2[%dma_wait3A_72, %dma_wait3A_73] : memref<10240x128xf32, #tpu.memory_space<hbm>> -> memref<80x128xf32, #tpu.memory_space<hbm>>
      tpu.wait_dma2 semaphore(%arg12 : memref<!tpu.dma_semaphore, #tpu.memory_space<semaphore_mem>>) src(%dma_wait3A_74 : memref<80x128xf32, #tpu.memory_space<hbm>>) dst(%arg8 : memref<80x128xf32, #tpu.memory_space<vmem>>)
      %add3A_75 = arith.constant 2 : i32
      %add3A_76 = arith.addi %add3A_69, %add3A_75 : i32
      %lt3A = arith.constant 63 : i32
      %lt3A_77 = arith.cmpi slt, %add3A_76, %lt3A : i32
      %convert_element_type3A = arith.extui %lt3A_77 : i1 to i32
      %cond3A = arith.constant 0 : i32
      %cond3A_78 = arith.cmpi ne, %convert_element_type3A, %cond3A : i32
      scf.if %cond3A_78 {
        %add3A_114 = arith.constant 2 : i32
        %add3A_115 = arith.addi %add3A_69, %add3A_114 : i32
        %dma_start3A_116 = arith.constant 0 : i32
        %dma_start3A_117 = tpu.memref_slice %arg6[%add3A_115, %dma_start3A_116] : memref<63x80xi32, #tpu.memory_space<vmem>> -> memref<1x80xi32, #tpu.memory_space<vmem>>
        %dma_start3A_118 = tpu.memref_squeeze %dma_start3A_117 : memref<1x80xi32, #tpu.memory_space<vmem>> -> memref<80xi32, #tpu.memory_space<vmem>>
        %dma_start3A_119 = arith.constant 0 : i32
        %dma_start3A_120 = arith.constant 0 : i32
        %dma_start3A_121 = tpu.memref_slice %arg2[%dma_start3A_119, %dma_start3A_120] : memref<10240x128xf32, #tpu.memory_space<hbm>> -> memref<10240x128xf32, #tpu.memory_space<hbm>>
        tpu.enqueue_indirect_dma source(%dma_start3A_121 : memref<10240x128xf32, #tpu.memory_space<hbm>>) target(%arg10 : memref<80x128xf32, #tpu.memory_space<vmem>>) offsets(%dma_start3A_118 : memref<80xi32, #tpu.memory_space<vmem>>) semaphore(%arg14 : memref<!tpu.dma_semaphore, #tpu.memory_space<semaphore_mem>>)
      } else {
      }
      "tpu.region"() ({
        %run_scoped3A_114 = tpu.sem_alloc : memref<!tpu.dma_semaphore, #tpu.memory_space<semaphore_mem>>
        %dma_start3A_115 = arith.constant 0 : i32
        %dma_start3A_116 = tpu.memref_slice %arg7[%add3A_69, %dma_start3A_115] : memref<63x80xi32, #tpu.memory_space<vmem>> -> memref<1x80xi32, #tpu.memory_space<vmem>>
        %dma_start3A_117 = tpu.memref_squeeze %dma_start3A_116 : memref<1x80xi32, #tpu.memory_space<vmem>> -> memref<80xi32, #tpu.memory_space<vmem>>
        %dma_start3A_118 = arith.constant 0 : i32
        %dma_start3A_119 = arith.constant 0 : i32
        %dma_start3A_120 = tpu.memref_slice %arg11[%dma_start3A_118, %dma_start3A_119] : memref<10240x128xf32, #tpu.memory_space<vmem_shared>> -> memref<10240x128xf32, #tpu.memory_space<vmem_shared>>
        tpu.enqueue_indirect_dma source(%arg8 : memref<80x128xf32, #tpu.memory_space<vmem>>) target(%dma_start3A_120 : memref<10240x128xf32, #tpu.memory_space<vmem_shared>>) offsets(%dma_start3A_117 : memref<80xi32, #tpu.memory_space<vmem>>) semaphore(%run_scoped3A_114 : memref<!tpu.dma_semaphore, #tpu.memory_space<semaphore_mem>>) {add = true}
        %dma_wait3A_121 = arith.constant 0 : i32
        %dma_wait3A_122 = tpu.memref_slice %arg7[%add3A_69, %dma_wait3A_121] : memref<63x80xi32, #tpu.memory_space<vmem>> -> memref<1x80xi32, #tpu.memory_space<vmem>>
        %dma_wait3A_123 = tpu.memref_squeeze %dma_wait3A_122 : memref<1x80xi32, #tpu.memory_space<vmem>> -> memref<80xi32, #tpu.memory_space<vmem>>
        %dma_wait3A_124 = arith.constant 0 : i32
        %dma_wait3A_125 = arith.constant 0 : i32
        %dma_wait3A_126 = tpu.memref_slice %arg11[%dma_wait3A_124, %dma_wait3A_125] : memref<10240x128xf32, #tpu.memory_space<vmem_shared>> -> memref<10240x128xf32, #tpu.memory_space<vmem_shared>>
        tpu.wait_indirect_dma semaphore(%run_scoped3A_114 : memref<!tpu.dma_semaphore, #tpu.memory_space<semaphore_mem>>) src(%arg8 : memref<80x128xf32, #tpu.memory_space<vmem>>) dst(%dma_wait3A_126 : memref<10240x128xf32, #tpu.memory_space<vmem_shared>>)
        tpu.yield
      }) : () -> ()
      %mul3A_79 = arith.constant 3 : i32
      %mul3A_80 = arith.muli %mul3A_79, %scan3A_64 : i32
      %add3A_81 = arith.constant 1 : i32
      %add3A_82 = arith.addi %mul3A_80, %add3A_81 : i32
      %dma_wait3A_83 = arith.constant 0 : i32
      %dma_wait3A_84 = arith.constant 0 : i32
      %dma_wait3A_85 = tpu.memref_slice %arg2[%dma_wait3A_83, %dma_wait3A_84] : memref<10240x128xf32, #tpu.memory_space<hbm>> -> memref<80x128xf32, #tpu.memory_space<hbm>>
      %dma_wait3A_86 = arith.constant 0 : i32
      %dma_wait3A_87 = arith.constant 0 : i32
      %dma_wait3A_88 = tpu.memref_slice %arg2[%dma_wait3A_86, %dma_wait3A_87] : memref<10240x128xf32, #tpu.memory_space<hbm>> -> memref<80x128xf32, #tpu.memory_space<hbm>>
      tpu.wait_dma2 semaphore(%arg13 : memref<!tpu.dma_semaphore, #tpu.memory_space<semaphore_mem>>) src(%dma_wait3A_88 : memref<80x128xf32, #tpu.memory_space<hbm>>) dst(%arg9 : memref<80x128xf32, #tpu.memory_space<vmem>>)
      %add3A_89 = arith.constant 2 : i32
      %add3A_90 = arith.addi %add3A_82, %add3A_89 : i32
      %lt3A_91 = arith.constant 63 : i32
      %lt3A_92 = arith.cmpi slt, %add3A_90, %lt3A_91 : i32
      %convert_element_type3A_93 = arith.extui %lt3A_92 : i1 to i32
      %cond3A_94 = arith.constant 0 : i32
      %cond3A_95 = arith.cmpi ne, %convert_element_type3A_93, %cond3A_94 : i32
      scf.if %cond3A_95 {
        %add3A_114 = arith.constant 2 : i32
        %add3A_115 = arith.addi %add3A_82, %add3A_114 : i32
        %dma_start3A_116 = arith.constant 0 : i32
        %dma_start3A_117 = tpu.memref_slice %arg6[%add3A_115, %dma_start3A_116] : memref<63x80xi32, #tpu.memory_space<vmem>> -> memref<1x80xi32, #tpu.memory_space<vmem>>
        %dma_start3A_118 = tpu.memref_squeeze %dma_start3A_117 : memref<1x80xi32, #tpu.memory_space<vmem>> -> memref<80xi32, #tpu.memory_space<vmem>>
        %dma_start3A_119 = arith.constant 0 : i32
        %dma_start3A_120 = arith.constant 0 : i32
        %dma_start3A_121 = tpu.memref_slice %arg2[%dma_start3A_119, %dma_start3A_120] : memref<10240x128xf32, #tpu.memory_space<hbm>> -> memref<10240x128xf32, #tpu.memory_space<hbm>>
        tpu.enqueue_indirect_dma source(%dma_start3A_121 : memref<10240x128xf32, #tpu.memory_space<hbm>>) target(%arg8 : memref<80x128xf32, #tpu.memory_space<vmem>>) offsets(%dma_start3A_118 : memref<80xi32, #tpu.memory_space<vmem>>) semaphore(%arg12 : memref<!tpu.dma_semaphore, #tpu.memory_space<semaphore_mem>>)
      } else {
      }
      "tpu.region"() ({
        %run_scoped3A_114 = tpu.sem_alloc : memref<!tpu.dma_semaphore, #tpu.memory_space<semaphore_mem>>
        %dma_start3A_115 = arith.constant 0 : i32
        %dma_start3A_116 = tpu.memref_slice %arg7[%add3A_82, %dma_start3A_115] : memref<63x80xi32, #tpu.memory_space<vmem>> -> memref<1x80xi32, #tpu.memory_space<vmem>>
        %dma_start3A_117 = tpu.memref_squeeze %dma_start3A_116 : memref<1x80xi32, #tpu.memory_space<vmem>> -> memref<80xi32, #tpu.memory_space<vmem>>
        %dma_start3A_118 = arith.constant 0 : i32
        %dma_start3A_119 = arith.constant 0 : i32
        %dma_start3A_120 = tpu.memref_slice %arg11[%dma_start3A_118, %dma_start3A_119] : memref<10240x128xf32, #tpu.memory_space<vmem_shared>> -> memref<10240x128xf32, #tpu.memory_space<vmem_shared>>
        tpu.enqueue_indirect_dma source(%arg9 : memref<80x128xf32, #tpu.memory_space<vmem>>) target(%dma_start3A_120 : memref<10240x128xf32, #tpu.memory_space<vmem_shared>>) offsets(%dma_start3A_117 : memref<80xi32, #tpu.memory_space<vmem>>) semaphore(%run_scoped3A_114 : memref<!tpu.dma_semaphore, #tpu.memory_space<semaphore_mem>>) {add = true}
        %dma_wait3A_121 = arith.constant 0 : i32
        %dma_wait3A_122 = tpu.memref_slice %arg7[%add3A_82, %dma_wait3A_121] : memref<63x80xi32, #tpu.memory_space<vmem>> -> memref<1x80xi32, #tpu.memory_space<vmem>>
        %dma_wait3A_123 = tpu.memref_squeeze %dma_wait3A_122 : memref<1x80xi32, #tpu.memory_space<vmem>> -> memref<80xi32, #tpu.memory_space<vmem>>
        %dma_wait3A_124 = arith.constant 0 : i32
        %dma_wait3A_125 = arith.constant 0 : i32
        %dma_wait3A_126 = tpu.memref_slice %arg11[%dma_wait3A_124, %dma_wait3A_125] : memref<10240x128xf32, #tpu.memory_space<vmem_shared>> -> memref<10240x128xf32, #tpu.memory_space<vmem_shared>>
        tpu.wait_indirect_dma semaphore(%run_scoped3A_114 : memref<!tpu.dma_semaphore, #tpu.memory_space<semaphore_mem>>) src(%arg9 : memref<80x128xf32, #tpu.memory_space<vmem>>) dst(%dma_wait3A_126 : memref<10240x128xf32, #tpu.memory_space<vmem_shared>>)
        tpu.yield
      }) : () -> ()
      %mul3A_96 = arith.constant 3 : i32
      %mul3A_97 = arith.muli %mul3A_96, %scan3A_64 : i32
      %add3A_98 = arith.constant 2 : i32
      %add3A_99 = arith.addi %mul3A_97, %add3A_98 : i32
      %dma_wait3A_100 = arith.constant 0 : i32
      %dma_wait3A_101 = arith.constant 0 : i32
      %dma_wait3A_102 = tpu.memref_slice %arg2[%dma_wait3A_100, %dma_wait3A_101] : memref<10240x128xf32, #tpu.memory_space<hbm>> -> memref<80x128xf32, #tpu.memory_space<hbm>>
      %dma_wait3A_103 = arith.constant 0 : i32
      %dma_wait3A_104 = arith.constant 0 : i32
      %dma_wait3A_105 = tpu.memref_slice %arg2[%dma_wait3A_103, %dma_wait3A_104] : memref<10240x128xf32, #tpu.memory_space<hbm>> -> memref<80x128xf32, #tpu.memory_space<hbm>>
      tpu.wait_dma2 semaphore(%arg14 : memref<!tpu.dma_semaphore, #tpu.memory_space<semaphore_mem>>) src(%dma_wait3A_105 : memref<80x128xf32, #tpu.memory_space<hbm>>) dst(%arg10 : memref<80x128xf32, #tpu.memory_space<vmem>>)
      %add3A_106 = arith.constant 2 : i32
      %add3A_107 = arith.addi %add3A_99, %add3A_106 : i32
      %lt3A_108 = arith.constant 63 : i32
      %lt3A_109 = arith.cmpi slt, %add3A_107, %lt3A_108 : i32
      %convert_element_type3A_110 = arith.extui %lt3A_109 : i1 to i32
      %cond3A_111 = arith.constant 0 : i32
      %cond3A_112 = arith.cmpi ne, %convert_element_type3A_110, %cond3A_111 : i32
      scf.if %cond3A_112 {
        %add3A_114 = arith.constant 2 : i32
        %add3A_115 = arith.addi %add3A_99, %add3A_114 : i32
        %dma_start3A_116 = arith.constant 0 : i32
        %dma_start3A_117 = tpu.memref_slice %arg6[%add3A_115, %dma_start3A_116] : memref<63x80xi32, #tpu.memory_space<vmem>> -> memref<1x80xi32, #tpu.memory_space<vmem>>
        %dma_start3A_118 = tpu.memref_squeeze %dma_start3A_117 : memref<1x80xi32, #tpu.memory_space<vmem>> -> memref<80xi32, #tpu.memory_space<vmem>>
        %dma_start3A_119 = arith.constant 0 : i32
        %dma_start3A_120 = arith.constant 0 : i32
        %dma_start3A_121 = tpu.memref_slice %arg2[%dma_start3A_119, %dma_start3A_120] : memref<10240x128xf32, #tpu.memory_space<hbm>> -> memref<10240x128xf32, #tpu.memory_space<hbm>>
        tpu.enqueue_indirect_dma source(%dma_start3A_121 : memref<10240x128xf32, #tpu.memory_space<hbm>>) target(%arg9 : memref<80x128xf32, #tpu.memory_space<vmem>>) offsets(%dma_start3A_118 : memref<80xi32, #tpu.memory_space<vmem>>) semaphore(%arg13 : memref<!tpu.dma_semaphore, #tpu.memory_space<semaphore_mem>>)
      } else {
      }
      "tpu.region"() ({
        %run_scoped3A_114 = tpu.sem_alloc : memref<!tpu.dma_semaphore, #tpu.memory_space<semaphore_mem>>
        %dma_start3A_115 = arith.constant 0 : i32
        %dma_start3A_116 = tpu.memref_slice %arg7[%add3A_99, %dma_start3A_115] : memref<63x80xi32, #tpu.memory_space<vmem>> -> memref<1x80xi32, #tpu.memory_space<vmem>>
        %dma_start3A_117 = tpu.memref_squeeze %dma_start3A_116 : memref<1x80xi32, #tpu.memory_space<vmem>> -> memref<80xi32, #tpu.memory_space<vmem>>
        %dma_start3A_118 = arith.constant 0 : i32
        %dma_start3A_119 = arith.constant 0 : i32
        %dma_start3A_120 = tpu.memref_slice %arg11[%dma_start3A_118, %dma_start3A_119] : memref<10240x128xf32, #tpu.memory_space<vmem_shared>> -> memref<10240x128xf32, #tpu.memory_space<vmem_shared>>
        tpu.enqueue_indirect_dma source(%arg10 : memref<80x128xf32, #tpu.memory_space<vmem>>) target(%dma_start3A_120 : memref<10240x128xf32, #tpu.memory_space<vmem_shared>>) offsets(%dma_start3A_117 : memref<80xi32, #tpu.memory_space<vmem>>) semaphore(%run_scoped3A_114 : memref<!tpu.dma_semaphore, #tpu.memory_space<semaphore_mem>>) {add = true}
        %dma_wait3A_121 = arith.constant 0 : i32
        %dma_wait3A_122 = tpu.memref_slice %arg7[%add3A_99, %dma_wait3A_121] : memref<63x80xi32, #tpu.memory_space<vmem>> -> memref<1x80xi32, #tpu.memory_space<vmem>>
        %dma_wait3A_123 = tpu.memref_squeeze %dma_wait3A_122 : memref<1x80xi32, #tpu.memory_space<vmem>> -> memref<80xi32, #tpu.memory_space<vmem>>
        %dma_wait3A_124 = arith.constant 0 : i32
        %dma_wait3A_125 = arith.constant 0 : i32
        %dma_wait3A_126 = tpu.memref_slice %arg11[%dma_wait3A_124, %dma_wait3A_125] : memref<10240x128xf32, #tpu.memory_space<vmem_shared>> -> memref<10240x128xf32, #tpu.memory_space<vmem_shared>>
        tpu.wait_indirect_dma semaphore(%run_scoped3A_114 : memref<!tpu.dma_semaphore, #tpu.memory_space<semaphore_mem>>) src(%arg10 : memref<80x128xf32, #tpu.memory_space<vmem>>) dst(%dma_wait3A_126 : memref<10240x128xf32, #tpu.memory_space<vmem_shared>>)
        tpu.yield
      }) : () -> ()
      %scan3A_113 = arith.constant 0 : i32
      scf.yield %scan3A_113 : i32
    }
    %scan3A_59 = arith.constant 21 : i32
    %barrier3A_60 = arith.constant 0 : index
    tpu.barrier barrier_id(%barrier3A_60)
    %mul3A_61 = arith.constant 10240 : i32
    %mul3A_62 = arith.muli %arg0, %mul3A_61 : i32
    %add3A_63 = arith.addi %mul3A_62, %mul3A_8 : i32
    "tpu.region"() ({
      %run_scoped3A_64 = tpu.sem_alloc : memref<!tpu.dma_semaphore, #tpu.memory_space<semaphore_mem>>
      %dma_start3A_65 = arith.constant 0 : i32
      %dma_start3A_66 = tpu.memref_slice %arg5[%add3A_63, %dma_start3A_65] : memref<20480x128xf32, #tpu.memory_space<hbm>> -> memref<640x128xf32, #tpu.memory_space<hbm>>
      %dma_start3A_67 = arith.constant 0 : i32
      %dma_start3A_68 = tpu.memref_slice %arg11[%mul3A_8, %dma_start3A_67] : memref<10240x128xf32, #tpu.memory_space<vmem_shared>> -> memref<640x128xf32, #tpu.memory_space<vmem_shared>>
      tpu.enqueue_dma source(%dma_start3A_68 : memref<640x128xf32, #tpu.memory_space<vmem_shared>>) target(%dma_start3A_66 : memref<640x128xf32, #tpu.memory_space<hbm>>) target_semaphore(%run_scoped3A_64 : memref<!tpu.dma_semaphore, #tpu.memory_space<semaphore_mem>>)
      %dma_wait3A = arith.constant 0 : i32
      %dma_wait3A_69 = tpu.memref_slice %arg5[%add3A_63, %dma_wait3A] : memref<20480x128xf32, #tpu.memory_space<hbm>> -> memref<640x128xf32, #tpu.memory_space<hbm>>
      %dma_wait3A_70 = arith.constant 0 : i32
      %dma_wait3A_71 = tpu.memref_slice %arg11[%mul3A_8, %dma_wait3A_70] : memref<10240x128xf32, #tpu.memory_space<vmem_shared>> -> memref<640x128xf32, #tpu.memory_space<vmem_shared>>
      tpu.wait_dma2 semaphore(%run_scoped3A_64 : memref<!tpu.dma_semaphore, #tpu.memory_space<semaphore_mem>>) src(%dma_wait3A_71 : memref<640x128xf32, #tpu.memory_space<vmem_shared>>) dst(%dma_wait3A_69 : memref<640x128xf32, #tpu.memory_space<hbm>>)
      tpu.yield
    }) : () -> ()
    return
  }
}

#map = affine_map<(d0, d1) -> (0, 0)>
#map1 = affine_map<(d0, d1) -> (0, 0, 0, 0)>
module attributes {stable_mosaic.version = 14 : i64} {
  func.func @agg_k(%arg0: i32, %arg1: i32, %arg2: memref<10240x128xf32, #tpu.memory_space<hbm>>, %arg3: memref<32x2x63x80xi32, #tpu.memory_space<hbm>>, %arg4: memref<32x2x63x80xi32, #tpu.memory_space<hbm>>, %arg5: memref<20480x128xf32, #tpu.memory_space<hbm>>, %arg6: memref<63x80xi32, #tpu.memory_space<vmem>>, %arg7: memref<63x80xi32, #tpu.memory_space<vmem>>, %arg8: memref<80x128xf32, #tpu.memory_space<vmem>>, %arg9: memref<80x128xf32, #tpu.memory_space<vmem>>, %arg10: memref<80x128xf32, #tpu.memory_space<vmem>>, %arg11: memref<10240x128xf32, #tpu.memory_space<vmem_shared>>, %arg12: memref<!tpu.dma_semaphore, #tpu.memory_space<semaphore_mem>>, %arg13: memref<!tpu.dma_semaphore, #tpu.memory_space<semaphore_mem>>, %arg14: memref<!tpu.dma_semaphore, #tpu.memory_space<semaphore_mem>>) attributes {dimension_semantics = [#tpu.dimension_semantics<core_parallel>, #tpu.dimension_semantics<subcore_parallel>], iteration_bounds = array<i64: 2, 16>, scalar_prefetch = 0 : i64, scratch_operands = 9 : i64, tpu.core_type = #tpu.core_type<sc_vector_subcore>, window_params = [{transform_indices = #map}, {transform_indices = #map1}, {transform_indices = #map1}, {transform_indices = #map}]} {
    %mul3A = arith.constant 16 : i32
    %mul3A_0 = arith.muli %arg0, %mul3A : i32
    %add3A = arith.addi %mul3A_0, %arg1 : i32
    %scan3A = arith.constant 0 : i32
    %scan3A_1 = arith.constant 0 : i32
    %scan3A_2 = arith.constant 80 : i32
    %scan3A_3 = arith.addi %scan3A_1, %scan3A_2 : i32
    %scan3A_4 = arith.constant 1 : i32
    %scan3A_5 = scf.for %scan3A_64 = %scan3A_1 to %scan3A_3 step %scan3A_4 iter_args(%scan3A_65 = %scan3A) -> (i32)  : i32 {
      %broadcast_in_dim3A = arith.constant 0.000000e+00 : f32
      %broadcast_in_dim3A_66 = vector.broadcast %broadcast_in_dim3A : f32 to vector<16xf32>
      %swap3A = arith.index_cast %scan3A_64 : i32 to index
      %swap3A_67 = arith.constant 0 : index
      %swap3A_68 = tpu.vector_load %arg8[%swap3A, %swap3A_67] {strides = array<i32>} : memref<80x128xf32, #tpu.memory_space<vmem>>, vector<1x16xf32>,
      %swap3A_69 = vector.shape_cast %swap3A_68 : vector<1x16xf32> to vector<16xf32>
      %swap3A_70 = vector.shape_cast %broadcast_in_dim3A_66 : vector<16xf32> to vector<1x16xf32>
      tpu.vector_store %arg8[%swap3A, %swap3A_67], %swap3A_70 {strides = array<i32>} : memref<80x128xf32, #tpu.memory_space<vmem>>, vector<1x16xf32>,
      %broadcast_in_dim3A_71 = arith.constant 0.000000e+00 : f32
      %broadcast_in_dim3A_72 = vector.broadcast %broadcast_in_dim3A_71 : f32 to vector<16xf32>
      %swap3A_73 = arith.index_cast %scan3A_64 : i32 to index
      %swap3A_74 = arith.constant 16 : index
      %swap3A_75 = tpu.vector_load %arg8[%swap3A_73, %swap3A_74] {strides = array<i32>} : memref<80x128xf32, #tpu.memory_space<vmem>>, vector<1x16xf32>,
      %swap3A_76 = vector.shape_cast %swap3A_75 : vector<1x16xf32> to vector<16xf32>
      %swap3A_77 = vector.shape_cast %broadcast_in_dim3A_72 : vector<16xf32> to vector<1x16xf32>
      tpu.vector_store %arg8[%swap3A_73, %swap3A_74], %swap3A_77 {strides = array<i32>} : memref<80x128xf32, #tpu.memory_space<vmem>>, vector<1x16xf32>,
      %broadcast_in_dim3A_78 = arith.constant 0.000000e+00 : f32
      %broadcast_in_dim3A_79 = vector.broadcast %broadcast_in_dim3A_78 : f32 to vector<16xf32>
      %swap3A_80 = arith.index_cast %scan3A_64 : i32 to index
      %swap3A_81 = arith.constant 32 : index
      %swap3A_82 = tpu.vector_load %arg8[%swap3A_80, %swap3A_81] {strides = array<i32>} : memref<80x128xf32, #tpu.memory_space<vmem>>, vector<1x16xf32>,
      %swap3A_83 = vector.shape_cast %swap3A_82 : vector<1x16xf32> to vector<16xf32>
      %swap3A_84 = vector.shape_cast %broadcast_in_dim3A_79 : vector<16xf32> to vector<1x16xf32>
      tpu.vector_store %arg8[%swap3A_80, %swap3A_81], %swap3A_84 {strides = array<i32>} : memref<80x128xf32, #tpu.memory_space<vmem>>, vector<1x16xf32>,
      %broadcast_in_dim3A_85 = arith.constant 0.000000e+00 : f32
      %broadcast_in_dim3A_86 = vector.broadcast %broadcast_in_dim3A_85 : f32 to vector<16xf32>
      %swap3A_87 = arith.index_cast %scan3A_64 : i32 to index
      %swap3A_88 = arith.constant 48 : index
      %swap3A_89 = tpu.vector_load %arg8[%swap3A_87, %swap3A_88] {strides = array<i32>} : memref<80x128xf32, #tpu.memory_space<vmem>>, vector<1x16xf32>,
      %swap3A_90 = vector.shape_cast %swap3A_89 : vector<1x16xf32> to vector<16xf32>
      %swap3A_91 = vector.shape_cast %broadcast_in_dim3A_86 : vector<16xf32> to vector<1x16xf32>
      tpu.vector_store %arg8[%swap3A_87, %swap3A_88], %swap3A_91 {strides = array<i32>} : memref<80x128xf32, #tpu.memory_space<vmem>>, vector<1x16xf32>,
      %broadcast_in_dim3A_92 = arith.constant 0.000000e+00 : f32
      %broadcast_in_dim3A_93 = vector.broadcast %broadcast_in_dim3A_92 : f32 to vector<16xf32>
      %swap3A_94 = arith.index_cast %scan3A_64 : i32 to index
      %swap3A_95 = arith.constant 64 : index
      %swap3A_96 = tpu.vector_load %arg8[%swap3A_94, %swap3A_95] {strides = array<i32>} : memref<80x128xf32, #tpu.memory_space<vmem>>, vector<1x16xf32>,
      %swap3A_97 = vector.shape_cast %swap3A_96 : vector<1x16xf32> to vector<16xf32>
      %swap3A_98 = vector.shape_cast %broadcast_in_dim3A_93 : vector<16xf32> to vector<1x16xf32>
      tpu.vector_store %arg8[%swap3A_94, %swap3A_95], %swap3A_98 {strides = array<i32>} : memref<80x128xf32, #tpu.memory_space<vmem>>, vector<1x16xf32>,
      %broadcast_in_dim3A_99 = arith.constant 0.000000e+00 : f32
      %broadcast_in_dim3A_100 = vector.broadcast %broadcast_in_dim3A_99 : f32 to vector<16xf32>
      %swap3A_101 = arith.index_cast %scan3A_64 : i32 to index
      %swap3A_102 = arith.constant 80 : index
      %swap3A_103 = tpu.vector_load %arg8[%swap3A_101, %swap3A_102] {strides = array<i32>} : memref<80x128xf32, #tpu.memory_space<vmem>>, vector<1x16xf32>,
      %swap3A_104 = vector.shape_cast %swap3A_103 : vector<1x16xf32> to vector<16xf32>
      %swap3A_105 = vector.shape_cast %broadcast_in_dim3A_100 : vector<16xf32> to vector<1x16xf32>
      tpu.vector_store %arg8[%swap3A_101, %swap3A_102], %swap3A_105 {strides = array<i32>} : memref<80x128xf32, #tpu.memory_space<vmem>>, vector<1x16xf32>,
      %broadcast_in_dim3A_106 = arith.constant 0.000000e+00 : f32
      %broadcast_in_dim3A_107 = vector.broadcast %broadcast_in_dim3A_106 : f32 to vector<16xf32>
      %swap3A_108 = arith.index_cast %scan3A_64 : i32 to index
      %swap3A_109 = arith.constant 96 : index
      %swap3A_110 = tpu.vector_load %arg8[%swap3A_108, %swap3A_109] {strides = array<i32>} : memref<80x128xf32, #tpu.memory_space<vmem>>, vector<1x16xf32>,
      %swap3A_111 = vector.shape_cast %swap3A_110 : vector<1x16xf32> to vector<16xf32>
      %swap3A_112 = vector.shape_cast %broadcast_in_dim3A_107 : vector<16xf32> to vector<1x16xf32>
      tpu.vector_store %arg8[%swap3A_108, %swap3A_109], %swap3A_112 {strides = array<i32>} : memref<80x128xf32, #tpu.memory_space<vmem>>, vector<1x16xf32>,
      %broadcast_in_dim3A_113 = arith.constant 0.000000e+00 : f32
      %broadcast_in_dim3A_114 = vector.broadcast %broadcast_in_dim3A_113 : f32 to vector<16xf32>
      %swap3A_115 = arith.index_cast %scan3A_64 : i32 to index
      %swap3A_116 = arith.constant 112 : index
      %swap3A_117 = tpu.vector_load %arg8[%swap3A_115, %swap3A_116] {strides = array<i32>} : memref<80x128xf32, #tpu.memory_space<vmem>>, vector<1x16xf32>,
      %swap3A_118 = vector.shape_cast %swap3A_117 : vector<1x16xf32> to vector<16xf32>
      %swap3A_119 = vector.shape_cast %broadcast_in_dim3A_114 : vector<16xf32> to vector<1x16xf32>
      tpu.vector_store %arg8[%swap3A_115, %swap3A_116], %swap3A_119 {strides = array<i32>} : memref<80x128xf32, #tpu.memory_space<vmem>>, vector<1x16xf32>,
      %scan3A_120 = arith.constant 0 : i32
      scf.yield %scan3A_120 : i32
    }
    %scan3A_6 = arith.constant 80 : i32
    %mul3A_7 = arith.constant 640 : i32
    %mul3A_8 = arith.muli %arg1, %mul3A_7 : i32
    %scan3A_9 = arith.constant 0 : i32
    %scan3A_10 = arith.constant 0 : i32
    %scan3A_11 = arith.constant 8 : i32
    %scan3A_12 = arith.addi %scan3A_10, %scan3A_11 : i32
    %scan3A_13 = arith.constant 1 : i32
    %scan3A_14 = scf.for %scan3A_64 = %scan3A_10 to %scan3A_12 step %scan3A_13 iter_args(%scan3A_65 = %scan3A_9) -> (i32)  : i32 {
      %mul3A_66 = arith.constant 80 : i32
      %mul3A_67 = arith.muli %scan3A_64, %mul3A_66 : i32
      %add3A_68 = arith.addi %mul3A_8, %mul3A_67 : i32
      "tpu.region"() ({
        %run_scoped3A_70 = tpu.sem_alloc : memref<!tpu.dma_semaphore, #tpu.memory_space<semaphore_mem>>
        %dma_start3A_71 = arith.constant 0 : i32
        %dma_start3A_72 = tpu.memref_slice %arg11[%add3A_68, %dma_start3A_71] : memref<10240x128xf32, #tpu.memory_space<vmem_shared>> -> memref<80x128xf32, #tpu.memory_space<vmem_shared>>
        %dma_start3A_73 = arith.constant 0 : i32
        %dma_start3A_74 = tpu.memref_slice %arg11[%add3A_68, %dma_start3A_73] : memref<10240x128xf32, #tpu.memory_space<vmem_shared>> -> memref<80x128xf32, #tpu.memory_space<vmem_shared>>
        tpu.enqueue_dma source(%arg8 : memref<80x128xf32, #tpu.memory_space<vmem>>) target(%dma_start3A_74 : memref<80x128xf32, #tpu.memory_space<vmem_shared>>) target_semaphore(%run_scoped3A_70 : memref<!tpu.dma_semaphore, #tpu.memory_space<semaphore_mem>>)
        %dma_wait3A = arith.constant 0 : i32
        %dma_wait3A_75 = tpu.memref_slice %arg11[%add3A_68, %dma_wait3A] : memref<10240x128xf32, #tpu.memory_space<vmem_shared>> -> memref<80x128xf32, #tpu.memory_space<vmem_shared>>
        %dma_wait3A_76 = arith.constant 0 : i32
        %dma_wait3A_77 = tpu.memref_slice %arg11[%add3A_68, %dma_wait3A_76] : memref<10240x128xf32, #tpu.memory_space<vmem_shared>> -> memref<80x128xf32, #tpu.memory_space<vmem_shared>>
        tpu.wait_dma2 semaphore(%run_scoped3A_70 : memref<!tpu.dma_semaphore, #tpu.memory_space<semaphore_mem>>) src(%arg8 : memref<80x128xf32, #tpu.memory_space<vmem>>) dst(%dma_wait3A_77 : memref<80x128xf32, #tpu.memory_space<vmem_shared>>)
        tpu.yield
      }) : () -> ()
      %scan3A_69 = arith.constant 0 : i32
      scf.yield %scan3A_69 : i32
    }
    %scan3A_15 = arith.constant 8 : i32
    %run_scoped3A = arith.constant 0 : i32
    "tpu.region"() ({
      %run_scoped3A_64 = tpu.sem_alloc : memref<!tpu.dma_semaphore, #tpu.memory_space<semaphore_mem>>
      %dma_start3A_65 = arith.constant 0 : i32
      %dma_start3A_66 = arith.constant 0 : i32
      %dma_start3A_67 = tpu.memref_slice %arg3[%add3A, %run_scoped3A, %dma_start3A_65, %dma_start3A_66] : memref<32x2x63x80xi32, #tpu.memory_space<hbm>> -> memref<1x1x63x80xi32, #tpu.memory_space<hbm>>
      %dma_start3A_68 = tpu.memref_squeeze %dma_start3A_67 : memref<1x1x63x80xi32, #tpu.memory_space<hbm>> -> memref<63x80xi32, #tpu.memory_space<hbm>>
      %dma_start3A_69 = arith.constant 0 : i32
      %dma_start3A_70 = arith.constant 0 : i32
      %dma_start3A_71 = tpu.memref_slice %arg3[%add3A, %run_scoped3A, %dma_start3A_69, %dma_start3A_70] : memref<32x2x63x80xi32, #tpu.memory_space<hbm>> -> memref<1x1x63x80xi32, #tpu.memory_space<hbm>>
      %dma_start3A_72 = tpu.memref_squeeze %dma_start3A_71 : memref<1x1x63x80xi32, #tpu.memory_space<hbm>> -> memref<63x80xi32, #tpu.memory_space<hbm>>
      tpu.enqueue_dma source(%dma_start3A_72 : memref<63x80xi32, #tpu.memory_space<hbm>>) target(%arg6 : memref<63x80xi32, #tpu.memory_space<vmem>>) target_semaphore(%run_scoped3A_64 : memref<!tpu.dma_semaphore, #tpu.memory_space<semaphore_mem>>)
      %dma_wait3A = arith.constant 0 : i32
      %dma_wait3A_73 = arith.constant 0 : i32
      %dma_wait3A_74 = tpu.memref_slice %arg3[%add3A, %run_scoped3A, %dma_wait3A, %dma_wait3A_73] : memref<32x2x63x80xi32, #tpu.memory_space<hbm>> -> memref<1x1x63x80xi32, #tpu.memory_space<hbm>>
      %dma_wait3A_75 = tpu.memref_squeeze %dma_wait3A_74 : memref<1x1x63x80xi32, #tpu.memory_space<hbm>> -> memref<63x80xi32, #tpu.memory_space<hbm>>
      %dma_wait3A_76 = arith.constant 0 : i32
      %dma_wait3A_77 = arith.constant 0 : i32
      %dma_wait3A_78 = tpu.memref_slice %arg3[%add3A, %run_scoped3A, %dma_wait3A_76, %dma_wait3A_77] : memref<32x2x63x80xi32, #tpu.memory_space<hbm>> -> memref<1x1x63x80xi32, #tpu.memory_space<hbm>>
      %dma_wait3A_79 = tpu.memref_squeeze %dma_wait3A_78 : memref<1x1x63x80xi32, #tpu.memory_space<hbm>> -> memref<63x80xi32, #tpu.memory_space<hbm>>
      tpu.wait_dma2 semaphore(%run_scoped3A_64 : memref<!tpu.dma_semaphore, #tpu.memory_space<semaphore_mem>>) src(%dma_wait3A_79 : memref<63x80xi32, #tpu.memory_space<hbm>>) dst(%arg6 : memref<63x80xi32, #tpu.memory_space<vmem>>)
      tpu.yield
    }) : () -> ()
    %run_scoped3A_16 = arith.constant 0 : i32
    "tpu.region"() ({
      %run_scoped3A_64 = tpu.sem_alloc : memref<!tpu.dma_semaphore, #tpu.memory_space<semaphore_mem>>
      %dma_start3A_65 = arith.constant 0 : i32
      %dma_start3A_66 = arith.constant 0 : i32
      %dma_start3A_67 = tpu.memref_slice %arg4[%add3A, %run_scoped3A_16, %dma_start3A_65, %dma_start3A_66] : memref<32x2x63x80xi32, #tpu.memory_space<hbm>> -> memref<1x1x63x80xi32, #tpu.memory_space<hbm>>
      %dma_start3A_68 = tpu.memref_squeeze %dma_start3A_67 : memref<1x1x63x80xi32, #tpu.memory_space<hbm>> -> memref<63x80xi32, #tpu.memory_space<hbm>>
      %dma_start3A_69 = arith.constant 0 : i32
      %dma_start3A_70 = arith.constant 0 : i32
      %dma_start3A_71 = tpu.memref_slice %arg4[%add3A, %run_scoped3A_16, %dma_start3A_69, %dma_start3A_70] : memref<32x2x63x80xi32, #tpu.memory_space<hbm>> -> memref<1x1x63x80xi32, #tpu.memory_space<hbm>>
      %dma_start3A_72 = tpu.memref_squeeze %dma_start3A_71 : memref<1x1x63x80xi32, #tpu.memory_space<hbm>> -> memref<63x80xi32, #tpu.memory_space<hbm>>
      tpu.enqueue_dma source(%dma_start3A_72 : memref<63x80xi32, #tpu.memory_space<hbm>>) target(%arg7 : memref<63x80xi32, #tpu.memory_space<vmem>>) target_semaphore(%run_scoped3A_64 : memref<!tpu.dma_semaphore, #tpu.memory_space<semaphore_mem>>)
      %dma_wait3A = arith.constant 0 : i32
      %dma_wait3A_73 = arith.constant 0 : i32
      %dma_wait3A_74 = tpu.memref_slice %arg4[%add3A, %run_scoped3A_16, %dma_wait3A, %dma_wait3A_73] : memref<32x2x63x80xi32, #tpu.memory_space<hbm>> -> memref<1x1x63x80xi32, #tpu.memory_space<hbm>>
      %dma_wait3A_75 = tpu.memref_squeeze %dma_wait3A_74 : memref<1x1x63x80xi32, #tpu.memory_space<hbm>> -> memref<63x80xi32, #tpu.memory_space<hbm>>
      %dma_wait3A_76 = arith.constant 0 : i32
      %dma_wait3A_77 = arith.constant 0 : i32
      %dma_wait3A_78 = tpu.memref_slice %arg4[%add3A, %run_scoped3A_16, %dma_wait3A_76, %dma_wait3A_77] : memref<32x2x63x80xi32, #tpu.memory_space<hbm>> -> memref<1x1x63x80xi32, #tpu.memory_space<hbm>>
      %dma_wait3A_79 = tpu.memref_squeeze %dma_wait3A_78 : memref<1x1x63x80xi32, #tpu.memory_space<hbm>> -> memref<63x80xi32, #tpu.memory_space<hbm>>
      tpu.wait_dma2 semaphore(%run_scoped3A_64 : memref<!tpu.dma_semaphore, #tpu.memory_space<semaphore_mem>>) src(%dma_wait3A_79 : memref<63x80xi32, #tpu.memory_space<hbm>>) dst(%arg7 : memref<63x80xi32, #tpu.memory_space<vmem>>)
      tpu.yield
    }) : () -> ()
    %dma_start3A = arith.constant 0 : i32
    %dma_start3A_17 = arith.constant 0 : i32
    %dma_start3A_18 = tpu.memref_slice %arg6[%dma_start3A, %dma_start3A_17] : memref<63x80xi32, #tpu.memory_space<vmem>> -> memref<1x80xi32, #tpu.memory_space<vmem>>
    %dma_start3A_19 = tpu.memref_squeeze %dma_start3A_18 : memref<1x80xi32, #tpu.memory_space<vmem>> -> memref<80xi32, #tpu.memory_space<vmem>>
    %dma_start3A_20 = arith.constant 0 : i32
    %dma_start3A_21 = arith.constant 0 : i32
    %dma_start3A_22 = tpu.memref_slice %arg2[%dma_start3A_20, %dma_start3A_21] : memref<10240x128xf32, #tpu.memory_space<hbm>> -> memref<10240x128xf32, #tpu.memory_space<hbm>>
    tpu.enqueue_indirect_dma source(%dma_start3A_22 : memref<10240x128xf32, #tpu.memory_space<hbm>>) target(%arg8 : memref<80x128xf32, #tpu.memory_space<vmem>>) offsets(%dma_start3A_19 : memref<80xi32, #tpu.memory_space<vmem>>) semaphore(%arg12 : memref<!tpu.dma_semaphore, #tpu.memory_space<semaphore_mem>>)
    %dma_start3A_23 = arith.constant 1 : i32
    %dma_start3A_24 = arith.constant 0 : i32
    %dma_start3A_25 = tpu.memref_slice %arg6[%dma_start3A_23, %dma_start3A_24] : memref<63x80xi32, #tpu.memory_space<vmem>> -> memref<1x80xi32, #tpu.memory_space<vmem>>
    %dma_start3A_26 = tpu.memref_squeeze %dma_start3A_25 : memref<1x80xi32, #tpu.memory_space<vmem>> -> memref<80xi32, #tpu.memory_space<vmem>>
    %dma_start3A_27 = arith.constant 0 : i32
    %dma_start3A_28 = arith.constant 0 : i32
    %dma_start3A_29 = tpu.memref_slice %arg2[%dma_start3A_27, %dma_start3A_28] : memref<10240x128xf32, #tpu.memory_space<hbm>> -> memref<10240x128xf32, #tpu.memory_space<hbm>>
    tpu.enqueue_indirect_dma source(%dma_start3A_29 : memref<10240x128xf32, #tpu.memory_space<hbm>>) target(%arg9 : memref<80x128xf32, #tpu.memory_space<vmem>>) offsets(%dma_start3A_26 : memref<80xi32, #tpu.memory_space<vmem>>) semaphore(%arg13 : memref<!tpu.dma_semaphore, #tpu.memory_space<semaphore_mem>>)
    %barrier3A = arith.constant 0 : index
    tpu.barrier barrier_id(%barrier3A)
    %scan3A_30 = arith.constant 0 : i32
    %scan3A_31 = arith.constant 0 : i32
    %scan3A_32 = arith.constant 21 : i32
    %scan3A_33 = arith.addi %scan3A_31, %scan3A_32 : i32
    %scan3A_34 = arith.constant 1 : i32
    %scan3A_35 = scf.for %scan3A_64 = %scan3A_31 to %scan3A_33 step %scan3A_34 iter_args(%scan3A_65 = %scan3A_30) -> (i32)  : i32 {
      %mul3A_66 = arith.constant 3 : i32
      %mul3A_67 = arith.muli %mul3A_66, %scan3A_64 : i32
      %add3A_68 = arith.constant 0 : i32
      %add3A_69 = arith.addi %mul3A_67, %add3A_68 : i32
      %dma_wait3A = arith.constant 0 : i32
      %dma_wait3A_70 = arith.constant 0 : i32
      %dma_wait3A_71 = tpu.memref_slice %arg2[%dma_wait3A, %dma_wait3A_70] : memref<10240x128xf32, #tpu.memory_space<hbm>> -> memref<80x128xf32, #tpu.memory_space<hbm>>
      %dma_wait3A_72 = arith.constant 0 : i32
      %dma_wait3A_73 = arith.constant 0 : i32
      %dma_wait3A_74 = tpu.memref_slice %arg2[%dma_wait3A_72, %dma_wait3A_73] : memref<10240x128xf32, #tpu.memory_space<hbm>> -> memref<80x128xf32, #tpu.memory_space<hbm>>
      tpu.wait_dma2 semaphore(%arg12 : memref<!tpu.dma_semaphore, #tpu.memory_space<semaphore_mem>>) src(%dma_wait3A_74 : memref<80x128xf32, #tpu.memory_space<hbm>>) dst(%arg8 : memref<80x128xf32, #tpu.memory_space<vmem>>)
      %add3A_75 = arith.constant 2 : i32
      %add3A_76 = arith.addi %add3A_69, %add3A_75 : i32
      %lt3A = arith.constant 63 : i32
      %lt3A_77 = arith.cmpi slt, %add3A_76, %lt3A : i32
      %convert_element_type3A = arith.extui %lt3A_77 : i1 to i32
      %cond3A = arith.constant 0 : i32
      %cond3A_78 = arith.cmpi ne, %convert_element_type3A, %cond3A : i32
      scf.if %cond3A_78 {
        %add3A_114 = arith.constant 2 : i32
        %add3A_115 = arith.addi %add3A_69, %add3A_114 : i32
        %dma_start3A_116 = arith.constant 0 : i32
        %dma_start3A_117 = tpu.memref_slice %arg6[%add3A_115, %dma_start3A_116] : memref<63x80xi32, #tpu.memory_space<vmem>> -> memref<1x80xi32, #tpu.memory_space<vmem>>
        %dma_start3A_118 = tpu.memref_squeeze %dma_start3A_117 : memref<1x80xi32, #tpu.memory_space<vmem>> -> memref<80xi32, #tpu.memory_space<vmem>>
        %dma_start3A_119 = arith.constant 0 : i32
        %dma_start3A_120 = arith.constant 0 : i32
        %dma_start3A_121 = tpu.memref_slice %arg2[%dma_start3A_119, %dma_start3A_120] : memref<10240x128xf32, #tpu.memory_space<hbm>> -> memref<10240x128xf32, #tpu.memory_space<hbm>>
        tpu.enqueue_indirect_dma source(%dma_start3A_121 : memref<10240x128xf32, #tpu.memory_space<hbm>>) target(%arg10 : memref<80x128xf32, #tpu.memory_space<vmem>>) offsets(%dma_start3A_118 : memref<80xi32, #tpu.memory_space<vmem>>) semaphore(%arg14 : memref<!tpu.dma_semaphore, #tpu.memory_space<semaphore_mem>>)
      } else {
      }
      "tpu.region"() ({
        %run_scoped3A_114 = tpu.sem_alloc : memref<!tpu.dma_semaphore, #tpu.memory_space<semaphore_mem>>
        %dma_start3A_115 = arith.constant 0 : i32
        %dma_start3A_116 = tpu.memref_slice %arg7[%add3A_69, %dma_start3A_115] : memref<63x80xi32, #tpu.memory_space<vmem>> -> memref<1x80xi32, #tpu.memory_space<vmem>>
        %dma_start3A_117 = tpu.memref_squeeze %dma_start3A_116 : memref<1x80xi32, #tpu.memory_space<vmem>> -> memref<80xi32, #tpu.memory_space<vmem>>
        %dma_start3A_118 = arith.constant 0 : i32
        %dma_start3A_119 = arith.constant 0 : i32
        %dma_start3A_120 = tpu.memref_slice %arg11[%dma_start3A_118, %dma_start3A_119] : memref<10240x128xf32, #tpu.memory_space<vmem_shared>> -> memref<10240x128xf32, #tpu.memory_space<vmem_shared>>
        tpu.enqueue_indirect_dma source(%arg8 : memref<80x128xf32, #tpu.memory_space<vmem>>) target(%dma_start3A_120 : memref<10240x128xf32, #tpu.memory_space<vmem_shared>>) offsets(%dma_start3A_117 : memref<80xi32, #tpu.memory_space<vmem>>) semaphore(%run_scoped3A_114 : memref<!tpu.dma_semaphore, #tpu.memory_space<semaphore_mem>>) {add = true}
        %dma_wait3A_121 = arith.constant 0 : i32
        %dma_wait3A_122 = tpu.memref_slice %arg7[%add3A_69, %dma_wait3A_121] : memref<63x80xi32, #tpu.memory_space<vmem>> -> memref<1x80xi32, #tpu.memory_space<vmem>>
        %dma_wait3A_123 = tpu.memref_squeeze %dma_wait3A_122 : memref<1x80xi32, #tpu.memory_space<vmem>> -> memref<80xi32, #tpu.memory_space<vmem>>
        %dma_wait3A_124 = arith.constant 0 : i32
        %dma_wait3A_125 = arith.constant 0 : i32
        %dma_wait3A_126 = tpu.memref_slice %arg11[%dma_wait3A_124, %dma_wait3A_125] : memref<10240x128xf32, #tpu.memory_space<vmem_shared>> -> memref<10240x128xf32, #tpu.memory_space<vmem_shared>>
        tpu.wait_indirect_dma semaphore(%run_scoped3A_114 : memref<!tpu.dma_semaphore, #tpu.memory_space<semaphore_mem>>) src(%arg8 : memref<80x128xf32, #tpu.memory_space<vmem>>) dst(%dma_wait3A_126 : memref<10240x128xf32, #tpu.memory_space<vmem_shared>>)
        tpu.yield
      }) : () -> ()
      %mul3A_79 = arith.constant 3 : i32
      %mul3A_80 = arith.muli %mul3A_79, %scan3A_64 : i32
      %add3A_81 = arith.constant 1 : i32
      %add3A_82 = arith.addi %mul3A_80, %add3A_81 : i32
      %dma_wait3A_83 = arith.constant 0 : i32
      %dma_wait3A_84 = arith.constant 0 : i32
      %dma_wait3A_85 = tpu.memref_slice %arg2[%dma_wait3A_83, %dma_wait3A_84] : memref<10240x128xf32, #tpu.memory_space<hbm>> -> memref<80x128xf32, #tpu.memory_space<hbm>>
      %dma_wait3A_86 = arith.constant 0 : i32
      %dma_wait3A_87 = arith.constant 0 : i32
      %dma_wait3A_88 = tpu.memref_slice %arg2[%dma_wait3A_86, %dma_wait3A_87] : memref<10240x128xf32, #tpu.memory_space<hbm>> -> memref<80x128xf32, #tpu.memory_space<hbm>>
      tpu.wait_dma2 semaphore(%arg13 : memref<!tpu.dma_semaphore, #tpu.memory_space<semaphore_mem>>) src(%dma_wait3A_88 : memref<80x128xf32, #tpu.memory_space<hbm>>) dst(%arg9 : memref<80x128xf32, #tpu.memory_space<vmem>>)
      %add3A_89 = arith.constant 2 : i32
      %add3A_90 = arith.addi %add3A_82, %add3A_89 : i32
      %lt3A_91 = arith.constant 63 : i32
      %lt3A_92 = arith.cmpi slt, %add3A_90, %lt3A_91 : i32
      %convert_element_type3A_93 = arith.extui %lt3A_92 : i1 to i32
      %cond3A_94 = arith.constant 0 : i32
      %cond3A_95 = arith.cmpi ne, %convert_element_type3A_93, %cond3A_94 : i32
      scf.if %cond3A_95 {
        %add3A_114 = arith.constant 2 : i32
        %add3A_115 = arith.addi %add3A_82, %add3A_114 : i32
        %dma_start3A_116 = arith.constant 0 : i32
        %dma_start3A_117 = tpu.memref_slice %arg6[%add3A_115, %dma_start3A_116] : memref<63x80xi32, #tpu.memory_space<vmem>> -> memref<1x80xi32, #tpu.memory_space<vmem>>
        %dma_start3A_118 = tpu.memref_squeeze %dma_start3A_117 : memref<1x80xi32, #tpu.memory_space<vmem>> -> memref<80xi32, #tpu.memory_space<vmem>>
        %dma_start3A_119 = arith.constant 0 : i32
        %dma_start3A_120 = arith.constant 0 : i32
        %dma_start3A_121 = tpu.memref_slice %arg2[%dma_start3A_119, %dma_start3A_120] : memref<10240x128xf32, #tpu.memory_space<hbm>> -> memref<10240x128xf32, #tpu.memory_space<hbm>>
        tpu.enqueue_indirect_dma source(%dma_start3A_121 : memref<10240x128xf32, #tpu.memory_space<hbm>>) target(%arg8 : memref<80x128xf32, #tpu.memory_space<vmem>>) offsets(%dma_start3A_118 : memref<80xi32, #tpu.memory_space<vmem>>) semaphore(%arg12 : memref<!tpu.dma_semaphore, #tpu.memory_space<semaphore_mem>>)
      } else {
      }
      "tpu.region"() ({
        %run_scoped3A_114 = tpu.sem_alloc : memref<!tpu.dma_semaphore, #tpu.memory_space<semaphore_mem>>
        %dma_start3A_115 = arith.constant 0 : i32
        %dma_start3A_116 = tpu.memref_slice %arg7[%add3A_82, %dma_start3A_115] : memref<63x80xi32, #tpu.memory_space<vmem>> -> memref<1x80xi32, #tpu.memory_space<vmem>>
        %dma_start3A_117 = tpu.memref_squeeze %dma_start3A_116 : memref<1x80xi32, #tpu.memory_space<vmem>> -> memref<80xi32, #tpu.memory_space<vmem>>
        %dma_start3A_118 = arith.constant 0 : i32
        %dma_start3A_119 = arith.constant 0 : i32
        %dma_start3A_120 = tpu.memref_slice %arg11[%dma_start3A_118, %dma_start3A_119] : memref<10240x128xf32, #tpu.memory_space<vmem_shared>> -> memref<10240x128xf32, #tpu.memory_space<vmem_shared>>
        tpu.enqueue_indirect_dma source(%arg9 : memref<80x128xf32, #tpu.memory_space<vmem>>) target(%dma_start3A_120 : memref<10240x128xf32, #tpu.memory_space<vmem_shared>>) offsets(%dma_start3A_117 : memref<80xi32, #tpu.memory_space<vmem>>) semaphore(%run_scoped3A_114 : memref<!tpu.dma_semaphore, #tpu.memory_space<semaphore_mem>>) {add = true}
        %dma_wait3A_121 = arith.constant 0 : i32
        %dma_wait3A_122 = tpu.memref_slice %arg7[%add3A_82, %dma_wait3A_121] : memref<63x80xi32, #tpu.memory_space<vmem>> -> memref<1x80xi32, #tpu.memory_space<vmem>>
        %dma_wait3A_123 = tpu.memref_squeeze %dma_wait3A_122 : memref<1x80xi32, #tpu.memory_space<vmem>> -> memref<80xi32, #tpu.memory_space<vmem>>
        %dma_wait3A_124 = arith.constant 0 : i32
        %dma_wait3A_125 = arith.constant 0 : i32
        %dma_wait3A_126 = tpu.memref_slice %arg11[%dma_wait3A_124, %dma_wait3A_125] : memref<10240x128xf32, #tpu.memory_space<vmem_shared>> -> memref<10240x128xf32, #tpu.memory_space<vmem_shared>>
        tpu.wait_indirect_dma semaphore(%run_scoped3A_114 : memref<!tpu.dma_semaphore, #tpu.memory_space<semaphore_mem>>) src(%arg9 : memref<80x128xf32, #tpu.memory_space<vmem>>) dst(%dma_wait3A_126 : memref<10240x128xf32, #tpu.memory_space<vmem_shared>>)
        tpu.yield
      }) : () -> ()
      %mul3A_96 = arith.constant 3 : i32
      %mul3A_97 = arith.muli %mul3A_96, %scan3A_64 : i32
      %add3A_98 = arith.constant 2 : i32
      %add3A_99 = arith.addi %mul3A_97, %add3A_98 : i32
      %dma_wait3A_100 = arith.constant 0 : i32
      %dma_wait3A_101 = arith.constant 0 : i32
      %dma_wait3A_102 = tpu.memref_slice %arg2[%dma_wait3A_100, %dma_wait3A_101] : memref<10240x128xf32, #tpu.memory_space<hbm>> -> memref<80x128xf32, #tpu.memory_space<hbm>>
      %dma_wait3A_103 = arith.constant 0 : i32
      %dma_wait3A_104 = arith.constant 0 : i32
      %dma_wait3A_105 = tpu.memref_slice %arg2[%dma_wait3A_103, %dma_wait3A_104] : memref<10240x128xf32, #tpu.memory_space<hbm>> -> memref<80x128xf32, #tpu.memory_space<hbm>>
      tpu.wait_dma2 semaphore(%arg14 : memref<!tpu.dma_semaphore, #tpu.memory_space<semaphore_mem>>) src(%dma_wait3A_105 : memref<80x128xf32, #tpu.memory_space<hbm>>) dst(%arg10 : memref<80x128xf32, #tpu.memory_space<vmem>>)
      %add3A_106 = arith.constant 2 : i32
      %add3A_107 = arith.addi %add3A_99, %add3A_106 : i32
      %lt3A_108 = arith.constant 63 : i32
      %lt3A_109 = arith.cmpi slt, %add3A_107, %lt3A_108 : i32
      %convert_element_type3A_110 = arith.extui %lt3A_109 : i1 to i32
      %cond3A_111 = arith.constant 0 : i32
      %cond3A_112 = arith.cmpi ne, %convert_element_type3A_110, %cond3A_111 : i32
      scf.if %cond3A_112 {
        %add3A_114 = arith.constant 2 : i32
        %add3A_115 = arith.addi %add3A_99, %add3A_114 : i32
        %dma_start3A_116 = arith.constant 0 : i32
        %dma_start3A_117 = tpu.memref_slice %arg6[%add3A_115, %dma_start3A_116] : memref<63x80xi32, #tpu.memory_space<vmem>> -> memref<1x80xi32, #tpu.memory_space<vmem>>
        %dma_start3A_118 = tpu.memref_squeeze %dma_start3A_117 : memref<1x80xi32, #tpu.memory_space<vmem>> -> memref<80xi32, #tpu.memory_space<vmem>>
        %dma_start3A_119 = arith.constant 0 : i32
        %dma_start3A_120 = arith.constant 0 : i32
        %dma_start3A_121 = tpu.memref_slice %arg2[%dma_start3A_119, %dma_start3A_120] : memref<10240x128xf32, #tpu.memory_space<hbm>> -> memref<10240x128xf32, #tpu.memory_space<hbm>>
        tpu.enqueue_indirect_dma source(%dma_start3A_121 : memref<10240x128xf32, #tpu.memory_space<hbm>>) target(%arg9 : memref<80x128xf32, #tpu.memory_space<vmem>>) offsets(%dma_start3A_118 : memref<80xi32, #tpu.memory_space<vmem>>) semaphore(%arg13 : memref<!tpu.dma_semaphore, #tpu.memory_space<semaphore_mem>>)
      } else {
      }
      "tpu.region"() ({
        %run_scoped3A_114 = tpu.sem_alloc : memref<!tpu.dma_semaphore, #tpu.memory_space<semaphore_mem>>
        %dma_start3A_115 = arith.constant 0 : i32
        %dma_start3A_116 = tpu.memref_slice %arg7[%add3A_99, %dma_start3A_115] : memref<63x80xi32, #tpu.memory_space<vmem>> -> memref<1x80xi32, #tpu.memory_space<vmem>>
        %dma_start3A_117 = tpu.memref_squeeze %dma_start3A_116 : memref<1x80xi32, #tpu.memory_space<vmem>> -> memref<80xi32, #tpu.memory_space<vmem>>
        %dma_start3A_118 = arith.constant 0 : i32
        %dma_start3A_119 = arith.constant 0 : i32
        %dma_start3A_120 = tpu.memref_slice %arg11[%dma_start3A_118, %dma_start3A_119] : memref<10240x128xf32, #tpu.memory_space<vmem_shared>> -> memref<10240x128xf32, #tpu.memory_space<vmem_shared>>
        tpu.enqueue_indirect_dma source(%arg10 : memref<80x128xf32, #tpu.memory_space<vmem>>) target(%dma_start3A_120 : memref<10240x128xf32, #tpu.memory_space<vmem_shared>>) offsets(%dma_start3A_117 : memref<80xi32, #tpu.memory_space<vmem>>) semaphore(%run_scoped3A_114 : memref<!tpu.dma_semaphore, #tpu.memory_space<semaphore_mem>>) {add = true}
        %dma_wait3A_121 = arith.constant 0 : i32
        %dma_wait3A_122 = tpu.memref_slice %arg7[%add3A_99, %dma_wait3A_121] : memref<63x80xi32, #tpu.memory_space<vmem>> -> memref<1x80xi32, #tpu.memory_space<vmem>>
        %dma_wait3A_123 = tpu.memref_squeeze %dma_wait3A_122 : memref<1x80xi32, #tpu.memory_space<vmem>> -> memref<80xi32, #tpu.memory_space<vmem>>
        %dma_wait3A_124 = arith.constant 0 : i32
        %dma_wait3A_125 = arith.constant 0 : i32
        %dma_wait3A_126 = tpu.memref_slice %arg11[%dma_wait3A_124, %dma_wait3A_125] : memref<10240x128xf32, #tpu.memory_space<vmem_shared>> -> memref<10240x128xf32, #tpu.memory_space<vmem_shared>>
        tpu.wait_indirect_dma semaphore(%run_scoped3A_114 : memref<!tpu.dma_semaphore, #tpu.memory_space<semaphore_mem>>) src(%arg10 : memref<80x128xf32, #tpu.memory_space<vmem>>) dst(%dma_wait3A_126 : memref<10240x128xf32, #tpu.memory_space<vmem_shared>>)
        tpu.yield
      }) : () -> ()
      %scan3A_113 = arith.constant 0 : i32
      scf.yield %scan3A_113 : i32
    }
    %scan3A_36 = arith.constant 21 : i32
    %run_scoped3A_37 = arith.constant 1 : i32
    "tpu.region"() ({
      %run_scoped3A_64 = tpu.sem_alloc : memref<!tpu.dma_semaphore, #tpu.memory_space<semaphore_mem>>
      %dma_start3A_65 = arith.constant 0 : i32
      %dma_start3A_66 = arith.constant 0 : i32
      %dma_start3A_67 = tpu.memref_slice %arg3[%add3A, %run_scoped3A_37, %dma_start3A_65, %dma_start3A_66] : memref<32x2x63x80xi32, #tpu.memory_space<hbm>> -> memref<1x1x63x80xi32, #tpu.memory_space<hbm>>
      %dma_start3A_68 = tpu.memref_squeeze %dma_start3A_67 : memref<1x1x63x80xi32, #tpu.memory_space<hbm>> -> memref<63x80xi32, #tpu.memory_space<hbm>>
      %dma_start3A_69 = arith.constant 0 : i32
      %dma_start3A_70 = arith.constant 0 : i32
      %dma_start3A_71 = tpu.memref_slice %arg3[%add3A, %run_scoped3A_37, %dma_start3A_69, %dma_start3A_70] : memref<32x2x63x80xi32, #tpu.memory_space<hbm>> -> memref<1x1x63x80xi32, #tpu.memory_space<hbm>>
      %dma_start3A_72 = tpu.memref_squeeze %dma_start3A_71 : memref<1x1x63x80xi32, #tpu.memory_space<hbm>> -> memref<63x80xi32, #tpu.memory_space<hbm>>
      tpu.enqueue_dma source(%dma_start3A_72 : memref<63x80xi32, #tpu.memory_space<hbm>>) target(%arg6 : memref<63x80xi32, #tpu.memory_space<vmem>>) target_semaphore(%run_scoped3A_64 : memref<!tpu.dma_semaphore, #tpu.memory_space<semaphore_mem>>)
      %dma_wait3A = arith.constant 0 : i32
      %dma_wait3A_73 = arith.constant 0 : i32
      %dma_wait3A_74 = tpu.memref_slice %arg3[%add3A, %run_scoped3A_37, %dma_wait3A, %dma_wait3A_73] : memref<32x2x63x80xi32, #tpu.memory_space<hbm>> -> memref<1x1x63x80xi32, #tpu.memory_space<hbm>>
      %dma_wait3A_75 = tpu.memref_squeeze %dma_wait3A_74 : memref<1x1x63x80xi32, #tpu.memory_space<hbm>> -> memref<63x80xi32, #tpu.memory_space<hbm>>
      %dma_wait3A_76 = arith.constant 0 : i32
      %dma_wait3A_77 = arith.constant 0 : i32
      %dma_wait3A_78 = tpu.memref_slice %arg3[%add3A, %run_scoped3A_37, %dma_wait3A_76, %dma_wait3A_77] : memref<32x2x63x80xi32, #tpu.memory_space<hbm>> -> memref<1x1x63x80xi32, #tpu.memory_space<hbm>>
      %dma_wait3A_79 = tpu.memref_squeeze %dma_wait3A_78 : memref<1x1x63x80xi32, #tpu.memory_space<hbm>> -> memref<63x80xi32, #tpu.memory_space<hbm>>
      tpu.wait_dma2 semaphore(%run_scoped3A_64 : memref<!tpu.dma_semaphore, #tpu.memory_space<semaphore_mem>>) src(%dma_wait3A_79 : memref<63x80xi32, #tpu.memory_space<hbm>>) dst(%arg6 : memref<63x80xi32, #tpu.memory_space<vmem>>)
      tpu.yield
    }) : () -> ()
    %run_scoped3A_38 = arith.constant 1 : i32
    "tpu.region"() ({
      %run_scoped3A_64 = tpu.sem_alloc : memref<!tpu.dma_semaphore, #tpu.memory_space<semaphore_mem>>
      %dma_start3A_65 = arith.constant 0 : i32
      %dma_start3A_66 = arith.constant 0 : i32
      %dma_start3A_67 = tpu.memref_slice %arg4[%add3A, %run_scoped3A_38, %dma_start3A_65, %dma_start3A_66] : memref<32x2x63x80xi32, #tpu.memory_space<hbm>> -> memref<1x1x63x80xi32, #tpu.memory_space<hbm>>
      %dma_start3A_68 = tpu.memref_squeeze %dma_start3A_67 : memref<1x1x63x80xi32, #tpu.memory_space<hbm>> -> memref<63x80xi32, #tpu.memory_space<hbm>>
      %dma_start3A_69 = arith.constant 0 : i32
      %dma_start3A_70 = arith.constant 0 : i32
      %dma_start3A_71 = tpu.memref_slice %arg4[%add3A, %run_scoped3A_38, %dma_start3A_69, %dma_start3A_70] : memref<32x2x63x80xi32, #tpu.memory_space<hbm>> -> memref<1x1x63x80xi32, #tpu.memory_space<hbm>>
      %dma_start3A_72 = tpu.memref_squeeze %dma_start3A_71 : memref<1x1x63x80xi32, #tpu.memory_space<hbm>> -> memref<63x80xi32, #tpu.memory_space<hbm>>
      tpu.enqueue_dma source(%dma_start3A_72 : memref<63x80xi32, #tpu.memory_space<hbm>>) target(%arg7 : memref<63x80xi32, #tpu.memory_space<vmem>>) target_semaphore(%run_scoped3A_64 : memref<!tpu.dma_semaphore, #tpu.memory_space<semaphore_mem>>)
      %dma_wait3A = arith.constant 0 : i32
      %dma_wait3A_73 = arith.constant 0 : i32
      %dma_wait3A_74 = tpu.memref_slice %arg4[%add3A, %run_scoped3A_38, %dma_wait3A, %dma_wait3A_73] : memref<32x2x63x80xi32, #tpu.memory_space<hbm>> -> memref<1x1x63x80xi32, #tpu.memory_space<hbm>>
      %dma_wait3A_75 = tpu.memref_squeeze %dma_wait3A_74 : memref<1x1x63x80xi32, #tpu.memory_space<hbm>> -> memref<63x80xi32, #tpu.memory_space<hbm>>
      %dma_wait3A_76 = arith.constant 0 : i32
      %dma_wait3A_77 = arith.constant 0 : i32
      %dma_wait3A_78 = tpu.memref_slice %arg4[%add3A, %run_scoped3A_38, %dma_wait3A_76, %dma_wait3A_77] : memref<32x2x63x80xi32, #tpu.memory_space<hbm>> -> memref<1x1x63x80xi32, #tpu.memory_space<hbm>>
      %dma_wait3A_79 = tpu.memref_squeeze %dma_wait3A_78 : memref<1x1x63x80xi32, #tpu.memory_space<hbm>> -> memref<63x80xi32, #tpu.memory_space<hbm>>
      tpu.wait_dma2 semaphore(%run_scoped3A_64 : memref<!tpu.dma_semaphore, #tpu.memory_space<semaphore_mem>>) src(%dma_wait3A_79 : memref<63x80xi32, #tpu.memory_space<hbm>>) dst(%arg7 : memref<63x80xi32, #tpu.memory_space<vmem>>)
      tpu.yield
    }) : () -> ()
    %dma_start3A_39 = arith.constant 0 : i32
    %dma_start3A_40 = arith.constant 0 : i32
    %dma_start3A_41 = tpu.memref_slice %arg6[%dma_start3A_39, %dma_start3A_40] : memref<63x80xi32, #tpu.memory_space<vmem>> -> memref<1x80xi32, #tpu.memory_space<vmem>>
    %dma_start3A_42 = tpu.memref_squeeze %dma_start3A_41 : memref<1x80xi32, #tpu.memory_space<vmem>> -> memref<80xi32, #tpu.memory_space<vmem>>
    %dma_start3A_43 = arith.constant 0 : i32
    %dma_start3A_44 = arith.constant 0 : i32
    %dma_start3A_45 = tpu.memref_slice %arg2[%dma_start3A_43, %dma_start3A_44] : memref<10240x128xf32, #tpu.memory_space<hbm>> -> memref<10240x128xf32, #tpu.memory_space<hbm>>
    tpu.enqueue_indirect_dma source(%dma_start3A_45 : memref<10240x128xf32, #tpu.memory_space<hbm>>) target(%arg8 : memref<80x128xf32, #tpu.memory_space<vmem>>) offsets(%dma_start3A_42 : memref<80xi32, #tpu.memory_space<vmem>>) semaphore(%arg12 : memref<!tpu.dma_semaphore, #tpu.memory_space<semaphore_mem>>)
    %dma_start3A_46 = arith.constant 1 : i32
    %dma_start3A_47 = arith.constant 0 : i32
    %dma_start3A_48 = tpu.memref_slice %arg6[%dma_start3A_46, %dma_start3A_47] : memref<63x80xi32, #tpu.memory_space<vmem>> -> memref<1x80xi32, #tpu.memory_space<vmem>>
    %dma_start3A_49 = tpu.memref_squeeze %dma_start3A_48 : memref<1x80xi32, #tpu.memory_space<vmem>> -> memref<80xi32, #tpu.memory_space<vmem>>
    %dma_start3A_50 = arith.constant 0 : i32
    %dma_start3A_51 = arith.constant 0 : i32
    %dma_start3A_52 = tpu.memref_slice %arg2[%dma_start3A_50, %dma_start3A_51] : memref<10240x128xf32, #tpu.memory_space<hbm>> -> memref<10240x128xf32, #tpu.memory_space<hbm>>
    tpu.enqueue_indirect_dma source(%dma_start3A_52 : memref<10240x128xf32, #tpu.memory_space<hbm>>) target(%arg9 : memref<80x128xf32, #tpu.memory_space<vmem>>) offsets(%dma_start3A_49 : memref<80xi32, #tpu.memory_space<vmem>>) semaphore(%arg13 : memref<!tpu.dma_semaphore, #tpu.memory_space<semaphore_mem>>)
    %scan3A_53 = arith.constant 0 : i32
    %scan3A_54 = arith.constant 0 : i32
    %scan3A_55 = arith.constant 21 : i32
    %scan3A_56 = arith.addi %scan3A_54, %scan3A_55 : i32
    %scan3A_57 = arith.constant 1 : i32
    %scan3A_58 = scf.for %scan3A_64 = %scan3A_54 to %scan3A_56 step %scan3A_57 iter_args(%scan3A_65 = %scan3A_53) -> (i32)  : i32 {
      %mul3A_66 = arith.constant 3 : i32
      %mul3A_67 = arith.muli %mul3A_66, %scan3A_64 : i32
      %add3A_68 = arith.constant 0 : i32
      %add3A_69 = arith.addi %mul3A_67, %add3A_68 : i32
      %dma_wait3A = arith.constant 0 : i32
      %dma_wait3A_70 = arith.constant 0 : i32
      %dma_wait3A_71 = tpu.memref_slice %arg2[%dma_wait3A, %dma_wait3A_70] : memref<10240x128xf32, #tpu.memory_space<hbm>> -> memref<80x128xf32, #tpu.memory_space<hbm>>
      %dma_wait3A_72 = arith.constant 0 : i32
      %dma_wait3A_73 = arith.constant 0 : i32
      %dma_wait3A_74 = tpu.memref_slice %arg2[%dma_wait3A_72, %dma_wait3A_73] : memref<10240x128xf32, #tpu.memory_space<hbm>> -> memref<80x128xf32, #tpu.memory_space<hbm>>
      tpu.wait_dma2 semaphore(%arg12 : memref<!tpu.dma_semaphore, #tpu.memory_space<semaphore_mem>>) src(%dma_wait3A_74 : memref<80x128xf32, #tpu.memory_space<hbm>>) dst(%arg8 : memref<80x128xf32, #tpu.memory_space<vmem>>)
      %add3A_75 = arith.constant 2 : i32
      %add3A_76 = arith.addi %add3A_69, %add3A_75 : i32
      %lt3A = arith.constant 63 : i32
      %lt3A_77 = arith.cmpi slt, %add3A_76, %lt3A : i32
      %convert_element_type3A = arith.extui %lt3A_77 : i1 to i32
      %cond3A = arith.constant 0 : i32
      %cond3A_78 = arith.cmpi ne, %convert_element_type3A, %cond3A : i32
      scf.if %cond3A_78 {
        %add3A_114 = arith.constant 2 : i32
        %add3A_115 = arith.addi %add3A_69, %add3A_114 : i32
        %dma_start3A_116 = arith.constant 0 : i32
        %dma_start3A_117 = tpu.memref_slice %arg6[%add3A_115, %dma_start3A_116] : memref<63x80xi32, #tpu.memory_space<vmem>> -> memref<1x80xi32, #tpu.memory_space<vmem>>
        %dma_start3A_118 = tpu.memref_squeeze %dma_start3A_117 : memref<1x80xi32, #tpu.memory_space<vmem>> -> memref<80xi32, #tpu.memory_space<vmem>>
        %dma_start3A_119 = arith.constant 0 : i32
        %dma_start3A_120 = arith.constant 0 : i32
        %dma_start3A_121 = tpu.memref_slice %arg2[%dma_start3A_119, %dma_start3A_120] : memref<10240x128xf32, #tpu.memory_space<hbm>> -> memref<10240x128xf32, #tpu.memory_space<hbm>>
        tpu.enqueue_indirect_dma source(%dma_start3A_121 : memref<10240x128xf32, #tpu.memory_space<hbm>>) target(%arg10 : memref<80x128xf32, #tpu.memory_space<vmem>>) offsets(%dma_start3A_118 : memref<80xi32, #tpu.memory_space<vmem>>) semaphore(%arg14 : memref<!tpu.dma_semaphore, #tpu.memory_space<semaphore_mem>>)
      } else {
      }
      "tpu.region"() ({
        %run_scoped3A_114 = tpu.sem_alloc : memref<!tpu.dma_semaphore, #tpu.memory_space<semaphore_mem>>
        %dma_start3A_115 = arith.constant 0 : i32
        %dma_start3A_116 = tpu.memref_slice %arg7[%add3A_69, %dma_start3A_115] : memref<63x80xi32, #tpu.memory_space<vmem>> -> memref<1x80xi32, #tpu.memory_space<vmem>>
        %dma_start3A_117 = tpu.memref_squeeze %dma_start3A_116 : memref<1x80xi32, #tpu.memory_space<vmem>> -> memref<80xi32, #tpu.memory_space<vmem>>
        %dma_start3A_118 = arith.constant 0 : i32
        %dma_start3A_119 = arith.constant 0 : i32
        %dma_start3A_120 = tpu.memref_slice %arg11[%dma_start3A_118, %dma_start3A_119] : memref<10240x128xf32, #tpu.memory_space<vmem_shared>> -> memref<10240x128xf32, #tpu.memory_space<vmem_shared>>
        tpu.enqueue_indirect_dma source(%arg8 : memref<80x128xf32, #tpu.memory_space<vmem>>) target(%dma_start3A_120 : memref<10240x128xf32, #tpu.memory_space<vmem_shared>>) offsets(%dma_start3A_117 : memref<80xi32, #tpu.memory_space<vmem>>) semaphore(%run_scoped3A_114 : memref<!tpu.dma_semaphore, #tpu.memory_space<semaphore_mem>>) {add = true}
        %dma_wait3A_121 = arith.constant 0 : i32
        %dma_wait3A_122 = tpu.memref_slice %arg7[%add3A_69, %dma_wait3A_121] : memref<63x80xi32, #tpu.memory_space<vmem>> -> memref<1x80xi32, #tpu.memory_space<vmem>>
        %dma_wait3A_123 = tpu.memref_squeeze %dma_wait3A_122 : memref<1x80xi32, #tpu.memory_space<vmem>> -> memref<80xi32, #tpu.memory_space<vmem>>
        %dma_wait3A_124 = arith.constant 0 : i32
        %dma_wait3A_125 = arith.constant 0 : i32
        %dma_wait3A_126 = tpu.memref_slice %arg11[%dma_wait3A_124, %dma_wait3A_125] : memref<10240x128xf32, #tpu.memory_space<vmem_shared>> -> memref<10240x128xf32, #tpu.memory_space<vmem_shared>>
        tpu.wait_indirect_dma semaphore(%run_scoped3A_114 : memref<!tpu.dma_semaphore, #tpu.memory_space<semaphore_mem>>) src(%arg8 : memref<80x128xf32, #tpu.memory_space<vmem>>) dst(%dma_wait3A_126 : memref<10240x128xf32, #tpu.memory_space<vmem_shared>>)
        tpu.yield
      }) : () -> ()
      %mul3A_79 = arith.constant 3 : i32
      %mul3A_80 = arith.muli %mul3A_79, %scan3A_64 : i32
      %add3A_81 = arith.constant 1 : i32
      %add3A_82 = arith.addi %mul3A_80, %add3A_81 : i32
      %dma_wait3A_83 = arith.constant 0 : i32
      %dma_wait3A_84 = arith.constant 0 : i32
      %dma_wait3A_85 = tpu.memref_slice %arg2[%dma_wait3A_83, %dma_wait3A_84] : memref<10240x128xf32, #tpu.memory_space<hbm>> -> memref<80x128xf32, #tpu.memory_space<hbm>>
      %dma_wait3A_86 = arith.constant 0 : i32
      %dma_wait3A_87 = arith.constant 0 : i32
      %dma_wait3A_88 = tpu.memref_slice %arg2[%dma_wait3A_86, %dma_wait3A_87] : memref<10240x128xf32, #tpu.memory_space<hbm>> -> memref<80x128xf32, #tpu.memory_space<hbm>>
      tpu.wait_dma2 semaphore(%arg13 : memref<!tpu.dma_semaphore, #tpu.memory_space<semaphore_mem>>) src(%dma_wait3A_88 : memref<80x128xf32, #tpu.memory_space<hbm>>) dst(%arg9 : memref<80x128xf32, #tpu.memory_space<vmem>>)
      %add3A_89 = arith.constant 2 : i32
      %add3A_90 = arith.addi %add3A_82, %add3A_89 : i32
      %lt3A_91 = arith.constant 63 : i32
      %lt3A_92 = arith.cmpi slt, %add3A_90, %lt3A_91 : i32
      %convert_element_type3A_93 = arith.extui %lt3A_92 : i1 to i32
      %cond3A_94 = arith.constant 0 : i32
      %cond3A_95 = arith.cmpi ne, %convert_element_type3A_93, %cond3A_94 : i32
      scf.if %cond3A_95 {
        %add3A_114 = arith.constant 2 : i32
        %add3A_115 = arith.addi %add3A_82, %add3A_114 : i32
        %dma_start3A_116 = arith.constant 0 : i32
        %dma_start3A_117 = tpu.memref_slice %arg6[%add3A_115, %dma_start3A_116] : memref<63x80xi32, #tpu.memory_space<vmem>> -> memref<1x80xi32, #tpu.memory_space<vmem>>
        %dma_start3A_118 = tpu.memref_squeeze %dma_start3A_117 : memref<1x80xi32, #tpu.memory_space<vmem>> -> memref<80xi32, #tpu.memory_space<vmem>>
        %dma_start3A_119 = arith.constant 0 : i32
        %dma_start3A_120 = arith.constant 0 : i32
        %dma_start3A_121 = tpu.memref_slice %arg2[%dma_start3A_119, %dma_start3A_120] : memref<10240x128xf32, #tpu.memory_space<hbm>> -> memref<10240x128xf32, #tpu.memory_space<hbm>>
        tpu.enqueue_indirect_dma source(%dma_start3A_121 : memref<10240x128xf32, #tpu.memory_space<hbm>>) target(%arg8 : memref<80x128xf32, #tpu.memory_space<vmem>>) offsets(%dma_start3A_118 : memref<80xi32, #tpu.memory_space<vmem>>) semaphore(%arg12 : memref<!tpu.dma_semaphore, #tpu.memory_space<semaphore_mem>>)
      } else {
      }
      "tpu.region"() ({
        %run_scoped3A_114 = tpu.sem_alloc : memref<!tpu.dma_semaphore, #tpu.memory_space<semaphore_mem>>
        %dma_start3A_115 = arith.constant 0 : i32
        %dma_start3A_116 = tpu.memref_slice %arg7[%add3A_82, %dma_start3A_115] : memref<63x80xi32, #tpu.memory_space<vmem>> -> memref<1x80xi32, #tpu.memory_space<vmem>>
        %dma_start3A_117 = tpu.memref_squeeze %dma_start3A_116 : memref<1x80xi32, #tpu.memory_space<vmem>> -> memref<80xi32, #tpu.memory_space<vmem>>
        %dma_start3A_118 = arith.constant 0 : i32
        %dma_start3A_119 = arith.constant 0 : i32
        %dma_start3A_120 = tpu.memref_slice %arg11[%dma_start3A_118, %dma_start3A_119] : memref<10240x128xf32, #tpu.memory_space<vmem_shared>> -> memref<10240x128xf32, #tpu.memory_space<vmem_shared>>
        tpu.enqueue_indirect_dma source(%arg9 : memref<80x128xf32, #tpu.memory_space<vmem>>) target(%dma_start3A_120 : memref<10240x128xf32, #tpu.memory_space<vmem_shared>>) offsets(%dma_start3A_117 : memref<80xi32, #tpu.memory_space<vmem>>) semaphore(%run_scoped3A_114 : memref<!tpu.dma_semaphore, #tpu.memory_space<semaphore_mem>>) {add = true}
        %dma_wait3A_121 = arith.constant 0 : i32
        %dma_wait3A_122 = tpu.memref_slice %arg7[%add3A_82, %dma_wait3A_121] : memref<63x80xi32, #tpu.memory_space<vmem>> -> memref<1x80xi32, #tpu.memory_space<vmem>>
        %dma_wait3A_123 = tpu.memref_squeeze %dma_wait3A_122 : memref<1x80xi32, #tpu.memory_space<vmem>> -> memref<80xi32, #tpu.memory_space<vmem>>
        %dma_wait3A_124 = arith.constant 0 : i32
        %dma_wait3A_125 = arith.constant 0 : i32
        %dma_wait3A_126 = tpu.memref_slice %arg11[%dma_wait3A_124, %dma_wait3A_125] : memref<10240x128xf32, #tpu.memory_space<vmem_shared>> -> memref<10240x128xf32, #tpu.memory_space<vmem_shared>>
        tpu.wait_indirect_dma semaphore(%run_scoped3A_114 : memref<!tpu.dma_semaphore, #tpu.memory_space<semaphore_mem>>) src(%arg9 : memref<80x128xf32, #tpu.memory_space<vmem>>) dst(%dma_wait3A_126 : memref<10240x128xf32, #tpu.memory_space<vmem_shared>>)
        tpu.yield
      }) : () -> ()
      %mul3A_96 = arith.constant 3 : i32
      %mul3A_97 = arith.muli %mul3A_96, %scan3A_64 : i32
      %add3A_98 = arith.constant 2 : i32
      %add3A_99 = arith.addi %mul3A_97, %add3A_98 : i32
      %dma_wait3A_100 = arith.constant 0 : i32
      %dma_wait3A_101 = arith.constant 0 : i32
      %dma_wait3A_102 = tpu.memref_slice %arg2[%dma_wait3A_100, %dma_wait3A_101] : memref<10240x128xf32, #tpu.memory_space<hbm>> -> memref<80x128xf32, #tpu.memory_space<hbm>>
      %dma_wait3A_103 = arith.constant 0 : i32
      %dma_wait3A_104 = arith.constant 0 : i32
      %dma_wait3A_105 = tpu.memref_slice %arg2[%dma_wait3A_103, %dma_wait3A_104] : memref<10240x128xf32, #tpu.memory_space<hbm>> -> memref<80x128xf32, #tpu.memory_space<hbm>>
      tpu.wait_dma2 semaphore(%arg14 : memref<!tpu.dma_semaphore, #tpu.memory_space<semaphore_mem>>) src(%dma_wait3A_105 : memref<80x128xf32, #tpu.memory_space<hbm>>) dst(%arg10 : memref<80x128xf32, #tpu.memory_space<vmem>>)
      %add3A_106 = arith.constant 2 : i32
      %add3A_107 = arith.addi %add3A_99, %add3A_106 : i32
      %lt3A_108 = arith.constant 63 : i32
      %lt3A_109 = arith.cmpi slt, %add3A_107, %lt3A_108 : i32
      %convert_element_type3A_110 = arith.extui %lt3A_109 : i1 to i32
      %cond3A_111 = arith.constant 0 : i32
      %cond3A_112 = arith.cmpi ne, %convert_element_type3A_110, %cond3A_111 : i32
      scf.if %cond3A_112 {
        %add3A_114 = arith.constant 2 : i32
        %add3A_115 = arith.addi %add3A_99, %add3A_114 : i32
        %dma_start3A_116 = arith.constant 0 : i32
        %dma_start3A_117 = tpu.memref_slice %arg6[%add3A_115, %dma_start3A_116] : memref<63x80xi32, #tpu.memory_space<vmem>> -> memref<1x80xi32, #tpu.memory_space<vmem>>
        %dma_start3A_118 = tpu.memref_squeeze %dma_start3A_117 : memref<1x80xi32, #tpu.memory_space<vmem>> -> memref<80xi32, #tpu.memory_space<vmem>>
        %dma_start3A_119 = arith.constant 0 : i32
        %dma_start3A_120 = arith.constant 0 : i32
        %dma_start3A_121 = tpu.memref_slice %arg2[%dma_start3A_119, %dma_start3A_120] : memref<10240x128xf32, #tpu.memory_space<hbm>> -> memref<10240x128xf32, #tpu.memory_space<hbm>>
        tpu.enqueue_indirect_dma source(%dma_start3A_121 : memref<10240x128xf32, #tpu.memory_space<hbm>>) target(%arg9 : memref<80x128xf32, #tpu.memory_space<vmem>>) offsets(%dma_start3A_118 : memref<80xi32, #tpu.memory_space<vmem>>) semaphore(%arg13 : memref<!tpu.dma_semaphore, #tpu.memory_space<semaphore_mem>>)
      } else {
      }
      "tpu.region"() ({
        %run_scoped3A_114 = tpu.sem_alloc : memref<!tpu.dma_semaphore, #tpu.memory_space<semaphore_mem>>
        %dma_start3A_115 = arith.constant 0 : i32
        %dma_start3A_116 = tpu.memref_slice %arg7[%add3A_99, %dma_start3A_115] : memref<63x80xi32, #tpu.memory_space<vmem>> -> memref<1x80xi32, #tpu.memory_space<vmem>>
        %dma_start3A_117 = tpu.memref_squeeze %dma_start3A_116 : memref<1x80xi32, #tpu.memory_space<vmem>> -> memref<80xi32, #tpu.memory_space<vmem>>
        %dma_start3A_118 = arith.constant 0 : i32
        %dma_start3A_119 = arith.constant 0 : i32
        %dma_start3A_120 = tpu.memref_slice %arg11[%dma_start3A_118, %dma_start3A_119] : memref<10240x128xf32, #tpu.memory_space<vmem_shared>> -> memref<10240x128xf32, #tpu.memory_space<vmem_shared>>
        tpu.enqueue_indirect_dma source(%arg10 : memref<80x128xf32, #tpu.memory_space<vmem>>) target(%dma_start3A_120 : memref<10240x128xf32, #tpu.memory_space<vmem_shared>>) offsets(%dma_start3A_117 : memref<80xi32, #tpu.memory_space<vmem>>) semaphore(%run_scoped3A_114 : memref<!tpu.dma_semaphore, #tpu.memory_space<semaphore_mem>>) {add = true}
        %dma_wait3A_121 = arith.constant 0 : i32
        %dma_wait3A_122 = tpu.memref_slice %arg7[%add3A_99, %dma_wait3A_121] : memref<63x80xi32, #tpu.memory_space<vmem>> -> memref<1x80xi32, #tpu.memory_space<vmem>>
        %dma_wait3A_123 = tpu.memref_squeeze %dma_wait3A_122 : memref<1x80xi32, #tpu.memory_space<vmem>> -> memref<80xi32, #tpu.memory_space<vmem>>
        %dma_wait3A_124 = arith.constant 0 : i32
        %dma_wait3A_125 = arith.constant 0 : i32
        %dma_wait3A_126 = tpu.memref_slice %arg11[%dma_wait3A_124, %dma_wait3A_125] : memref<10240x128xf32, #tpu.memory_space<vmem_shared>> -> memref<10240x128xf32, #tpu.memory_space<vmem_shared>>
        tpu.wait_indirect_dma semaphore(%run_scoped3A_114 : memref<!tpu.dma_semaphore, #tpu.memory_space<semaphore_mem>>) src(%arg10 : memref<80x128xf32, #tpu.memory_space<vmem>>) dst(%dma_wait3A_126 : memref<10240x128xf32, #tpu.memory_space<vmem_shared>>)
        tpu.yield
      }) : () -> ()
      %scan3A_113 = arith.constant 0 : i32
      scf.yield %scan3A_113 : i32
    }
    %scan3A_59 = arith.constant 21 : i32
    %barrier3A_60 = arith.constant 0 : index
    tpu.barrier barrier_id(%barrier3A_60)
    %mul3A_61 = arith.constant 10240 : i32
    %mul3A_62 = arith.muli %arg0, %mul3A_61 : i32
    %add3A_63 = arith.addi %mul3A_62, %mul3A_8 : i32
    "tpu.region"() ({
      %run_scoped3A_64 = tpu.sem_alloc : memref<!tpu.dma_semaphore, #tpu.memory_space<semaphore_mem>>
      %dma_start3A_65 = arith.constant 0 : i32
      %dma_start3A_66 = tpu.memref_slice %arg5[%add3A_63, %dma_start3A_65] : memref<20480x128xf32, #tpu.memory_space<hbm>> -> memref<640x128xf32, #tpu.memory_space<hbm>>
      %dma_start3A_67 = arith.constant 0 : i32
      %dma_start3A_68 = tpu.memref_slice %arg11[%mul3A_8, %dma_start3A_67] : memref<10240x128xf32, #tpu.memory_space<vmem_shared>> -> memref<640x128xf32, #tpu.memory_space<vmem_shared>>
      tpu.enqueue_dma source(%dma_start3A_68 : memref<640x128xf32, #tpu.memory_space<vmem_shared>>) target(%dma_start3A_66 : memref<640x128xf32, #tpu.memory_space<hbm>>) target_semaphore(%run_scoped3A_64 : memref<!tpu.dma_semaphore, #tpu.memory_space<semaphore_mem>>)
      %dma_wait3A = arith.constant 0 : i32
      %dma_wait3A_69 = tpu.memref_slice %arg5[%add3A_63, %dma_wait3A] : memref<20480x128xf32, #tpu.memory_space<hbm>> -> memref<640x128xf32, #tpu.memory_space<hbm>>
      %dma_wait3A_70 = arith.constant 0 : i32
      %dma_wait3A_71 = tpu.memref_slice %arg11[%mul3A_8, %dma_wait3A_70] : memref<10240x128xf32, #tpu.memory_space<vmem_shared>> -> memref<640x128xf32, #tpu.memory_space<vmem_shared>>
      tpu.wait_dma2 semaphore(%run_scoped3A_64 : memref<!tpu.dma_semaphore, #tpu.memory_space<semaphore_mem>>) src(%dma_wait3A_71 : memref<640x128xf32, #tpu.memory_space<vmem_shared>>) dst(%dma_wait3A_69 : memref<640x128xf32, #tpu.memory_space<hbm>>)
      tpu.yield
    }) : () -> ()
    return
  }
}

#map = affine_map<(d0, d1) -> (0, 0, 0, 0)>
#map1 = affine_map<(d0, d1) -> (0)>
module attributes {stable_mosaic.version = 14 : i64} {
  func.func @deg_k(%arg0: i32, %arg1: i32, %arg2: memref<32x2x63x80xi32, #tpu.memory_space<hbm>>, %arg3: memref<20480xf32, #tpu.memory_space<hbm>>, %arg4: memref<2x63x80xi32, #tpu.memory_space<vmem>>, %arg5: memref<80xf32, #tpu.memory_space<vmem>>, %arg6: memref<640xf32, #tpu.memory_space<vmem>>, %arg7: memref<10240xf32, #tpu.memory_space<vmem_shared>>) attributes {dimension_semantics = [#tpu.dimension_semantics<core_parallel>, #tpu.dimension_semantics<subcore_parallel>], iteration_bounds = array<i64: 2, 16>, scalar_prefetch = 0 : i64, scratch_operands = 4 : i64, tpu.core_type = #tpu.core_type<sc_vector_subcore>, window_params = [{transform_indices = #map}, {transform_indices = #map1}]} {
    %mul3A = arith.constant 16 : i32
    %mul3A_0 = arith.muli %arg0, %mul3A : i32
    %add3A = arith.addi %mul3A_0, %arg1 : i32
    "tpu.region"() ({
      %run_scoped3A = tpu.sem_alloc : memref<!tpu.dma_semaphore, #tpu.memory_space<semaphore_mem>>
      %dma_start3A = arith.constant 0 : i32
      %dma_start3A_34 = arith.constant 0 : i32
      %dma_start3A_35 = arith.constant 0 : i32
      %dma_start3A_36 = tpu.memref_slice %arg2[%add3A, %dma_start3A, %dma_start3A_34, %dma_start3A_35] : memref<32x2x63x80xi32, #tpu.memory_space<hbm>> -> memref<1x2x63x80xi32, #tpu.memory_space<hbm>>
      %dma_start3A_37 = tpu.memref_squeeze %dma_start3A_36 : memref<1x2x63x80xi32, #tpu.memory_space<hbm>> -> memref<2x63x80xi32, #tpu.memory_space<hbm>>
      %dma_start3A_38 = arith.constant 0 : i32
      %dma_start3A_39 = arith.constant 0 : i32
      %dma_start3A_40 = arith.constant 0 : i32
      %dma_start3A_41 = tpu.memref_slice %arg2[%add3A, %dma_start3A_38, %dma_start3A_39, %dma_start3A_40] : memref<32x2x63x80xi32, #tpu.memory_space<hbm>> -> memref<1x2x63x80xi32, #tpu.memory_space<hbm>>
      %dma_start3A_42 = tpu.memref_squeeze %dma_start3A_41 : memref<1x2x63x80xi32, #tpu.memory_space<hbm>> -> memref<2x63x80xi32, #tpu.memory_space<hbm>>
      tpu.enqueue_dma source(%dma_start3A_42 : memref<2x63x80xi32, #tpu.memory_space<hbm>>) target(%arg4 : memref<2x63x80xi32, #tpu.memory_space<vmem>>) target_semaphore(%run_scoped3A : memref<!tpu.dma_semaphore, #tpu.memory_space<semaphore_mem>>)
      %dma_wait3A = arith.constant 0 : i32
      %dma_wait3A_43 = arith.constant 0 : i32
      %dma_wait3A_44 = arith.constant 0 : i32
      %dma_wait3A_45 = tpu.memref_slice %arg2[%add3A, %dma_wait3A, %dma_wait3A_43, %dma_wait3A_44] : memref<32x2x63x80xi32, #tpu.memory_space<hbm>> -> memref<1x2x63x80xi32, #tpu.memory_space<hbm>>
      %dma_wait3A_46 = tpu.memref_squeeze %dma_wait3A_45 : memref<1x2x63x80xi32, #tpu.memory_space<hbm>> -> memref<2x63x80xi32, #tpu.memory_space<hbm>>
      %dma_wait3A_47 = arith.constant 0 : i32
      %dma_wait3A_48 = arith.constant 0 : i32
      %dma_wait3A_49 = arith.constant 0 : i32
      %dma_wait3A_50 = tpu.memref_slice %arg2[%add3A, %dma_wait3A_47, %dma_wait3A_48, %dma_wait3A_49] : memref<32x2x63x80xi32, #tpu.memory_space<hbm>> -> memref<1x2x63x80xi32, #tpu.memory_space<hbm>>
      %dma_wait3A_51 = tpu.memref_squeeze %dma_wait3A_50 : memref<1x2x63x80xi32, #tpu.memory_space<hbm>> -> memref<2x63x80xi32, #tpu.memory_space<hbm>>
      tpu.wait_dma2 semaphore(%run_scoped3A : memref<!tpu.dma_semaphore, #tpu.memory_space<semaphore_mem>>) src(%dma_wait3A_51 : memref<2x63x80xi32, #tpu.memory_space<hbm>>) dst(%arg4 : memref<2x63x80xi32, #tpu.memory_space<vmem>>)
      tpu.yield
    }) : () -> ()
    %scan3A = arith.constant 0 : i32
    %scan3A_1 = arith.constant 0 : i32
    %scan3A_2 = arith.constant 5 : i32
    %scan3A_3 = arith.addi %scan3A_1, %scan3A_2 : i32
    %scan3A_4 = arith.constant 1 : i32
    %scan3A_5 = scf.for %scan3A_34 = %scan3A_1 to %scan3A_3 step %scan3A_4 iter_args(%scan3A_35 = %scan3A) -> (i32)  : i32 {
      %broadcast_in_dim3A = arith.constant 1.000000e+00 : f32
      %broadcast_in_dim3A_36 = vector.broadcast %broadcast_in_dim3A : f32 to vector<16xf32>
      %mul3A_37 = arith.constant 16 : i32
      %mul3A_38 = arith.muli %scan3A_34, %mul3A_37 : i32
      %swap3A = arith.index_cast %mul3A_38 : i32 to index
      %swap3A_39 = tpu.vector_load %arg5[%swap3A] {strides = array<i32>} : memref<80xf32, #tpu.memory_space<vmem>>, vector<16xf32>,
      %swap3A_40 = vector.shape_cast %swap3A_39 : vector<16xf32> to vector<16xf32>
      %swap3A_41 = vector.shape_cast %broadcast_in_dim3A_36 : vector<16xf32> to vector<16xf32>
      tpu.vector_store %arg5[%swap3A], %swap3A_41 {strides = array<i32>} : memref<80xf32, #tpu.memory_space<vmem>>, vector<16xf32>,
      %scan3A_42 = arith.constant 0 : i32
      scf.yield %scan3A_42 : i32
    }
    %scan3A_6 = arith.constant 5 : i32
    %scan3A_7 = arith.constant 0 : i32
    %scan3A_8 = arith.constant 0 : i32
    %scan3A_9 = arith.constant 40 : i32
    %scan3A_10 = arith.addi %scan3A_8, %scan3A_9 : i32
    %scan3A_11 = arith.constant 1 : i32
    %scan3A_12 = scf.for %scan3A_34 = %scan3A_8 to %scan3A_10 step %scan3A_11 iter_args(%scan3A_35 = %scan3A_7) -> (i32)  : i32 {
      %broadcast_in_dim3A = arith.constant 0.000000e+00 : f32
      %broadcast_in_dim3A_36 = vector.broadcast %broadcast_in_dim3A : f32 to vector<16xf32>
      %mul3A_37 = arith.constant 16 : i32
      %mul3A_38 = arith.muli %scan3A_34, %mul3A_37 : i32
      %swap3A = arith.index_cast %mul3A_38 : i32 to index
      %swap3A_39 = tpu.vector_load %arg6[%swap3A] {strides = array<i32>} : memref<640xf32, #tpu.memory_space<vmem>>, vector<16xf32>,
      %swap3A_40 = vector.shape_cast %swap3A_39 : vector<16xf32> to vector<16xf32>
      %swap3A_41 = vector.shape_cast %broadcast_in_dim3A_36 : vector<16xf32> to vector<16xf32>
      tpu.vector_store %arg6[%swap3A], %swap3A_41 {strides = array<i32>} : memref<640xf32, #tpu.memory_space<vmem>>, vector<16xf32>,
      %scan3A_42 = arith.constant 0 : i32
      scf.yield %scan3A_42 : i32
    }
    %scan3A_13 = arith.constant 40 : i32
    %mul3A_14 = arith.constant 640 : i32
    %mul3A_15 = arith.muli %arg1, %mul3A_14 : i32
    "tpu.region"() ({
      %run_scoped3A = tpu.sem_alloc : memref<!tpu.dma_semaphore, #tpu.memory_space<semaphore_mem>>
      %dma_start3A = tpu.memref_slice %arg7[%mul3A_15] : memref<10240xf32, #tpu.memory_space<vmem_shared>> -> memref<640xf32, #tpu.memory_space<vmem_shared>>
      %dma_start3A_34 = tpu.memref_slice %arg7[%mul3A_15] : memref<10240xf32, #tpu.memory_space<vmem_shared>> -> memref<640xf32, #tpu.memory_space<vmem_shared>>
      tpu.enqueue_dma source(%arg6 : memref<640xf32, #tpu.memory_space<vmem>>) target(%dma_start3A_34 : memref<640xf32, #tpu.memory_space<vmem_shared>>) target_semaphore(%run_scoped3A : memref<!tpu.dma_semaphore, #tpu.memory_space<semaphore_mem>>)
      %dma_wait3A = tpu.memref_slice %arg7[%mul3A_15] : memref<10240xf32, #tpu.memory_space<vmem_shared>> -> memref<640xf32, #tpu.memory_space<vmem_shared>>
      %dma_wait3A_35 = tpu.memref_slice %arg7[%mul3A_15] : memref<10240xf32, #tpu.memory_space<vmem_shared>> -> memref<640xf32, #tpu.memory_space<vmem_shared>>
      tpu.wait_dma2 semaphore(%run_scoped3A : memref<!tpu.dma_semaphore, #tpu.memory_space<semaphore_mem>>) src(%arg6 : memref<640xf32, #tpu.memory_space<vmem>>) dst(%dma_wait3A_35 : memref<640xf32, #tpu.memory_space<vmem_shared>>)
      tpu.yield
    }) : () -> ()
    %barrier3A = arith.constant 0 : index
    tpu.barrier barrier_id(%barrier3A)
    %scan3A_16 = arith.constant 0 : i32
    %scan3A_17 = arith.constant 0 : i32
    %scan3A_18 = arith.constant 63 : i32
    %scan3A_19 = arith.addi %scan3A_17, %scan3A_18 : i32
    %scan3A_20 = arith.constant 1 : i32
    %scan3A_21 = scf.for %scan3A_34 = %scan3A_17 to %scan3A_19 step %scan3A_20 iter_args(%scan3A_35 = %scan3A_16) -> (i32)  : i32 {
      %run_scoped3A = arith.constant 0 : i32
      "tpu.region"() ({
        %run_scoped3A_37 = tpu.sem_alloc : memref<!tpu.dma_semaphore, #tpu.memory_space<semaphore_mem>>
        %dma_start3A = arith.constant 0 : i32
        %dma_start3A_38 = tpu.memref_slice %arg4[%run_scoped3A, %scan3A_34, %dma_start3A] : memref<2x63x80xi32, #tpu.memory_space<vmem>> -> memref<1x1x80xi32, #tpu.memory_space<vmem>>
        %dma_start3A_39 = tpu.memref_squeeze %dma_start3A_38 : memref<1x1x80xi32, #tpu.memory_space<vmem>> -> memref<80xi32, #tpu.memory_space<vmem>>
        %dma_start3A_40 = arith.constant 0 : i32
        %dma_start3A_41 = tpu.memref_slice %arg7[%dma_start3A_40] : memref<10240xf32, #tpu.memory_space<vmem_shared>> -> memref<10240xf32, #tpu.memory_space<vmem_shared>>
        tpu.enqueue_indirect_dma source(%arg5 : memref<80xf32, #tpu.memory_space<vmem>>) target(%dma_start3A_41 : memref<10240xf32, #tpu.memory_space<vmem_shared>>) offsets(%dma_start3A_39 : memref<80xi32, #tpu.memory_space<vmem>>) semaphore(%run_scoped3A_37 : memref<!tpu.dma_semaphore, #tpu.memory_space<semaphore_mem>>) {add = true}
        %dma_wait3A = arith.constant 0 : i32
        %dma_wait3A_42 = tpu.memref_slice %arg4[%run_scoped3A, %scan3A_34, %dma_wait3A] : memref<2x63x80xi32, #tpu.memory_space<vmem>> -> memref<1x1x80xi32, #tpu.memory_space<vmem>>
        %dma_wait3A_43 = tpu.memref_squeeze %dma_wait3A_42 : memref<1x1x80xi32, #tpu.memory_space<vmem>> -> memref<80xi32, #tpu.memory_space<vmem>>
        %dma_wait3A_44 = arith.constant 0 : i32
        %dma_wait3A_45 = tpu.memref_slice %arg7[%dma_wait3A_44] : memref<10240xf32, #tpu.memory_space<vmem_shared>> -> memref<10240xf32, #tpu.memory_space<vmem_shared>>
        tpu.wait_indirect_dma semaphore(%run_scoped3A_37 : memref<!tpu.dma_semaphore, #tpu.memory_space<semaphore_mem>>) src(%arg5 : memref<80xf32, #tpu.memory_space<vmem>>) dst(%dma_wait3A_45 : memref<10240xf32, #tpu.memory_space<vmem_shared>>)
        tpu.yield
      }) : () -> ()
      %scan3A_36 = arith.constant 0 : i32
      scf.yield %scan3A_36 : i32
    }
    %scan3A_22 = arith.constant 63 : i32
    %scan3A_23 = arith.constant 0 : i32
    %scan3A_24 = arith.constant 0 : i32
    %scan3A_25 = arith.constant 63 : i32
    %scan3A_26 = arith.addi %scan3A_24, %scan3A_25 : i32
    %scan3A_27 = arith.constant 1 : i32
    %scan3A_28 = scf.for %scan3A_34 = %scan3A_24 to %scan3A_26 step %scan3A_27 iter_args(%scan3A_35 = %scan3A_23) -> (i32)  : i32 {
      %run_scoped3A = arith.constant 1 : i32
      "tpu.region"() ({
        %run_scoped3A_37 = tpu.sem_alloc : memref<!tpu.dma_semaphore, #tpu.memory_space<semaphore_mem>>
        %dma_start3A = arith.constant 0 : i32
        %dma_start3A_38 = tpu.memref_slice %arg4[%run_scoped3A, %scan3A_34, %dma_start3A] : memref<2x63x80xi32, #tpu.memory_space<vmem>> -> memref<1x1x80xi32, #tpu.memory_space<vmem>>
        %dma_start3A_39 = tpu.memref_squeeze %dma_start3A_38 : memref<1x1x80xi32, #tpu.memory_space<vmem>> -> memref<80xi32, #tpu.memory_space<vmem>>
        %dma_start3A_40 = arith.constant 0 : i32
        %dma_start3A_41 = tpu.memref_slice %arg7[%dma_start3A_40] : memref<10240xf32, #tpu.memory_space<vmem_shared>> -> memref<10240xf32, #tpu.memory_space<vmem_shared>>
        tpu.enqueue_indirect_dma source(%arg5 : memref<80xf32, #tpu.memory_space<vmem>>) target(%dma_start3A_41 : memref<10240xf32, #tpu.memory_space<vmem_shared>>) offsets(%dma_start3A_39 : memref<80xi32, #tpu.memory_space<vmem>>) semaphore(%run_scoped3A_37 : memref<!tpu.dma_semaphore, #tpu.memory_space<semaphore_mem>>) {add = true}
        %dma_wait3A = arith.constant 0 : i32
        %dma_wait3A_42 = tpu.memref_slice %arg4[%run_scoped3A, %scan3A_34, %dma_wait3A] : memref<2x63x80xi32, #tpu.memory_space<vmem>> -> memref<1x1x80xi32, #tpu.memory_space<vmem>>
        %dma_wait3A_43 = tpu.memref_squeeze %dma_wait3A_42 : memref<1x1x80xi32, #tpu.memory_space<vmem>> -> memref<80xi32, #tpu.memory_space<vmem>>
        %dma_wait3A_44 = arith.constant 0 : i32
        %dma_wait3A_45 = tpu.memref_slice %arg7[%dma_wait3A_44] : memref<10240xf32, #tpu.memory_space<vmem_shared>> -> memref<10240xf32, #tpu.memory_space<vmem_shared>>
        tpu.wait_indirect_dma semaphore(%run_scoped3A_37 : memref<!tpu.dma_semaphore, #tpu.memory_space<semaphore_mem>>) src(%arg5 : memref<80xf32, #tpu.memory_space<vmem>>) dst(%dma_wait3A_45 : memref<10240xf32, #tpu.memory_space<vmem_shared>>)
        tpu.yield
      }) : () -> ()
      %scan3A_36 = arith.constant 0 : i32
      scf.yield %scan3A_36 : i32
    }
    %scan3A_29 = arith.constant 63 : i32
    %barrier3A_30 = arith.constant 0 : index
    tpu.barrier barrier_id(%barrier3A_30)
    %mul3A_31 = arith.constant 10240 : i32
    %mul3A_32 = arith.muli %arg0, %mul3A_31 : i32
    %add3A_33 = arith.addi %mul3A_32, %mul3A_15 : i32
    "tpu.region"() ({
      %run_scoped3A = tpu.sem_alloc : memref<!tpu.dma_semaphore, #tpu.memory_space<semaphore_mem>>
      %dma_start3A = tpu.memref_slice %arg3[%add3A_33] : memref<20480xf32, #tpu.memory_space<hbm>> -> memref<640xf32, #tpu.memory_space<hbm>>
      %dma_start3A_34 = tpu.memref_slice %arg7[%mul3A_15] : memref<10240xf32, #tpu.memory_space<vmem_shared>> -> memref<640xf32, #tpu.memory_space<vmem_shared>>
      tpu.enqueue_dma source(%dma_start3A_34 : memref<640xf32, #tpu.memory_space<vmem_shared>>) target(%dma_start3A : memref<640xf32, #tpu.memory_space<hbm>>) target_semaphore(%run_scoped3A : memref<!tpu.dma_semaphore, #tpu.memory_space<semaphore_mem>>)
      %dma_wait3A = tpu.memref_slice %arg3[%add3A_33] : memref<20480xf32, #tpu.memory_space<hbm>> -> memref<640xf32, #tpu.memory_space<hbm>>
      %dma_wait3A_35 = tpu.memref_slice %arg7[%mul3A_15] : memref<10240xf32, #tpu.memory_space<vmem_shared>> -> memref<640xf32, #tpu.memory_space<vmem_shared>>
      tpu.wait_dma2 semaphore(%run_scoped3A : memref<!tpu.dma_semaphore, #tpu.memory_space<semaphore_mem>>) src(%dma_wait3A_35 : memref<640xf32, #tpu.memory_space<vmem_shared>>) dst(%dma_wait3A : memref<640xf32, #tpu.memory_space<hbm>>)
      tpu.yield
    }) : () -> ()
    return
  }
}

module attributes {stable_mosaic.version = 14 : i64} {
  func.func @body(%arg0: i32, %arg1: memref<256x128xf32, #tpu.memory_space<vmem>>, %arg2: memref<128x128xf32, #tpu.memory_space<vmem>>, %arg3: memref<256x1xf32, #tpu.memory_space<vmem>>, %arg4: memref<256x128xf32, #tpu.memory_space<vmem>>) attributes {dimension_semantics = [#tpu.dimension_semantics<arbitrary>], iteration_bounds = array<i64: 40>, scalar_prefetch = 0 : i64, scratch_operands = 0 : i64, tpu.core_type = #tpu.core_type<tc>, window_params = [{transform_indices = @transform_0, window_bounds = array<i64: 256, 128>}, {pipeline_mode = #tpu.pipeline_mode<synchronous>, transform_indices = @transform_1, window_bounds = array<i64: 128, 128>}, {transform_indices = @transform_2, window_bounds = array<i64: 256, 1>}, {transform_indices = @transform_3, window_bounds = array<i64: 256, 128>}]} {
    %get3A = arith.constant 0 : index
    %get3A_0 = arith.constant 0 : index
    %get3A_1 = vector.load %arg1[%get3A, %get3A_0] : memref<256x128xf32, #tpu.memory_space<vmem>>, vector<256x128xf32>
    %get3A_2 = arith.constant 0 : index
    %get3A_3 = arith.constant 0 : index
    %get3A_4 = vector.load %arg2[%get3A_2, %get3A_3] : memref<128x128xf32, #tpu.memory_space<vmem>>, vector<128x128xf32>
    %dot_general3A = arith.constant dense<0.000000e+00> : vector<256x128xf32>
    %dot_general3A_5 = tpu.matmul %get3A_1, %get3A_4, %dot_general3A {dimension_numbers = #tpu.dot_dimension_numbers<[1], [0], [0], [1], [0, 0, 1, 1], [], []>, transpose_lhs_hint = false} : vector<256x128xf32>, vector<128x128xf32>, vector<256x128xf32> -> vector<256x128xf32>
    %get3A_6 = arith.constant 0 : index
    %get3A_7 = arith.constant 0 : index
    %get3A_8 = vector.load %arg3[%get3A_6, %get3A_7] : memref<256x1xf32, #tpu.memory_space<vmem>>, vector<256x1xf32>
    %mul3A = vector.broadcast %get3A_8 : vector<256x1xf32> to vector<256x128xf32>
    %mul3A_9 = arith.mulf %dot_general3A_5, %mul3A : vector<256x128xf32>
    %swap3A = arith.constant 0 : index
    %swap3A_10 = arith.constant 0 : index
    %swap3A_11 = vector.load %arg4[%swap3A, %swap3A_10] : memref<256x128xf32, #tpu.memory_space<vmem>>, vector<256x128xf32>
    tpu.vector_store %arg4[%swap3A, %swap3A_10], %mul3A_9 {strides = array<i32>} : memref<256x128xf32, #tpu.memory_space<vmem>>, vector<256x128xf32>,
    return
  }
  func.func @transform_0(%arg0: i32) -> (i32, i32) {
    %c0_i32 = arith.constant 0 : i32
    %c0_i32_0 = arith.constant 0 : i32
    return %arg0, %c0_i32 : i32, i32
  }
  func.func @transform_1(%arg0: i32) -> (i32, i32) {
    %c0_i32 = arith.constant 0 : i32
    %c0_i32_0 = arith.constant 0 : i32
    %c0_i32_1 = arith.constant 0 : i32
    return %c0_i32, %c0_i32_0 : i32, i32
  }
  func.func @transform_2(%arg0: i32) -> (i32, i32) {
    %c0_i32 = arith.constant 0 : i32
    %c0_i32_0 = arith.constant 0 : i32
    return %arg0, %c0_i32 : i32, i32
  }
  func.func @transform_3(%arg0: i32) -> (i32, i32) {
    %c0_i32 = arith.constant 0 : i32
    %c0_i32_0 = arith.constant 0 : i32
    return %arg0, %c0_i32 : i32, i32
  }
}

module attributes {stable_mosaic.version = 14 : i64} {
  func.func @body(%arg0: i32, %arg1: memref<256x128xf32, #tpu.memory_space<vmem>>, %arg2: memref<256x128xf32, #tpu.memory_space<vmem>>, %arg3: memref<256x128xf32, #tpu.memory_space<vmem>>, %arg4: memref<256x1xf32, #tpu.memory_space<vmem>>, %arg5: memref<1x128xf32, #tpu.memory_space<vmem>>, %arg6: memref<1x128xf32, #tpu.memory_space<vmem>>, %arg7: memref<1x128xf32, #tpu.memory_space<vmem>>, %arg8: memref<128x128xf32, #tpu.memory_space<vmem>>, %arg9: memref<256x128xf32, #tpu.memory_space<vmem>>) attributes {dimension_semantics = [#tpu.dimension_semantics<arbitrary>], iteration_bounds = array<i64: 40>, scalar_prefetch = 0 : i64, scratch_operands = 0 : i64, tpu.core_type = #tpu.core_type<tc>, window_params = [{transform_indices = @transform_0, window_bounds = array<i64: 256, 128>}, {transform_indices = @transform_1, window_bounds = array<i64: 256, 128>}, {transform_indices = @transform_2, window_bounds = array<i64: 256, 128>}, {transform_indices = @transform_3, window_bounds = array<i64: 256, 1>}, {pipeline_mode = #tpu.pipeline_mode<synchronous>, transform_indices = @transform_4, window_bounds = array<i64: 1, 128>}, {pipeline_mode = #tpu.pipeline_mode<synchronous>, transform_indices = @transform_5, window_bounds = array<i64: 1, 128>}, {pipeline_mode = #tpu.pipeline_mode<synchronous>, transform_indices = @transform_6, window_bounds = array<i64: 1, 128>}, {pipeline_mode = #tpu.pipeline_mode<synchronous>, transform_indices = @transform_7, window_bounds = array<i64: 128, 128>}, {transform_indices = @transform_8, window_bounds = array<i64: 256, 128>}]} {
    %get3A = arith.constant 0 : index
    %get3A_0 = arith.constant 0 : index
    %get3A_1 = vector.load %arg1[%get3A, %get3A_0] : memref<256x128xf32, #tpu.memory_space<vmem>>, vector<256x128xf32>
    %get3A_2 = arith.constant 0 : index
    %get3A_3 = arith.constant 0 : index
    %get3A_4 = vector.load %arg2[%get3A_2, %get3A_3] : memref<256x128xf32, #tpu.memory_space<vmem>>, vector<256x128xf32>
    %add3A = arith.addf %get3A_1, %get3A_4 : vector<256x128xf32>
    %get3A_5 = arith.constant 0 : index
    %get3A_6 = arith.constant 0 : index
    %get3A_7 = vector.load %arg3[%get3A_5, %get3A_6] : memref<256x128xf32, #tpu.memory_space<vmem>>, vector<256x128xf32>
    %add3A_8 = arith.addf %add3A, %get3A_7 : vector<256x128xf32>
    %get3A_9 = arith.constant 0 : index
    %get3A_10 = arith.constant 0 : index
    %get3A_11 = vector.load %arg4[%get3A_9, %get3A_10] : memref<256x1xf32, #tpu.memory_space<vmem>>, vector<256x1xf32>
    %mul3A = vector.broadcast %get3A_11 : vector<256x1xf32> to vector<256x128xf32>
    %mul3A_12 = arith.mulf %add3A_8, %mul3A : vector<256x128xf32>
    %get3A_13 = arith.constant 0 : index
    %get3A_14 = arith.constant 0 : index
    %get3A_15 = vector.load %arg5[%get3A_13, %get3A_14] : memref<1x128xf32, #tpu.memory_space<vmem>>, vector<1x128xf32>
    %add3A_16 = vector.broadcast %get3A_15 : vector<1x128xf32> to vector<256x128xf32>
    %add3A_17 = arith.addf %mul3A_12, %add3A_16 : vector<256x128xf32>
    %get3A_18 = arith.constant 0 : index
    %get3A_19 = arith.constant 0 : index
    %get3A_20 = vector.load %arg6[%get3A_18, %get3A_19] : memref<1x128xf32, #tpu.memory_space<vmem>>, vector<1x128xf32>
    %mul3A_21 = vector.broadcast %get3A_20 : vector<1x128xf32> to vector<256x128xf32>
    %mul3A_22 = arith.mulf %add3A_17, %mul3A_21 : vector<256x128xf32>
    %get3A_23 = arith.constant 0 : index
    %get3A_24 = arith.constant 0 : index
    %get3A_25 = vector.load %arg7[%get3A_23, %get3A_24] : memref<1x128xf32, #tpu.memory_space<vmem>>, vector<1x128xf32>
    %add3A_26 = vector.broadcast %get3A_25 : vector<1x128xf32> to vector<256x128xf32>
    %add3A_27 = arith.addf %mul3A_22, %add3A_26 : vector<256x128xf32>
    %max3A = arith.constant 0.000000e+00 : f32
    %max3A_28 = vector.broadcast %max3A : f32 to vector<256x128xf32>
    %max3A_29 = arith.maximumf %add3A_27, %max3A_28 : vector<256x128xf32>
    %get3A_30 = arith.constant 0 : index
    %get3A_31 = arith.constant 0 : index
    %get3A_32 = vector.load %arg8[%get3A_30, %get3A_31] : memref<128x128xf32, #tpu.memory_space<vmem>>, vector<128x128xf32>
    %dot_general3A = arith.constant dense<0.000000e+00> : vector<256x128xf32>
    %dot_general3A_33 = tpu.matmul %max3A_29, %get3A_32, %dot_general3A {dimension_numbers = #tpu.dot_dimension_numbers<[1], [0], [0], [1], [0, 0, 1, 1], [], []>, transpose_lhs_hint = false} : vector<256x128xf32>, vector<128x128xf32>, vector<256x128xf32> -> vector<256x128xf32>
    %get3A_34 = arith.constant 0 : index
    %get3A_35 = arith.constant 0 : index
    %get3A_36 = vector.load %arg4[%get3A_34, %get3A_35] : memref<256x1xf32, #tpu.memory_space<vmem>>, vector<256x1xf32>
    %mul3A_37 = vector.broadcast %get3A_36 : vector<256x1xf32> to vector<256x128xf32>
    %mul3A_38 = arith.mulf %dot_general3A_33, %mul3A_37 : vector<256x128xf32>
    %swap3A = arith.constant 0 : index
    %swap3A_39 = arith.constant 0 : index
    %swap3A_40 = vector.load %arg9[%swap3A, %swap3A_39] : memref<256x128xf32, #tpu.memory_space<vmem>>, vector<256x128xf32>
    tpu.vector_store %arg9[%swap3A, %swap3A_39], %mul3A_38 {strides = array<i32>} : memref<256x128xf32, #tpu.memory_space<vmem>>, vector<256x128xf32>,
    return
  }
  func.func @transform_0(%arg0: i32) -> (i32, i32) {
    %c0_i32 = arith.constant 0 : i32
    %c0_i32_0 = arith.constant 0 : i32
    return %arg0, %c0_i32 : i32, i32
  }
  func.func @transform_1(%arg0: i32) -> (i32, i32) {
    %add3A = arith.constant 40 : i32
    %add3A_0 = arith.addi %arg0, %add3A : i32
    %c0_i32 = arith.constant 0 : i32
    %c0_i32_1 = arith.constant 0 : i32
    return %add3A_0, %c0_i32 : i32, i32
  }
  func.func @transform_2(%arg0: i32) -> (i32, i32) {
    %c0_i32 = arith.constant 0 : i32
    %c0_i32_0 = arith.constant 0 : i32
    return %arg0, %c0_i32 : i32, i32
  }
  func.func @transform_3(%arg0: i32) -> (i32, i32) {
    %c0_i32 = arith.constant 0 : i32
    %c0_i32_0 = arith.constant 0 : i32
    return %arg0, %c0_i32 : i32, i32
  }
  func.func @transform_4(%arg0: i32) -> (i32, i32) {
    %c0_i32 = arith.constant 0 : i32
    %c0_i32_0 = arith.constant 0 : i32
    %c0_i32_1 = arith.constant 0 : i32
    return %c0_i32, %c0_i32_0 : i32, i32
  }
  func.func @transform_5(%arg0: i32) -> (i32, i32) {
    %c0_i32 = arith.constant 0 : i32
    %c0_i32_0 = arith.constant 0 : i32
    %c0_i32_1 = arith.constant 0 : i32
    return %c0_i32, %c0_i32_0 : i32, i32
  }
  func.func @transform_6(%arg0: i32) -> (i32, i32) {
    %c0_i32 = arith.constant 0 : i32
    %c0_i32_0 = arith.constant 0 : i32
    %c0_i32_1 = arith.constant 0 : i32
    return %c0_i32, %c0_i32_0 : i32, i32
  }
  func.func @transform_7(%arg0: i32) -> (i32, i32) {
    %c0_i32 = arith.constant 0 : i32
    %c0_i32_0 = arith.constant 0 : i32
    %c0_i32_1 = arith.constant 0 : i32
    return %c0_i32, %c0_i32_0 : i32, i32
  }
  func.func @transform_8(%arg0: i32) -> (i32, i32) {
    %c0_i32 = arith.constant 0 : i32
    %c0_i32_0 = arith.constant 0 : i32
    return %arg0, %c0_i32 : i32, i32
  }
}

module attributes {stable_mosaic.version = 14 : i64} {
  func.func @body(%arg0: i32, %arg1: memref<256x128xf32, #tpu.memory_space<vmem>>, %arg2: memref<256x128xf32, #tpu.memory_space<vmem>>, %arg3: memref<256x128xf32, #tpu.memory_space<vmem>>, %arg4: memref<256x1xf32, #tpu.memory_space<vmem>>, %arg5: memref<1x128xf32, #tpu.memory_space<vmem>>, %arg6: memref<256x128xf32, #tpu.memory_space<vmem>>) attributes {dimension_semantics = [#tpu.dimension_semantics<arbitrary>], iteration_bounds = array<i64: 40>, scalar_prefetch = 0 : i64, scratch_operands = 0 : i64, tpu.core_type = #tpu.core_type<tc>, window_params = [{transform_indices = @transform_0, window_bounds = array<i64: 256, 128>}, {transform_indices = @transform_1, window_bounds = array<i64: 256, 128>}, {transform_indices = @transform_2, window_bounds = array<i64: 256, 128>}, {transform_indices = @transform_3, window_bounds = array<i64: 256, 1>}, {pipeline_mode = #tpu.pipeline_mode<synchronous>, transform_indices = @transform_4, window_bounds = array<i64: 1, 128>}, {transform_indices = @transform_5, window_bounds = array<i64: 256, 128>}]} {
    %get3A = arith.constant 0 : index
    %get3A_0 = arith.constant 0 : index
    %get3A_1 = vector.load %arg1[%get3A, %get3A_0] : memref<256x128xf32, #tpu.memory_space<vmem>>, vector<256x128xf32>
    %get3A_2 = arith.constant 0 : index
    %get3A_3 = arith.constant 0 : index
    %get3A_4 = vector.load %arg2[%get3A_2, %get3A_3] : memref<256x128xf32, #tpu.memory_space<vmem>>, vector<256x128xf32>
    %add3A = arith.addf %get3A_1, %get3A_4 : vector<256x128xf32>
    %get3A_5 = arith.constant 0 : index
    %get3A_6 = arith.constant 0 : index
    %get3A_7 = vector.load %arg3[%get3A_5, %get3A_6] : memref<256x128xf32, #tpu.memory_space<vmem>>, vector<256x128xf32>
    %add3A_8 = arith.addf %add3A, %get3A_7 : vector<256x128xf32>
    %get3A_9 = arith.constant 0 : index
    %get3A_10 = arith.constant 0 : index
    %get3A_11 = vector.load %arg4[%get3A_9, %get3A_10] : memref<256x1xf32, #tpu.memory_space<vmem>>, vector<256x1xf32>
    %mul3A = vector.broadcast %get3A_11 : vector<256x1xf32> to vector<256x128xf32>
    %mul3A_12 = arith.mulf %add3A_8, %mul3A : vector<256x128xf32>
    %get3A_13 = arith.constant 0 : index
    %get3A_14 = arith.constant 0 : index
    %get3A_15 = vector.load %arg5[%get3A_13, %get3A_14] : memref<1x128xf32, #tpu.memory_space<vmem>>, vector<1x128xf32>
    %add3A_16 = vector.broadcast %get3A_15 : vector<1x128xf32> to vector<256x128xf32>
    %add3A_17 = arith.addf %mul3A_12, %add3A_16 : vector<256x128xf32>
    %reduce_max3A = arith.constant dense<0xFF800000> : vector<256xf32>
    %reduce_max3A_18 = vector.multi_reduction <maximumf>, %add3A_17, %reduce_max3A [1] : vector<256x128xf32> to vector<256xf32>
    %broadcast_in_dim3A = vector.shape_cast %reduce_max3A_18 : vector<256xf32> to vector<256x1xf32>
    %sub3A = vector.broadcast %broadcast_in_dim3A : vector<256x1xf32> to vector<256x128xf32>
    %sub3A_19 = arith.subf %add3A_17, %sub3A : vector<256x128xf32>
    %exp3A = math.exp %sub3A_19 : vector<256x128xf32>
    %reduce_sum3A = arith.constant dense<0.000000e+00> : vector<256xf32>
    %reduce_sum3A_20 = vector.multi_reduction <add>, %exp3A, %reduce_sum3A [1] : vector<256x128xf32> to vector<256xf32>
    %broadcast_in_dim3A_21 = vector.shape_cast %reduce_sum3A_20 : vector<256xf32> to vector<256x1xf32>
    %log3A = math.log %broadcast_in_dim3A_21 : vector<256x1xf32>
    %add3A_22 = arith.addf %log3A, %broadcast_in_dim3A : vector<256x1xf32>
    %sub3A_23 = vector.broadcast %add3A_22 : vector<256x1xf32> to vector<256x128xf32>
    %sub3A_24 = arith.subf %add3A_17, %sub3A_23 : vector<256x128xf32>
    %swap3A = arith.constant 0 : index
    %swap3A_25 = arith.constant 0 : index
    %swap3A_26 = vector.load %arg6[%swap3A, %swap3A_25] : memref<256x128xf32, #tpu.memory_space<vmem>>, vector<256x128xf32>
    tpu.vector_store %arg6[%swap3A, %swap3A_25], %sub3A_24 {strides = array<i32>} : memref<256x128xf32, #tpu.memory_space<vmem>>, vector<256x128xf32>,
    return
  }
  func.func @transform_0(%arg0: i32) -> (i32, i32) {
    %c0_i32 = arith.constant 0 : i32
    %c0_i32_0 = arith.constant 0 : i32
    return %arg0, %c0_i32 : i32, i32
  }
  func.func @transform_1(%arg0: i32) -> (i32, i32) {
    %add3A = arith.constant 40 : i32
    %add3A_0 = arith.addi %arg0, %add3A : i32
    %c0_i32 = arith.constant 0 : i32
    %c0_i32_1 = arith.constant 0 : i32
    return %add3A_0, %c0_i32 : i32, i32
  }
  func.func @transform_2(%arg0: i32) -> (i32, i32) {
    %c0_i32 = arith.constant 0 : i32
    %c0_i32_0 = arith.constant 0 : i32
    return %arg0, %c0_i32 : i32, i32
  }
  func.func @transform_3(%arg0: i32) -> (i32, i32) {
    %c0_i32 = arith.constant 0 : i32
    %c0_i32_0 = arith.constant 0 : i32
    return %arg0, %c0_i32 : i32, i32
  }
  func.func @transform_4(%arg0: i32) -> (i32, i32) {
    %c0_i32 = arith.constant 0 : i32
    %c0_i32_0 = arith.constant 0 : i32
    %c0_i32_1 = arith.constant 0 : i32
    return %c0_i32, %c0_i32_0 : i32, i32
  }
  func.func @transform_5(%arg0: i32) -> (i32, i32) {
    %c0_i32 = arith.constant 0 : i32
    %c0_i32_0 = arith.constant 0 : i32
    return %arg0, %c0_i32 : i32, i32
  }
}

</mosaic_0001>

<sc_bundles>
// kernel: kernel.11.cloned.1.call-start
scs
__scs_entry_jumppad:
0x0: {  	(pc) =	sbr.rel $0x88, $3  }
0x1: {  	(tag) =	ssettag $0x0;
	lr =	simm.s32 $0x1  }
0x2: {  	[smem:$0x3F99] =	sst lr;
	_ =	strace $0xD0000000  }
0x3: {  	_ = 	snop  }
0x4: {  	_ = 	snop  }
0x5: {  	_ = 	snop  }
0x6: {  	_ = 	snop  }
0x7: {  	_ = 	snop  }
__scs_overlays_trampoline_lowered:
0x8: {  	[smem:$0x3FA8] =	sst s0  }
0x9: {  	[smem:$0x3FA9] =	sst s1  }
0xa: {  	[smem:$0x3FAA] =	sst s2  }
0xb: {  	[smem:$0x3FAB] =	sst s3  }
0xc: {  	[smem:$0x3FAC] =	sst s4  }
0xd: {  	[smem:$0x3FAD] =	sst s5  }
0xe: {  	[smem:$0x3FAE] =	sst s6  }
0xf: {  	[smem:$0x3FAF] =	sst s7  }
0x10: {  	[smem:$0x3FB0] =	sst s8  }
0x11: {  	[smem:$0x3FB1] =	sst s9;
	s0 =	simm.s32 @!p0 $0x0  }
0x12: {  	s1 =	sld [smem:$0x3F97];
	s0 =	simm.s32 @p0 $0x1  }
0x13: {  	[smem:$0x3FB2] =	sst s0;
	s0 =	simm.s32 @!p1 $0x0  }
0x14: {  	s2 =	sld [smem:$0x3F96];
	s0 =	simm.s32 @p1 $0x1  }
0x15: {  	[smem:$0x3FB3] =	sst s0;
	s0 =	simm.s32 @!p2 $0x0  }
0x16: {  	s3 =	sld [smem:$0x3FDB];
	s0 =	simm.s32 @p2 $0x1  }
0x17: {  	s4 =	simm.s32 $0x1BF5;
	[smem:$0x3FB5] =	sst s0  }
0x18: {  	s0 =	sld [smem:$0x3F98];
	_ =	swait.ge [sflag:s4], $0x0  }
0x19: {  	s7 =	sld [smem:$0x3F99]  }
0x1a: {  	s8 =	sadd.s32 $0xFFFFE003, lr  }
0x1b: {  	s9 =	sadd.s32 $0xFFFFFEF7, lr;
	s5 =	simm.s32 $0xFFFFFFFF;
	p2 =	slt.u32 s8, $0xFFFFF086  }
0x1c: {  	p1 =	slt.u32 s9, $0xF7A;
	s5 =	simm.s32 @!p2 $0x0  }
0x1d: {  	s5 =	simm.s32 @p1 $0x1;
	p0 =	seq.s32 s7, s2  }
0x1e: {  	s7 =	smul.u32 @!p0 $0xF7A, s2;
	p2 =	seq.s32 @!p0 s5, $0x0  }
0x1f: {  	s9 =	smul.u32 $0xF7A, s1;
	s8 =	simm.s32 @!p0 $0x1BF5;
	p2 =	por !p2, p0  }
0x20: {  	[sflag:s8] =	ssyncset.s32 @!p0 $0xFFFFF086;
	s6 =	sadd.s32 @!p0 s3, s7;
	s7 =	simm.s32 @!p0 $0x108  }
0x21: {  	s3 =	sadd.s32 s3, s9;
	s6 =	sadd.s32 @!p0 $0x88, s6;
	s7 =	simm.s32 @p2 $0x1082  }
0x22: {  	[simem:s7], [sflag:s8] =	dma.local @!p0 [hbm:s6], $0xF7A  }
0x23: {  	s9 =	sor.u32 $0xD0000000, s2;
	s6 =	simm.s32 $0x108;
	_ =	swait.ge @!p0 [sflag:s8], $0x0  }
0x24: {  	s3 =	sadd.s32 $0x88, s3;
	s6 =	simm.s32 @!p1 $0x1082;
	[sflag:s4] =	ssyncset.s32 $0xFFFFF086  }
0x25: {  	[simem:s6], [sflag:s4] =	dma.local [hbm:s3], $0xF7A  }
0x26: {  	[smem:$0x3F99] =	sst s1;
	(tag) =	ssettag s2;
	_ =	strace s9  }
0x27: {  	s1 =	sld [smem:$0x3FA9]  }
0x28: {  	s2 =	sld [smem:$0x3FAA]  }
0x29: {  	s4 =	sld [smem:$0x3FAC]  }
0x2a: {  	p0 =	seq.s32 s5, $0x0;
	s5 =	sld [smem:$0x3FAD]  }
0x2b: {  	s6 =	sld [smem:$0x3FAE]  }
0x2c: {  	s7 =	sld [smem:$0x3FAF]  }
0x2d: {  	s3 =	simm.s32 $0x108;
	s8 =	sld [smem:$0x3FB0]  }
0x2e: {  	s3 =	simm.s32 @!p0 $0x1082;
	s9 =	sld [smem:$0x3FB1]  }
0x2f: {  	lr =	sadd.s32 s0, s3;
	s0 =	sld [smem:$0x3FA8]  }
0x30: {  	s3 =	sld [smem:$0x3FAB]  }
0x31: {  	[smem:$0x3FB4] =	sst s10  }
0x32: {  	s10 =	sld [smem:$0x3FB2];
	_ =	sdelay $0x3  }
0x33: {  	p0 =	seq.s32 s10, $0x1;
	s10 =	sld [smem:$0x3FB4];
	_ =	sdelay $0x3  }
0x34: {  	[smem:$0x3FB4] =	sst s10  }
0x35: {  	s10 =	sld [smem:$0x3FB3];
	_ =	sdelay $0x3  }
0x36: {  	p1 =	seq.s32 s10, $0x1;
	s10 =	sld [smem:$0x3FB4];
	_ =	sdelay $0x3  }
0x37: {  	[smem:$0x3FB4] =	sst s10  }
0x38: {  	s10 =	sld [smem:$0x3FB5]  }
0x39: {  	_ = 	snop;
	(pc) =	sbr.ind lr, $3  }
0x3a: {  	_ = 	snop  }
0x3b: {  	_ = 	snop  }
0x3c: {  	p2 =	seq.s32 s10, $0x1;
	s10 =	sld [smem:$0x3FB4]  }
0x3d: {  	_ =	shalt  }
0x3e: {  	_ =	shalt  }
0x3f: {  	_ =	shalt  }
0x40: {  	_ =	shalt  }
0x41: {  	_ =	shalt  }
0x42: {  	_ =	shalt  }
0x43: {  	_ =	shalt  }
0x44: {  	_ =	shalt  }
0x45: {  	_ =	shalt  }
0x46: {  	_ =	shalt  }
0x47: {  	_ =	shalt  }
0x48: {  	_ =	shalt  }
0x49: {  	_ =	shalt  }
0x4a: {  	_ =	shalt  }
0x4b: {  	_ =	shalt  }
0x4c: {  	_ =	shalt  }
0x4d: {  	_ =	shalt  }
0x4e: {  	_ =	shalt  }
0x4f: {  	_ =	shalt  }
0x50: {  	_ =	shalt  }
0x51: {  	_ =	shalt  }
0x52: {  	_ =	shalt  }
0x53: {  	_ =	shalt  }
0x54: {  	_ =	shalt  }
0x55: {  	_ =	shalt  }
0x56: {  	_ =	shalt  }
0x57: {  	_ =	shalt  }
0x58: {  	_ =	shalt  }
0x59: {  	_ =	shalt  }
0x5a: {  	_ =	shalt  }
0x5b: {  	_ =	shalt  }
0x5c: {  	_ =	shalt  }
0x5d: {  	_ =	shalt  }
0x5e: {  	_ =	shalt  }
0x5f: {  	_ =	shalt  }
0x60: {  	_ =	shalt  }
0x61: {  	_ =	shalt  }
0x62: {  	_ =	shalt  }
0x63: {  	_ =	shalt  }
0x64: {  	_ =	shalt  }
0x65: {  	_ =	shalt  }
0x66: {  	_ =	shalt  }
0x67: {  	_ =	shalt  }
0x68: {  	_ =	shalt  }
0x69: {  	_ =	shalt  }
0x6a: {  	_ =	shalt  }
0x6b: {  	_ =	shalt  }
0x6c: {  	_ =	shalt  }
0x6d: {  	_ =	shalt  }
0x6e: {  	_ =	shalt  }
0x6f: {  	_ =	shalt  }
0x70: {  	_ =	shalt  }
0x71: {  	_ =	shalt  }
0x72: {  	_ =	shalt  }
0x73: {  	_ =	shalt  }
0x74: {  	_ =	shalt  }
0x75: {  	_ =	shalt  }
0x76: {  	_ =	shalt  }
0x77: {  	_ =	shalt  }
0x78: {  	_ =	shalt  }
0x79: {  	_ =	shalt  }
0x7a: {  	_ =	shalt  }
0x7b: {  	_ =	shalt  }
0x7c: {  	_ =	shalt  }
0x7d: {  	_ =	shalt  }
0x7e: {  	_ =	shalt  }
0x7f: {  	_ =	shalt  }
0x80: {  	_ =	shalt  }
0x81: {  	_ =	shalt  }
0x82: {  	_ =	shalt  }
0x83: {  	_ =	shalt  }
0x84: {  	_ =	shalt  }
0x85: {  	_ =	shalt  }
0x86: {  	_ =	shalt  }
0x87: {  	_ =	shalt  }
.Lfunc_end0:
.L_simem_size_0:
called_computation.1_lowered:
.L_overlay_start_0:
0x88: {  	s2 =	sld [smem:$0x3FD9]  }
0x89: {  	s3 =	sld [smem:$0x3FFE];
	_ =	sdelay $0x1  }
0x8a: {  	s1 =	srdreg.scid  }
0x8b: {  	s0 =	sand.u32 $0x1, s1  }
0x8c: {  	s17 =	sshll.u32 s0, $0xA;
	s2 =	sadd.s32 s3, s2  }
0x8d: {  	s2 =	sadd.s32 s2, s17  }
0x8e: {  	[smem:$0x3FC0] =	sst s2  }
0x8f: {  	_ = 	snop  }
0x90: {  	s2 =	sld [smem:$0x3FD0];
	(tm) =	ssettm $0x1  }
0x91: {  	s18 =	sld [smem:$0x3FFB];
	_ =	sdelay $0x3  }
0x92: {  	_ =	strace s18  }
0x93: {  	s3 =	sld [smem:$0x3FFC];
	_ =	sdelay $0x3  }
0x94: {  	_ =	strace s3  }
0x95: {  	s3 =	sld [smem:$0x3FFD];
	_ =	sdelay $0x3  }
0x96: {  	_ =	strace s3  }
0x97: {  	_ =	strace $0x8FFFFFFF  }
0x98: {  	s19 =	sld [smem:$0x3FDB];
	_ =	sdelay $0x1  }
0x99: {  	s4 =	simm.s32 $_scs_section_size  }
0x9a: {  	s5 =	simm.s32 $_size__tile_overlayer_lowered;
	s6 =	simm.s32 $_tile_overlayer_lowered  }
0x9b: {  	s22 =	simm.s32 $0x1BFF;
	s21 =	sshll.u32 s6, $0x1;
	s3 =	sadd.s32 s4, s19  }
0x9c: {  	s7 =	simm.s32 $0x0;
	s20 =	sshll.u32 s5, $0x1;
	s5 =	sadd.s32 s21, s3  }
0x9d: {  	[timem:s7], [sflag:s22] =	dma.local [hbm:s5], s20  }
0x9e: {  	_ =	swait.ge [sflag:s22], s20  }
0x9f: {  	s4 =	ssub.s32 $0x0, s20;
	[sflag:s22] =	ssyncset.done $0x0  }
0xa0: {  	[sflag:s22] =	ssyncadd.s32 s4;
	_ =	sdelay $0x1  }
0xa1: {  	s23 =	simm.s32 $0x1B8B  }
0xa2: {  	_ =	swait.ge [sflag:s23], $0x1  }
0xa3: {  	[sflag:s23] =	ssyncset.done $0x0  }
0xa4: {  	s25 =	simm.s32 $0x1B8E;
	s24 =	sld [smem:$0x3FFE];
	[sflag:s23] =	ssyncadd.s32 $0xFFFFFFFF  }
0xa5: {  	s26 =	simm.s32 $execute0_lowered;
	[smem:$0x3FD2] =	sst s25  }
0xa6: {  	s5 =	sshll.u32 s26, $0x1;
	_ =	strace $0x80000049;
	[dreg:$0x1] =	wrdreg $0xFFFFFFFF  }
0xa7: {  	s28 =	simm.s32 $_size_execute0_lowered;
	s3 =	sadd.s32 s3, s5;
	[dreg:$0x0] =	wrdreg $0x0  }
0xa8: {  	s5 =	sshll.u32 s28, $0x1;
	[dreg:$0x2] =	wrdreg s3  }
0xa9: {  	[dreg:$0x3] =	wrdreg s5  }
0xaa: {  	[dreg:$0x4] =	wrdreg $0xC0  }
0xab: {  	_ =	task [dreg:s7], $0x5FFFF  }
0xac: {  	[dreg:$0x1] =	wrdreg $0xFFFFFFFF  }
0xad: {  	[dreg:$0x0] =	wrdreg $0x60  }
0xae: {  	[dreg:$0x2] =	wrdreg s24  }
0xaf: {  	[dreg:$0x3] =	wrdreg s2  }
0xb0: {  	[dreg:$0x4] =	wrdreg $0xB8000  }
0xb1: {  	[dreg:$0x5] =	wrdreg $0x9  }
0xb2: {  	_ =	task.clear_ibuf [dreg:s7], $0x6FFFF;
	_ =	strace $0x90000049  }
0xb3: {  	s29 =	simm.s32 $0x9;
	_ =	strace $0x8000004B  }
0xb4: {  	_ =	swait.ge [sflag:s29], $0x1  }
0xb5: {  	[sflag:s29] =	ssyncadd.s32 $0xFFFFFFFF  }
0xb6: {  	_ =	strace $0x9000004B  }
0xb7: {  	_ =	sfence  }
0xb8: {  	s30 =	sld [smem:$0x0];
	_ =	sdelay $0x2  }
0xb9: {  	s31 =	sshll.u32 s1, $0xD;
	s1 =	sshrl.u32 s1, $0x2  }
0xba: {  	s3 =	sand.u32 $0x4000, s31;
	s1 =	sadd.s32 s1, s30  }
0xbb: {  	s0 =	sor.u32 s3, s0;
	s1 =	sshll.u32 s1, $0x11  }
0xbc: {  	s0 =	sor.u32 s1, s0  }
0xbd: {  	s0 =	sadd.s32 $0x8F2B, s0  }
0xbe: {  	[sflag:s0] =	ssyncadd.remote.s32 $0x1  }
0xbf: {  	_ =	sfence.sel $0xFFFF  }
0xc0: {  	[dreg:$0x0] =	wrdreg $0xFFFFFFFF;
	(pc) =	sbr.abs _section_cstart, $3  }
0xc1: {  	[dreg:$0x1] =	wrdreg $0xFFFFFFFF  }
0xc2: {  	_ =	task.clear_ibuf [dreg:s7], $0x2FFFF;
	_ =	strace $0x9FFFFFFF  }
0xc3: {  	(tm) =	ssettm $0x7FFFFFFF  }
tec
execute0_lowered:
.L_overlay_start_1:
0x0: {  	(tag) =	ssettag $0x1  }
0x1: {  	s0 =	rddreg [dreg:$0x0]  }
0x2: {  	s1 =	srdreg.scid;
	s5 =	rddreg [dreg:$0x1]  }
0x3: {  	s10 =	stileid.u32;
	s2 =	rddreg [dreg:$0x2]  }
0x4: {  	s3 =	simm.s32 $0x0;
	s19 =	simm.s32 $0x4000;
	s20 =	simm.s32 $0x4  }
0x5: {  	s21 =	simm.s32 $0x2000;
	s28 =	simm.s32 $0x2;
	s29 =	simm.s32 $0x3  }
0x6: {  	s30 =	simm.s32 $0x1F00;
	s31 =	simm.s32 $0x3E00;
	s4 =	smul.u32 $0x280, s10  }
0x7: {  	s1 =	sand.u32 $0x1, s1;
	[smem:$0x7FF] =	sst s3;
	s23 =	smul.u32 $0x50000, s10  }
0x8: {  	s7 =	sadd.s32 $0x2E00, s0;
	s9 =	sshll.u32 s10, $0xB;
	s6 =	smul.u32 $0x2800, s1  }
0x9: {  	_ =	strace $0x8000004A;
	s22 =	ssub.s32 $0x2, s1;
	s1 =	sshll.u32 s1, $0xF  }
0xa: {  	s8 =	sshrl.u32 s22, $0x1;
	s1 =	sor.u32 s9, s1;
	s26 =	sshrl.u32 s23, $0x2  }
0xb: {  	s23 =	simm.s32 $0x80;
	s6 =	sadd.s32 s4, s6;
	s4 =	sadd.s32 $0x12E00, s0  }
0xc: {  	s24 =	sadd.s32 s7, s1;
	s25 =	sadd.s32 s5, s1;
	s1 =	sor.u32 $0x400, s1  }
0xd: {  	s9 =	sadd.s32 s26, s2;
	s26 =	simm.s32 $0x9000;
	[dreg:$0x4] =	wrdreg s24  }
0xe: {  	s6 =	sshll.u32 s6, $0x4;
	[dreg:$0x5] =	wrdreg s25;
	s7 =	sadd.s32 s7, s1  }
0xf: {  	s12 =	sadd.s32 $0x2800, s9;
	s13 =	sadd.s32 $0x5000, s9;
	s14 =	sadd.s32 $0x7800, s9  }
0x10: {  	s15 =	sadd.s32 $0xA000, s9;
	s16 =	sadd.s32 $0xC800, s9;
	s17 =	sadd.s32 $0xF000, s9  }
0x11: {  	s18 =	sadd.s32 $0x11800, s9;
	s24 =	simm.s32 $0x6800;
	s25 =	simm.s32 $0x1  }
0x12: {  	s0 =	sadd.s32 s6, s0;
	s6 =	ssub.s32 s22, s8;
	[dreg:$0x6] =	wrdreg s7  }
0x13: {  	s8 =	sadd.s32 s5, s1;
	s22 =	simm.s32 $0x50;
	s1 =	simm.s32 $0x3E80  }
0x14: {  	v0 =	vimm.f32 $0.0e+00;
	s10 =	sadd.s32 $0x3AE00, s0;
	s11 =	smax.u32 s6, $0x1;
	s0 =	simm.s32 $0x3F00  }
.LBB2_1:
0x15: {  	s5 =	simm.s32 $0x0;
	s6 =	simm.s32 $0x200  }
.LBB2_2:
0x16: {  	p0 =	sne.s32 s6, $0x9E00;
	[tilespmem:s5+$0x4070] =	vst v0  }
0x17: {  	[tilespmem:s5+$0x4000] =	vst v0  }
0x18: {  	[tilespmem:s5+$0x4010] =	vst v0  }
.Ltmp0:
0x19: {  	[tilespmem:s5+$0x4020] =	vst v0;
	(pc) =	sbr.rel @p0 .LBB2_2-.Ltmp0, $4  }
0x1a: {  	[tilespmem:s5+$0x4030] =	vst v0  }
0x1b: {  	[tilespmem:s5+$0x4040] =	vst v0  }
0x1c: {  	[tilespmem:s5+$0x4050] =	vst v0  }
0x1d: {  	[tilespmem:s5+$0x4060] =	vst v0;
	s5 =	sshra.s32 s6, $0x2;
	s6 =	sadd.s32 $0x200, s6  }
0x1e: {  	[tilespmem:s5+$0x4070] =	vst v0  }
0x1f: {  	[tilespmem:s5+$0x4000] =	vst v0  }
0x20: {  	[tilespmem:s5+$0x4010] =	vst v0  }
0x21: {  	[tilespmem:s5+$0x4020] =	vst v0  }
0x22: {  	[tilespmem:s5+$0x4030] =	vst v0  }
0x23: {  	[tilespmem:s5+$0x4040] =	vst v0  }
0x24: {  	[tilespmem:s5+$0x4050] =	vst v0  }
0x25: {  	[tilespmem:s5+$0x4060] =	vst v0  }
0x26: {  	[spmem:s9] =	stream.linear.scatter [tilespmem:s19], [sflag:$0x4], $0x2800, $0x38;
	[tilespmem:$0x1F800] =	vst v63  }
0x27: {  	_ =	swait.ge [sflag:s20], $0x2800  }
0x28: {  	[sflag:s20] =	ssyncset.done $0x0  }
0x29: {  	[sflag:s20] =	ssyncadd.s32 $0xFFFFD800  }
0x2a: {  	[spmem:s12] =	stream.linear.scatter [tilespmem:s19], [sflag:$0x4], $0x2800, $0x38;
	[tilespmem:$0x1F800] =	vst v63  }
0x2b: {  	_ =	swait.ge [sflag:s20], $0x2800  }
0x2c: {  	[sflag:s20] =	ssyncset.done $0x0  }
0x2d: {  	[sflag:s20] =	ssyncadd.s32 $0xFFFFD800  }
0x2e: {  	[spmem:s13] =	stream.linear.scatter [tilespmem:s19], [sflag:$0x4], $0x2800, $0x38;
	[tilespmem:$0x1F800] =	vst v63  }
0x2f: {  	_ =	swait.ge [sflag:s20], $0x2800  }
0x30: {  	[sflag:s20] =	ssyncset.done $0x0  }
0x31: {  	[sflag:s20] =	ssyncadd.s32 $0xFFFFD800  }
0x32: {  	[spmem:s14] =	stream.linear.scatter [tilespmem:s19], [sflag:$0x4], $0x2800, $0x38;
	[tilespmem:$0x1F800] =	vst v63  }
0x33: {  	_ =	swait.ge [sflag:s20], $0x2800  }
0x34: {  	[sflag:s20] =	ssyncset.done $0x0  }
0x35: {  	[sflag:s20] =	ssyncadd.s32 $0xFFFFD800  }
0x36: {  	[spmem:s15] =	stream.linear.scatter [tilespmem:s19], [sflag:$0x4], $0x2800, $0x38;
	[tilespmem:$0x1F800] =	vst v63  }
0x37: {  	_ =	swait.ge [sflag:s20], $0x2800  }
0x38: {  	[sflag:s20] =	ssyncset.done $0x0  }
0x39: {  	[sflag:s20] =	ssyncadd.s32 $0xFFFFD800  }
0x3a: {  	[spmem:s16] =	stream.linear.scatter [tilespmem:s19], [sflag:$0x4], $0x2800, $0x38;
	[tilespmem:$0x1F800] =	vst v63  }
0x3b: {  	_ =	swait.ge [sflag:s20], $0x2800  }
0x3c: {  	[sflag:s20] =	ssyncset.done $0x0  }
0x3d: {  	[sflag:s20] =	ssyncadd.s32 $0xFFFFD800  }
0x3e: {  	[spmem:s17] =	stream.linear.scatter [tilespmem:s19], [sflag:$0x4], $0x2800, $0x38;
	[tilespmem:$0x1F800] =	vst v63  }
0x3f: {  	_ =	swait.ge [sflag:s20], $0x2800  }
0x40: {  	[sflag:s20] =	ssyncset.done $0x0  }
0x41: {  	[sflag:s20] =	ssyncadd.s32 $0xFFFFD800  }
0x42: {  	[spmem:s18] =	stream.linear.scatter [tilespmem:s19], [sflag:$0x4], $0x2800, $0x38;
	[tilespmem:$0x1F800] =	vst v63  }
0x43: {  	_ =	swait.ge [sflag:s20], $0x2800  }
0x44: {  	[sflag:s20] =	ssyncset.done $0x0  }
0x45: {  	s5 =	simm.s32 $0x0;
	s6 =	rddreg [dreg:$0x4];
	[sflag:s20] =	ssyncadd.s32 $0xFFFFD800  }
0x46: {  	[tilespmem:s5], [sflag:$0x4] =	stream.linear.gather [hbm4b:s6+s5], $0x1F80, $0x38;
	[tilespmem:$0x1F800] =	vst v63  }
0x47: {  	_ =	swait.ge [sflag:s20], $0x1F80  }
0x48: {  	[sflag:s20] =	ssyncset.done $0x0  }
0x49: {  	s7 =	rddreg [dreg:$0x5];
	[sflag:s20] =	ssyncadd.s32 $0xFFFFE080  }
0x4a: {  	[tilespmem:s21], [sflag:$0x4] =	stream.linear.gather [hbm4b:s7+s5], $0x1F80, $0x38;
	[tilespmem:$0x1F800] =	vst v63  }
0x4b: {  	_ =	swait.ge [sflag:s20], $0x1F80  }
0x4c: {  	[sflag:s20] =	ssyncset.done $0x0  }
0x4d: {  	[sflag:s20] =	ssyncadd.s32 $0xFFFFE080  }
0x4e: {  	[tilespmem:s19], [sflag:$0x1] =	stream.indirect.gather [hbm4b:s4+s22], $0x80, s5, s22, $0xb8;
	[tilespmem:$0x1F800] =	vst v63  }
0x4f: {  	_ = 	snop  }
0x50: {  	[tilespmem:s24], [sflag:$0x2] =	stream.indirect.gather [hbm4b:s4+s22], $0x80, s23, s22, $0xb8;
	[tilespmem:$0x1F800] =	vst v63  }
0x51: {  	[bflag:$0x0] =	sbarrier.arrive $0xFFFF  }
0x52: {  	_ =	swait.ge [sflag:s25], $0x2800  }
0x53: {  	[sflag:s25] =	ssyncset.done $0x0  }
0x54: {  	s6 =	simm.s32 $0x100;
	[sflag:s25] =	ssyncadd.s32 $0xFFFFD800  }
0x55: {  	[tilespmem:s26], [sflag:$0x3] =	stream.indirect.gather [hbm4b:s4+s22], $0x80, s6, s22, $0xb8;
	[tilespmem:$0x1F800] =	vst v63  }
0x56: {  	s7 =	simm.s32 $0x2000  }
0x57: {  	[spmem:s2] =	stream.indirect.scatter.add.f32 [tilespmem:s19], [sflag:$0x4], $0x80, s7, s22, $0xb8;
	[tilespmem:$0x1F800] =	vst v63  }
0x58: {  	_ =	swait.ge [sflag:s20], $0x2800  }
0x59: {  	[sflag:s20] =	ssyncset.done $0x0  }
0x5a: {  	[sflag:s20] =	ssyncadd.s32 $0xFFFFD800  }
0x5b: {  	_ =	swait.ge [sflag:s28], $0x2800  }
0x5c: {  	[sflag:s28] =	ssyncset.done $0x0  }
0x5d: {  	s6 =	simm.s32 $0x180;
	[sflag:s28] =	ssyncadd.s32 $0xFFFFD800  }
0x5e: {  	[tilespmem:s19], [sflag:$0x1] =	stream.indirect.gather [hbm4b:s4+s22], $0x80, s6, s22, $0xb8;
	[tilespmem:$0x1F800] =	vst v63  }
0x5f: {  	s7 =	simm.s32 $0x2080  }
0x60: {  	[spmem:s2] =	stream.indirect.scatter.add.f32 [tilespmem:s24], [sflag:$0x4], $0x80, s7, s22, $0xb8;
	[tilespmem:$0x1F800] =	vst v63  }
0x61: {  	_ =	swait.ge [sflag:s20], $0x2800  }
0x62: {  	[sflag:s20] =	ssyncset.done $0x0  }
0x63: {  	[sflag:s20] =	ssyncadd.s32 $0xFFFFD800  }
0x64: {  	_ =	swait.ge [sflag:s29], $0x2800  }
0x65: {  	[sflag:s29] =	ssyncset.done $0x0  }
0x66: {  	s6 =	simm.s32 $0x200;
	[sflag:s29] =	ssyncadd.s32 $0xFFFFD800  }
0x67: {  	[tilespmem:s24], [sflag:$0x2] =	stream.indirect.gather [hbm4b:s4+s22], $0x80, s6, s22, $0xb8;
	[tilespmem:$0x1F800] =	vst v63  }
0x68: {  	s7 =	simm.s32 $0x2100  }
0x69: {  	[spmem:s2] =	stream.indirect.scatter.add.f32 [tilespmem:s26], [sflag:$0x4], $0x80, s7, s22, $0xb8;
	[tilespmem:$0x1F800] =	vst v63  }
0x6a: {  	_ =	swait.ge [sflag:s20], $0x2800  }
0x6b: {  	s5 =	simm.s32 $0x600;
	[sflag:s20] =	ssyncset.done $0x0  }
.LBB2_4:
0x6c: {  	p0 =	sne.s32 s5, $0x7200  }
0x6d: {  	[sflag:s20] =	ssyncadd.s32 $0xFFFFD800;
	s6 =	smov.u32 s5;
	s5 =	sadd.s32 $0x600, s5  }
0x6e: {  	_ = 	snop  }
0x6f: {  	_ =	swait.ge [sflag:s25], $0x2800  }
0x70: {  	s6 =	sshra.s32 s6, $0x2;
	[sflag:s25] =	ssyncset.done $0x0  }
0x71: {  	s7 =	sadd.s32 $0x100, s6;
	[sflag:s25] =	ssyncadd.s32 $0xFFFFD800  }
0x72: {  	[tilespmem:s26], [sflag:$0x3] =	stream.indirect.gather [hbm4b:s4+s22], $0x80, s7, s22, $0xb8;
	[tilespmem:$0x1F800] =	vst v63  }
0x73: {  	s7 =	sadd.s32 $0x2000, s6  }
0x74: {  	[spmem:s2] =	stream.indirect.scatter.add.f32 [tilespmem:s19], [sflag:$0x4], $0x80, s7, s22, $0xb8;
	[tilespmem:$0x1F800] =	vst v63  }
0x75: {  	_ =	swait.ge [sflag:s20], $0x2800  }
0x76: {  	[sflag:s20] =	ssyncset.done $0x0  }
0x77: {  	[sflag:s20] =	ssyncadd.s32 $0xFFFFD800  }
0x78: {  	_ =	swait.ge [sflag:s28], $0x2800  }
0x79: {  	[sflag:s28] =	ssyncset.done $0x0  }
0x7a: {  	s7 =	sadd.s32 $0x180, s6;
	[sflag:s28] =	ssyncadd.s32 $0xFFFFD800  }
0x7b: {  	[tilespmem:s19], [sflag:$0x1] =	stream.indirect.gather [hbm4b:s4+s22], $0x80, s7, s22, $0xb8;
	[tilespmem:$0x1F800] =	vst v63  }
0x7c: {  	s7 =	sadd.s32 $0x2080, s6  }
0x7d: {  	[spmem:s2] =	stream.indirect.scatter.add.f32 [tilespmem:s24], [sflag:$0x4], $0x80, s7, s22, $0xb8;
	[tilespmem:$0x1F800] =	vst v63  }
0x7e: {  	_ =	swait.ge [sflag:s20], $0x2800  }
0x7f: {  	[sflag:s20] =	ssyncset.done $0x0  }
0x80: {  	[sflag:s20] =	ssyncadd.s32 $0xFFFFD800  }
0x81: {  	_ =	swait.ge [sflag:s29], $0x2800  }
0x82: {  	[sflag:s29] =	ssyncset.done $0x0  }
0x83: {  	s7 =	sadd.s32 $0x200, s6;
	[sflag:s29] =	ssyncadd.s32 $0xFFFFD800  }
0x84: {  	[tilespmem:s24], [sflag:$0x2] =	stream.indirect.gather [hbm4b:s4+s22], $0x80, s7, s22, $0xb8;
	[tilespmem:$0x1F800] =	vst v63  }
.Ltmp1:
0x85: {  	_ = 	snop;
	(pc) =	sbr.rel @p0 .LBB2_4-.Ltmp1, $4  }
0x86: {  	s6 =	sadd.s32 $0x2100, s6  }
0x87: {  	[spmem:s2] =	stream.indirect.scatter.add.f32 [tilespmem:s26], [sflag:$0x4], $0x80, s6, s22, $0xb8;
	[tilespmem:$0x1F800] =	vst v63  }
0x88: {  	_ =	swait.ge [sflag:s20], $0x2800  }
0x89: {  	[sflag:s20] =	ssyncset.done $0x0  }
0x8a: {  	[sflag:s20] =	ssyncadd.s32 $0xFFFFD800  }
0x8b: {  	_ =	swait.ge [sflag:s25], $0x2800  }
0x8c: {  	[sflag:s25] =	ssyncset.done $0x0  }
0x8d: {  	[sflag:s25] =	ssyncadd.s32 $0xFFFFD800  }
0x8e: {  	[tilespmem:s26], [sflag:$0x3] =	stream.indirect.gather [hbm4b:s4+s22], $0x80, s30, s22, $0xb8;
	[tilespmem:$0x1F800] =	vst v63  }
0x8f: {  	_ = 	snop  }
0x90: {  	[spmem:s2] =	stream.indirect.scatter.add.f32 [tilespmem:s19], [sflag:$0x4], $0x80, s31, s22, $0xb8;
	[tilespmem:$0x1F800] =	vst v63  }
0x91: {  	_ =	swait.ge [sflag:s20], $0x2800  }
0x92: {  	[sflag:s20] =	ssyncset.done $0x0  }
0x93: {  	[sflag:s20] =	ssyncadd.s32 $0xFFFFD800  }
0x94: {  	_ =	swait.ge [sflag:s28], $0x2800  }
0x95: {  	[sflag:s28] =	ssyncset.done $0x0  }
0x96: {  	[sflag:s28] =	ssyncadd.s32 $0xFFFFD800  }
0x97: {  	[spmem:s2] =	stream.indirect.scatter.add.f32 [tilespmem:s24], [sflag:$0x4], $0x80, s1, s22, $0xb8;
	[tilespmem:$0x1F800] =	vst v63  }
0x98: {  	_ =	swait.ge [sflag:s20], $0x2800  }
0x99: {  	[sflag:s20] =	ssyncset.done $0x0  }
0x9a: {  	[sflag:s20] =	ssyncadd.s32 $0xFFFFD800  }
0x9b: {  	_ =	swait.ge [sflag:s29], $0x2800  }
0x9c: {  	[sflag:s29] =	ssyncset.done $0x0  }
0x9d: {  	[sflag:s29] =	ssyncadd.s32 $0xFFFFD800  }
0x9e: {  	[spmem:s2] =	stream.indirect.scatter.add.f32 [tilespmem:s26], [sflag:$0x4], $0x80, s0, s22, $0xb8;
	[tilespmem:$0x1F800] =	vst v63  }
0x9f: {  	_ =	swait.ge [sflag:s20], $0x2800  }
0xa0: {  	[sflag:s20] =	ssyncset.done $0x0  }
0xa1: {  	s5 =	simm.s32 $0x0;
	s6 =	rddreg [dreg:$0x6];
	[sflag:s20] =	ssyncadd.s32 $0xFFFFD800  }
0xa2: {  	[tilespmem:s5], [sflag:$0x4] =	stream.linear.gather [hbm4b:s6+s5], $0x1F80, $0x38;
	[tilespmem:$0x1F800] =	vst v63  }
0xa3: {  	_ =	swait.ge [sflag:s20], $0x1F80  }
0xa4: {  	[sflag:s20] =	ssyncset.done $0x0  }
0xa5: {  	[sflag:s20] =	ssyncadd.s32 $0xFFFFE080  }
0xa6: {  	[tilespmem:s21], [sflag:$0x4] =	stream.linear.gather [hbm4b:s8+s5], $0x1F80, $0x38;
	[tilespmem:$0x1F800] =	vst v63  }
0xa7: {  	_ =	swait.ge [sflag:s20], $0x1F80  }
0xa8: {  	[sflag:s20] =	ssyncset.done $0x0  }
0xa9: {  	[sflag:s20] =	ssyncadd.s32 $0xFFFFE080  }
0xaa: {  	[tilespmem:s19], [sflag:$0x1] =	stream.indirect.gather [hbm4b:s4+s22], $0x80, s5, s22, $0xb8;
	[tilespmem:$0x1F800] =	vst v63  }
0xab: {  	_ = 	snop  }
0xac: {  	[tilespmem:s24], [sflag:$0x2] =	stream.indirect.gather [hbm4b:s4+s22], $0x80, s23, s22, $0xb8;
	[tilespmem:$0x1F800] =	vst v63  }
0xad: {  	_ =	swait.ge [sflag:s25], $0x2800  }
0xae: {  	[sflag:s25] =	ssyncset.done $0x0  }
0xaf: {  	s6 =	simm.s32 $0x100;
	[sflag:s25] =	ssyncadd.s32 $0xFFFFD800  }
0xb0: {  	[tilespmem:s26], [sflag:$0x3] =	stream.indirect.gather [hbm4b:s4+s22], $0x80, s6, s22, $0xb8;
	[tilespmem:$0x1F800] =	vst v63  }
0xb1: {  	s7 =	simm.s32 $0x2000  }
0xb2: {  	[spmem:s2] =	stream.indirect.scatter.add.f32 [tilespmem:s19], [sflag:$0x4], $0x80, s7, s22, $0xb8;
	[tilespmem:$0x1F800] =	vst v63  }
0xb3: {  	_ =	swait.ge [sflag:s20], $0x2800  }
0xb4: {  	[sflag:s20] =	ssyncset.done $0x0  }
0xb5: {  	[sflag:s20] =	ssyncadd.s32 $0xFFFFD800  }
0xb6: {  	_ =	swait.ge [sflag:s28], $0x2800  }
0xb7: {  	[sflag:s28] =	ssyncset.done $0x0  }
0xb8: {  	s6 =	simm.s32 $0x180;
	[sflag:s28] =	ssyncadd.s32 $0xFFFFD800  }
0xb9: {  	[tilespmem:s19], [sflag:$0x1] =	stream.indirect.gather [hbm4b:s4+s22], $0x80, s6, s22, $0xb8;
	[tilespmem:$0x1F800] =	vst v63  }
0xba: {  	s7 =	simm.s32 $0x2080  }
0xbb: {  	[spmem:s2] =	stream.indirect.scatter.add.f32 [tilespmem:s24], [sflag:$0x4], $0x80, s7, s22, $0xb8;
	[tilespmem:$0x1F800] =	vst v63  }
0xbc: {  	_ =	swait.ge [sflag:s20], $0x2800  }
0xbd: {  	[sflag:s20] =	ssyncset.done $0x0  }
0xbe: {  	[sflag:s20] =	ssyncadd.s32 $0xFFFFD800  }
0xbf: {  	_ =	swait.ge [sflag:s29], $0x2800  }
0xc0: {  	[sflag:s29] =	ssyncset.done $0x0  }
0xc1: {  	s6 =	simm.s32 $0x200;
	[sflag:s29] =	ssyncadd.s32 $0xFFFFD800  }
0xc2: {  	[tilespmem:s24], [sflag:$0x2] =	stream.indirect.gather [hbm4b:s4+s22], $0x80, s6, s22, $0xb8;
	[tilespmem:$0x1F800] =	vst v63  }
0xc3: {  	s7 =	simm.s32 $0x2100  }
0xc4: {  	[spmem:s2] =	stream.indirect.scatter.add.f32 [tilespmem:s26], [sflag:$0x4], $0x80, s7, s22, $0xb8;
	[tilespmem:$0x1F800] =	vst v63  }
0xc5: {  	_ =	swait.ge [sflag:s20], $0x2800  }
0xc6: {  	s5 =	simm.s32 $0x600;
	[sflag:s20] =	ssyncset.done $0x0  }
.LBB2_6:
0xc7: {  	p0 =	sne.s32 s5, $0x7200  }
0xc8: {  	[sflag:s20] =	ssyncadd.s32 $0xFFFFD800;
	s6 =	smov.u32 s5;
	s5 =	sadd.s32 $0x600, s5  }
0xc9: {  	_ = 	snop  }
0xca: {  	_ =	swait.ge [sflag:s25], $0x2800  }
0xcb: {  	s6 =	sshra.s32 s6, $0x2;
	[sflag:s25] =	ssyncset.done $0x0  }
0xcc: {  	s7 =	sadd.s32 $0x100, s6;
	[sflag:s25] =	ssyncadd.s32 $0xFFFFD800  }
0xcd: {  	[tilespmem:s26], [sflag:$0x3] =	stream.indirect.gather [hbm4b:s4+s22], $0x80, s7, s22, $0xb8;
	[tilespmem:$0x1F800] =	vst v63  }
0xce: {  	s7 =	sadd.s32 $0x2000, s6  }
0xcf: {  	[spmem:s2] =	stream.indirect.scatter.add.f32 [tilespmem:s19], [sflag:$0x4], $0x80, s7, s22, $0xb8;
	[tilespmem:$0x1F800] =	vst v63  }
0xd0: {  	_ =	swait.ge [sflag:s20], $0x2800  }
0xd1: {  	[sflag:s20] =	ssyncset.done $0x0  }
0xd2: {  	[sflag:s20] =	ssyncadd.s32 $0xFFFFD800  }
0xd3: {  	_ =	swait.ge [sflag:s28], $0x2800  }
0xd4: {  	[sflag:s28] =	ssyncset.done $0x0  }
0xd5: {  	s7 =	sadd.s32 $0x180, s6;
	[sflag:s28] =	ssyncadd.s32 $0xFFFFD800  }
0xd6: {  	[tilespmem:s19], [sflag:$0x1] =	stream.indirect.gather [hbm4b:s4+s22], $0x80, s7, s22, $0xb8;
	[tilespmem:$0x1F800] =	vst v63  }
0xd7: {  	s7 =	sadd.s32 $0x2080, s6  }
0xd8: {  	[spmem:s2] =	stream.indirect.scatter.add.f32 [tilespmem:s24], [sflag:$0x4], $0x80, s7, s22, $0xb8;
	[tilespmem:$0x1F800] =	vst v63  }
0xd9: {  	_ =	swait.ge [sflag:s20], $0x2800  }
0xda: {  	[sflag:s20] =	ssyncset.done $0x0  }
0xdb: {  	[sflag:s20] =	ssyncadd.s32 $0xFFFFD800  }
0xdc: {  	_ =	swait.ge [sflag:s29], $0x2800  }
0xdd: {  	[sflag:s29] =	ssyncset.done $0x0  }
0xde: {  	s7 =	sadd.s32 $0x200, s6;
	[sflag:s29] =	ssyncadd.s32 $0xFFFFD800  }
0xdf: {  	[tilespmem:s24], [sflag:$0x2] =	stream.indirect.gather [hbm4b:s4+s22], $0x80, s7, s22, $0xb8;
	[tilespmem:$0x1F800] =	vst v63  }
.Ltmp2:
0xe0: {  	_ = 	snop;
	(pc) =	sbr.rel @p0 .LBB2_6-.Ltmp2, $4  }
0xe1: {  	s6 =	sadd.s32 $0x2100, s6  }
0xe2: {  	[spmem:s2] =	stream.indirect.scatter.add.f32 [tilespmem:s26], [sflag:$0x4], $0x80, s6, s22, $0xb8;
	[tilespmem:$0x1F800] =	vst v63  }
0xe3: {  	_ =	swait.ge [sflag:s20], $0x2800  }
0xe4: {  	[sflag:s20] =	ssyncset.done $0x0  }
0xe5: {  	[sflag:s20] =	ssyncadd.s32 $0xFFFFD800  }
0xe6: {  	_ =	swait.ge [sflag:s25], $0x2800  }
0xe7: {  	[sflag:s25] =	ssyncset.done $0x0  }
0xe8: {  	[sflag:s25] =	ssyncadd.s32 $0xFFFFD800  }
0xe9: {  	[tilespmem:s26], [sflag:$0x3] =	stream.indirect.gather [hbm4b:s4+s22], $0x80, s30, s22, $0xb8;
	[tilespmem:$0x1F800] =	vst v63  }
0xea: {  	_ = 	snop  }
0xeb: {  	[spmem:s2] =	stream.indirect.scatter.add.f32 [tilespmem:s19], [sflag:$0x4], $0x80, s31, s22, $0xb8;
	[tilespmem:$0x1F800] =	vst v63  }
0xec: {  	_ =	swait.ge [sflag:s20], $0x2800  }
0xed: {  	[sflag:s20] =	ssyncset.done $0x0  }
0xee: {  	[sflag:s20] =	ssyncadd.s32 $0xFFFFD800  }
0xef: {  	_ =	swait.ge [sflag:s28], $0x2800  }
0xf0: {  	[sflag:s28] =	ssyncset.done $0x0  }
0xf1: {  	[sflag:s28] =	ssyncadd.s32 $0xFFFFD800  }
0xf2: {  	[spmem:s2] =	stream.indirect.scatter.add.f32 [tilespmem:s24], [sflag:$0x4], $0x80, s1, s22, $0xb8;
	[tilespmem:$0x1F800] =	vst v63  }
0xf3: {  	_ =	swait.ge [sflag:s20], $0x2800  }
0xf4: {  	[sflag:s20] =	ssyncset.done $0x0  }
0xf5: {  	[sflag:s20] =	ssyncadd.s32 $0xFFFFD800  }
0xf6: {  	_ =	swait.ge [sflag:s29], $0x2800  }
0xf7: {  	[sflag:s29] =	ssyncset.done $0x0  }
0xf8: {  	[sflag:s29] =	ssyncadd.s32 $0xFFFFD800  }
0xf9: {  	[spmem:s2] =	stream.indirect.scatter.add.f32 [tilespmem:s26], [sflag:$0x4], $0x80, s0, s22, $0xb8;
	[tilespmem:$0x1F800] =	vst v63  }
0xfa: {  	s5 =	stileid.u32;
	_ =	swait.ge [sflag:s20], $0x2800  }
0xfb: {  	s6 =	sshrl.u32 s9, $0x3;
	s3 =	sadd.s32 $0x1, s3;
	[sflag:s20] =	ssyncset.done $0x0  }
0xfc: {  	s5 =	sshll.u32 s5, $0x6;
	p0 =	sne.s32 s3, s11;
	[sflag:s20] =	ssyncadd.s32 $0xFFFFD800  }
.Ltmp3:
0xfd: {  	s5 =	sor.u32 $0x1C04, s5;
	[bflag:$0x0] =	sbarrier.arrive $0xFFFF;
	(pc) =	sbr.rel @p0 .LBB2_1-.Ltmp3, $4  }
0xfe: {  	[hbm:s10], [sflag:s5] =	dma.local [spmem:s6], $0x2800  }
0xff: {  	_ =	swait.ge [sflag:s20], $0x2800  }
0x100: {  	[sflag:s20] =	ssyncset.done $0x0  }
0x101: {  	[sflag:s20] =	ssyncadd.s32 $0xFFFFD800  }
0x102: {  	_ =	sfence.sel $0x180000  }
0x103: {  	[bflag:$0x0] =	sbarrier.arrive $0xFFFF  }
0x104: {  	_ =	strace $0x9000004A  }
0x105: {  	s0 =	stileid.u32;
	[bflag:$0x2] =	sbarrier.arrive $0xFFFF  }
0x106: {  	p0 =	sne.s32 s0, $0x0;
	s0 =	rddreg [dreg:$0x3]  }
0x107: {  	s0 =	sadd.s32 @!p0 $0x100000, s0  }
0x108: {  	[sflag:s0] =	ssyncadd.tile.s32 @!p0 $0x1;
	_ =	shalt  }
.Lfunc_end2:
_tile_overlayer_lowered:
.L_overlay_start_2:
0x109: {  	(tag) =	ssettag $0x2  }
0x10a: {  	s0 =	rddreg [dreg:$0x0];
	s2 =	stileid.u32  }
0x10b: {  	s1 =	rddreg [dreg:$0x1];
	p0 =	sne.s32 s2, $0x0  }
0x10c: {  	s3 =	rddreg [dreg:$0x2];
	[bflag:$0x3] =	sbarrier.arrive $0xFFFF;
	s2 =	simm.s32 @!p0 $0x1C04  }
0x10d: {  	[timem:s3], [sflag:s2] =	dma.local @!p0 [hbm:s0], s1  }
0x10e: {  	s0 =	simm.s32 @!p0 $0x4  }
0x10f: {  	_ =	swait.ge @!p0 [sflag:s0], s1  }
0x110: {  	s1 =	ssub.s32 @!p0 $0x0, s1;
	[sflag:s0] =	ssyncset.done @!p0 $0x0  }
0x111: {  	[sflag:s0] =	ssyncadd.s32 @!p0 s1  }
0x112: {  	[bflag:$0x3] =	sbarrier.arrive $0xFFFF  }
0x113: {  	_ =	shalt  }

// kernel: kernel.14.cloned.1.call-start
scs
__scs_entry_jumppad:
0x0: {  	(pc) =	sbr.rel $0x88, $3  }
0x1: {  	(tag) =	ssettag $0x0;
	lr =	simm.s32 $0x1  }
0x2: {  	[smem:$0x3F99] =	sst lr;
	_ =	strace $0xD0000000  }
0x3: {  	_ = 	snop  }
0x4: {  	_ = 	snop  }
0x5: {  	_ = 	snop  }
0x6: {  	_ = 	snop  }
0x7: {  	_ = 	snop  }
__scs_overlays_trampoline_lowered:
0x8: {  	[smem:$0x3FA8] =	sst s0  }
0x9: {  	[smem:$0x3FA9] =	sst s1  }
0xa: {  	[smem:$0x3FAA] =	sst s2  }
0xb: {  	[smem:$0x3FAB] =	sst s3  }
0xc: {  	[smem:$0x3FAC] =	sst s4  }
0xd: {  	[smem:$0x3FAD] =	sst s5  }
0xe: {  	[smem:$0x3FAE] =	sst s6  }
0xf: {  	[smem:$0x3FAF] =	sst s7  }
0x10: {  	[smem:$0x3FB0] =	sst s8  }
0x11: {  	[smem:$0x3FB1] =	sst s9;
	s0 =	simm.s32 @!p0 $0x0  }
0x12: {  	s1 =	sld [smem:$0x3F97];
	s0 =	simm.s32 @p0 $0x1  }
0x13: {  	[smem:$0x3FB2] =	sst s0;
	s0 =	simm.s32 @!p1 $0x0  }
0x14: {  	s2 =	sld [smem:$0x3F96];
	s0 =	simm.s32 @p1 $0x1  }
0x15: {  	[smem:$0x3FB3] =	sst s0;
	s0 =	simm.s32 @!p2 $0x0  }
0x16: {  	s3 =	sld [smem:$0x3FDB];
	s0 =	simm.s32 @p2 $0x1  }
0x17: {  	s4 =	simm.s32 $0x1BF5;
	[smem:$0x3FB5] =	sst s0  }
0x18: {  	s0 =	sld [smem:$0x3F98];
	_ =	swait.ge [sflag:s4], $0x0  }
0x19: {  	s7 =	sld [smem:$0x3F99]  }
0x1a: {  	s8 =	sadd.s32 $0xFFFFE003, lr  }
0x1b: {  	s9 =	sadd.s32 $0xFFFFFEF7, lr;
	s5 =	simm.s32 $0xFFFFFFFF;
	p2 =	slt.u32 s8, $0xFFFFF086  }
0x1c: {  	p1 =	slt.u32 s9, $0xF7A;
	s5 =	simm.s32 @!p2 $0x0  }
0x1d: {  	s5 =	simm.s32 @p1 $0x1;
	p0 =	seq.s32 s7, s2  }
0x1e: {  	s7 =	smul.u32 @!p0 $0xF7A, s2;
	p2 =	seq.s32 @!p0 s5, $0x0  }
0x1f: {  	s9 =	smul.u32 $0xF7A, s1;
	s8 =	simm.s32 @!p0 $0x1BF5;
	p2 =	por !p2, p0  }
0x20: {  	[sflag:s8] =	ssyncset.s32 @!p0 $0xFFFFF086;
	s6 =	sadd.s32 @!p0 s3, s7;
	s7 =	simm.s32 @!p0 $0x108  }
0x21: {  	s3 =	sadd.s32 s3, s9;
	s6 =	sadd.s32 @!p0 $0x88, s6;
	s7 =	simm.s32 @p2 $0x1082  }
0x22: {  	[simem:s7], [sflag:s8] =	dma.local @!p0 [hbm:s6], $0xF7A  }
0x23: {  	s9 =	sor.u32 $0xD0000000, s2;
	s6 =	simm.s32 $0x108;
	_ =	swait.ge @!p0 [sflag:s8], $0x0  }
0x24: {  	s3 =	sadd.s32 $0x88, s3;
	s6 =	simm.s32 @!p1 $0x1082;
	[sflag:s4] =	ssyncset.s32 $0xFFFFF086  }
0x25: {  	[simem:s6], [sflag:s4] =	dma.local [hbm:s3], $0xF7A  }
0x26: {  	[smem:$0x3F99] =	sst s1;
	(tag) =	ssettag s2;
	_ =	strace s9  }
0x27: {  	s1 =	sld [smem:$0x3FA9]  }
0x28: {  	s2 =	sld [smem:$0x3FAA]  }
0x29: {  	s4 =	sld [smem:$0x3FAC]  }
0x2a: {  	p0 =	seq.s32 s5, $0x0;
	s5 =	sld [smem:$0x3FAD]  }
0x2b: {  	s6 =	sld [smem:$0x3FAE]  }
0x2c: {  	s7 =	sld [smem:$0x3FAF]  }
0x2d: {  	s3 =	simm.s32 $0x108;
	s8 =	sld [smem:$0x3FB0]  }
0x2e: {  	s3 =	simm.s32 @!p0 $0x1082;
	s9 =	sld [smem:$0x3FB1]  }
0x2f: {  	lr =	sadd.s32 s0, s3;
	s0 =	sld [smem:$0x3FA8]  }
0x30: {  	s3 =	sld [smem:$0x3FAB]  }
0x31: {  	[smem:$0x3FB4] =	sst s10  }
0x32: {  	s10 =	sld [smem:$0x3FB2];
	_ =	sdelay $0x3  }
0x33: {  	p0 =	seq.s32 s10, $0x1;
	s10 =	sld [smem:$0x3FB4];
	_ =	sdelay $0x3  }
0x34: {  	[smem:$0x3FB4] =	sst s10  }
0x35: {  	s10 =	sld [smem:$0x3FB3];
	_ =	sdelay $0x3  }
0x36: {  	p1 =	seq.s32 s10, $0x1;
	s10 =	sld [smem:$0x3FB4];
	_ =	sdelay $0x3  }
0x37: {  	[smem:$0x3FB4] =	sst s10  }
0x38: {  	s10 =	sld [smem:$0x3FB5]  }
0x39: {  	_ = 	snop;
	(pc) =	sbr.ind lr, $3  }
0x3a: {  	_ = 	snop  }
0x3b: {  	_ = 	snop  }
0x3c: {  	p2 =	seq.s32 s10, $0x1;
	s10 =	sld [smem:$0x3FB4]  }
0x3d: {  	_ =	shalt  }
0x3e: {  	_ =	shalt  }
0x3f: {  	_ =	shalt  }
0x40: {  	_ =	shalt  }
0x41: {  	_ =	shalt  }
0x42: {  	_ =	shalt  }
0x43: {  	_ =	shalt  }
0x44: {  	_ =	shalt  }
0x45: {  	_ =	shalt  }
0x46: {  	_ =	shalt  }
0x47: {  	_ =	shalt  }
0x48: {  	_ =	shalt  }
0x49: {  	_ =	shalt  }
0x4a: {  	_ =	shalt  }
0x4b: {  	_ =	shalt  }
0x4c: {  	_ =	shalt  }
0x4d: {  	_ =	shalt  }
0x4e: {  	_ =	shalt  }
0x4f: {  	_ =	shalt  }
0x50: {  	_ =	shalt  }
0x51: {  	_ =	shalt  }
0x52: {  	_ =	shalt  }
0x53: {  	_ =	shalt  }
0x54: {  	_ =	shalt  }
0x55: {  	_ =	shalt  }
0x56: {  	_ =	shalt  }
0x57: {  	_ =	shalt  }
0x58: {  	_ =	shalt  }
0x59: {  	_ =	shalt  }
0x5a: {  	_ =	shalt  }
0x5b: {  	_ =	shalt  }
0x5c: {  	_ =	shalt  }
0x5d: {  	_ =	shalt  }
0x5e: {  	_ =	shalt  }
0x5f: {  	_ =	shalt  }
0x60: {  	_ =	shalt  }
0x61: {  	_ =	shalt  }
0x62: {  	_ =	shalt  }
0x63: {  	_ =	shalt  }
0x64: {  	_ =	shalt  }
0x65: {  	_ =	shalt  }
0x66: {  	_ =	shalt  }
0x67: {  	_ =	shalt  }
0x68: {  	_ =	shalt  }
0x69: {  	_ =	shalt  }
0x6a: {  	_ =	shalt  }
0x6b: {  	_ =	shalt  }
0x6c: {  	_ =	shalt  }
0x6d: {  	_ =	shalt  }
0x6e: {  	_ =	shalt  }
0x6f: {  	_ =	shalt  }
0x70: {  	_ =	shalt  }
0x71: {  	_ =	shalt  }
0x72: {  	_ =	shalt  }
0x73: {  	_ =	shalt  }
0x74: {  	_ =	shalt  }
0x75: {  	_ =	shalt  }
0x76: {  	_ =	shalt  }
0x77: {  	_ =	shalt  }
0x78: {  	_ =	shalt  }
0x79: {  	_ =	shalt  }
0x7a: {  	_ =	shalt  }
0x7b: {  	_ =	shalt  }
0x7c: {  	_ =	shalt  }
0x7d: {  	_ =	shalt  }
0x7e: {  	_ =	shalt  }
0x7f: {  	_ =	shalt  }
0x80: {  	_ =	shalt  }
0x81: {  	_ =	shalt  }
0x82: {  	_ =	shalt  }
0x83: {  	_ =	shalt  }
0x84: {  	_ =	shalt  }
0x85: {  	_ =	shalt  }
0x86: {  	_ =	shalt  }
0x87: {  	_ =	shalt  }
.Lfunc_end0:
.L_simem_size_0:
called_computation.2_lowered:
.L_overlay_start_0:
0x88: {  	s2 =	sld [smem:$0x3FD9]  }
0x89: {  	s3 =	sld [smem:$0x3FFE];
	_ =	sdelay $0x1  }
0x8a: {  	s1 =	srdreg.scid  }
0x8b: {  	s0 =	sand.u32 $0x1, s1  }
0x8c: {  	s17 =	sshll.u32 s0, $0xA;
	s2 =	sadd.s32 s3, s2  }
0x8d: {  	s2 =	sadd.s32 s2, s17  }
0x8e: {  	[smem:$0x3FC0] =	sst s2  }
0x8f: {  	_ = 	snop  }
0x90: {  	s2 =	sld [smem:$0x3FD0];
	(tm) =	ssettm $0x1  }
0x91: {  	s18 =	sld [smem:$0x3FFB];
	_ =	sdelay $0x3  }
0x92: {  	_ =	strace s18  }
0x93: {  	s3 =	sld [smem:$0x3FFC];
	_ =	sdelay $0x3  }
0x94: {  	_ =	strace s3  }
0x95: {  	s3 =	sld [smem:$0x3FFD];
	_ =	sdelay $0x3  }
0x96: {  	_ =	strace s3  }
0x97: {  	_ =	strace $0x8FFFFFFF  }
0x98: {  	s19 =	sld [smem:$0x3FDB];
	_ =	sdelay $0x1  }
0x99: {  	s4 =	simm.s32 $_scs_section_size  }
0x9a: {  	s5 =	simm.s32 $_size__tile_overlayer_lowered;
	s6 =	simm.s32 $_tile_overlayer_lowered  }
0x9b: {  	s22 =	simm.s32 $0x1BFF;
	s21 =	sshll.u32 s6, $0x1;
	s3 =	sadd.s32 s4, s19  }
0x9c: {  	s7 =	simm.s32 $0x0;
	s20 =	sshll.u32 s5, $0x1;
	s5 =	sadd.s32 s21, s3  }
0x9d: {  	[timem:s7], [sflag:s22] =	dma.local [hbm:s5], s20  }
0x9e: {  	_ =	swait.ge [sflag:s22], s20  }
0x9f: {  	s4 =	ssub.s32 $0x0, s20;
	[sflag:s22] =	ssyncset.done $0x0  }
0xa0: {  	[sflag:s22] =	ssyncadd.s32 s4;
	_ =	sdelay $0x1  }
0xa1: {  	s23 =	simm.s32 $0x1B8B  }
0xa2: {  	_ =	swait.ge [sflag:s23], $0x1  }
0xa3: {  	[sflag:s23] =	ssyncset.done $0x0  }
0xa4: {  	s25 =	simm.s32 $0x1B8E;
	s24 =	sld [smem:$0x3FFE];
	[sflag:s23] =	ssyncadd.s32 $0xFFFFFFFF  }
0xa5: {  	s26 =	simm.s32 $execute0_lowered;
	[smem:$0x3FD2] =	sst s25  }
0xa6: {  	s5 =	sshll.u32 s26, $0x1;
	_ =	strace $0x8000004C;
	[dreg:$0x1] =	wrdreg $0xFFFFFFFF  }
0xa7: {  	s28 =	simm.s32 $_size_execute0_lowered;
	s3 =	sadd.s32 s3, s5;
	[dreg:$0x0] =	wrdreg $0x0  }
0xa8: {  	s5 =	sshll.u32 s28, $0x1;
	[dreg:$0x2] =	wrdreg s3  }
0xa9: {  	[dreg:$0x3] =	wrdreg s5  }
0xaa: {  	[dreg:$0x4] =	wrdreg $0xC0  }
0xab: {  	_ =	task [dreg:s7], $0x5FFFF  }
0xac: {  	[dreg:$0x1] =	wrdreg $0xFFFFFFFF  }
0xad: {  	[dreg:$0x0] =	wrdreg $0x60  }
0xae: {  	[dreg:$0x2] =	wrdreg s24  }
0xaf: {  	[dreg:$0x3] =	wrdreg s2  }
0xb0: {  	[dreg:$0x4] =	wrdreg $0xB8000  }
0xb1: {  	[dreg:$0x5] =	wrdreg $0x9  }
0xb2: {  	_ =	task.clear_ibuf [dreg:s7], $0x6FFFF;
	_ =	strace $0x9000004C  }
0xb3: {  	s29 =	simm.s32 $0x9;
	_ =	strace $0x8000004E  }
0xb4: {  	_ =	swait.ge [sflag:s29], $0x1  }
0xb5: {  	[sflag:s29] =	ssyncadd.s32 $0xFFFFFFFF  }
0xb6: {  	_ =	strace $0x9000004E  }
0xb7: {  	_ =	sfence  }
0xb8: {  	s30 =	sld [smem:$0x0];
	_ =	sdelay $0x2  }
0xb9: {  	s31 =	sshll.u32 s1, $0xD;
	s1 =	sshrl.u32 s1, $0x2  }
0xba: {  	s3 =	sand.u32 $0x4000, s31;
	s1 =	sadd.s32 s1, s30  }
0xbb: {  	s0 =	sor.u32 s3, s0;
	s1 =	sshll.u32 s1, $0x11  }
0xbc: {  	s0 =	sor.u32 s1, s0  }
0xbd: {  	s0 =	sadd.s32 $0x8F2B, s0  }
0xbe: {  	[sflag:s0] =	ssyncadd.remote.s32 $0x1  }
0xbf: {  	_ =	sfence.sel $0xFFFF  }
0xc0: {  	[dreg:$0x0] =	wrdreg $0xFFFFFFFF;
	(pc) =	sbr.abs _section_cstart, $3  }
0xc1: {  	[dreg:$0x1] =	wrdreg $0xFFFFFFFF  }
0xc2: {  	_ =	task.clear_ibuf [dreg:s7], $0x2FFFF;
	_ =	strace $0x9FFFFFFF  }
0xc3: {  	(tm) =	ssettm $0x7FFFFFFF  }
tec
execute0_lowered:
.L_overlay_start_1:
0x0: {  	(tag) =	ssettag $0x1  }
0x1: {  	s0 =	rddreg [dreg:$0x0]  }
0x2: {  	s1 =	srdreg.scid;
	s5 =	rddreg [dreg:$0x1]  }
0x3: {  	s10 =	stileid.u32;
	s2 =	rddreg [dreg:$0x2]  }
0x4: {  	s3 =	simm.s32 $0x0;
	s19 =	simm.s32 $0x4000;
	s20 =	simm.s32 $0x4  }
0x5: {  	s21 =	simm.s32 $0x2000;
	s28 =	simm.s32 $0x2;
	s29 =	simm.s32 $0x3  }
0x6: {  	s30 =	simm.s32 $0x1F00;
	s31 =	simm.s32 $0x3E00;
	s4 =	smul.u32 $0x280, s10  }
0x7: {  	s1 =	sand.u32 $0x1, s1;
	[smem:$0x7FF] =	sst s3;
	s23 =	smul.u32 $0x50000, s10  }
0x8: {  	s7 =	sadd.s32 $0x2E00, s0;
	s9 =	sshll.u32 s10, $0xB;
	s6 =	smul.u32 $0x2800, s1  }
0x9: {  	_ =	strace $0x8000004D;
	s22 =	ssub.s32 $0x2, s1;
	s1 =	sshll.u32 s1, $0xF  }
0xa: {  	s8 =	sshrl.u32 s22, $0x1;
	s1 =	sor.u32 s9, s1;
	s26 =	sshrl.u32 s23, $0x2  }
0xb: {  	s23 =	simm.s32 $0x80;
	s6 =	sadd.s32 s4, s6;
	s4 =	sadd.s32 $0x12E00, s0  }
0xc: {  	s24 =	sadd.s32 s7, s1;
	s25 =	sadd.s32 s5, s1;
	s1 =	sor.u32 $0x400, s1  }
0xd: {  	s9 =	sadd.s32 s26, s2;
	s26 =	simm.s32 $0x9000;
	[dreg:$0x4] =	wrdreg s24  }
0xe: {  	s6 =	sshll.u32 s6, $0x4;
	[dreg:$0x5] =	wrdreg s25;
	s7 =	sadd.s32 s7, s1  }
0xf: {  	s12 =	sadd.s32 $0x2800, s9;
	s13 =	sadd.s32 $0x5000, s9;
	s14 =	sadd.s32 $0x7800, s9  }
0x10: {  	s15 =	sadd.s32 $0xA000, s9;
	s16 =	sadd.s32 $0xC800, s9;
	s17 =	sadd.s32 $0xF000, s9  }
0x11: {  	s18 =	sadd.s32 $0x11800, s9;
	s24 =	simm.s32 $0x6800;
	s25 =	simm.s32 $0x1  }
0x12: {  	s0 =	sadd.s32 s6, s0;
	s6 =	ssub.s32 s22, s8;
	[dreg:$0x6] =	wrdreg s7  }
0x13: {  	s8 =	sadd.s32 s5, s1;
	s22 =	simm.s32 $0x50;
	s1 =	simm.s32 $0x3E80  }
0x14: {  	v0 =	vimm.f32 $0.0e+00;
	s10 =	sadd.s32 $0x3AE00, s0;
	s11 =	smax.u32 s6, $0x1;
	s0 =	simm.s32 $0x3F00  }
.LBB2_1:
0x15: {  	s5 =	simm.s32 $0x0;
	s6 =	simm.s32 $0x200  }
.LBB2_2:
0x16: {  	p0 =	sne.s32 s6, $0x9E00;
	[tilespmem:s5+$0x4070] =	vst v0  }
0x17: {  	[tilespmem:s5+$0x4000] =	vst v0  }
0x18: {  	[tilespmem:s5+$0x4010] =	vst v0  }
.Ltmp0:
0x19: {  	[tilespmem:s5+$0x4020] =	vst v0;
	(pc) =	sbr.rel @p0 .LBB2_2-.Ltmp0, $4  }
0x1a: {  	[tilespmem:s5+$0x4030] =	vst v0  }
0x1b: {  	[tilespmem:s5+$0x4040] =	vst v0  }
0x1c: {  	[tilespmem:s5+$0x4050] =	vst v0  }
0x1d: {  	[tilespmem:s5+$0x4060] =	vst v0;
	s5 =	sshra.s32 s6, $0x2;
	s6 =	sadd.s32 $0x200, s6  }
0x1e: {  	[tilespmem:s5+$0x4070] =	vst v0  }
0x1f: {  	[tilespmem:s5+$0x4000] =	vst v0  }
0x20: {  	[tilespmem:s5+$0x4010] =	vst v0  }
0x21: {  	[tilespmem:s5+$0x4020] =	vst v0  }
0x22: {  	[tilespmem:s5+$0x4030] =	vst v0  }
0x23: {  	[tilespmem:s5+$0x4040] =	vst v0  }
0x24: {  	[tilespmem:s5+$0x4050] =	vst v0  }
0x25: {  	[tilespmem:s5+$0x4060] =	vst v0  }
0x26: {  	[spmem:s9] =	stream.linear.scatter [tilespmem:s19], [sflag:$0x4], $0x2800, $0x38;
	[tilespmem:$0x1F800] =	vst v63  }
0x27: {  	_ =	swait.ge [sflag:s20], $0x2800  }
0x28: {  	[sflag:s20] =	ssyncset.done $0x0  }
0x29: {  	[sflag:s20] =	ssyncadd.s32 $0xFFFFD800  }
0x2a: {  	[spmem:s12] =	stream.linear.scatter [tilespmem:s19], [sflag:$0x4], $0x2800, $0x38;
	[tilespmem:$0x1F800] =	vst v63  }
0x2b: {  	_ =	swait.ge [sflag:s20], $0x2800  }
0x2c: {  	[sflag:s20] =	ssyncset.done $0x0  }
0x2d: {  	[sflag:s20] =	ssyncadd.s32 $0xFFFFD800  }
0x2e: {  	[spmem:s13] =	stream.linear.scatter [tilespmem:s19], [sflag:$0x4], $0x2800, $0x38;
	[tilespmem:$0x1F800] =	vst v63  }
0x2f: {  	_ =	swait.ge [sflag:s20], $0x2800  }
0x30: {  	[sflag:s20] =	ssyncset.done $0x0  }
0x31: {  	[sflag:s20] =	ssyncadd.s32 $0xFFFFD800  }
0x32: {  	[spmem:s14] =	stream.linear.scatter [tilespmem:s19], [sflag:$0x4], $0x2800, $0x38;
	[tilespmem:$0x1F800] =	vst v63  }
0x33: {  	_ =	swait.ge [sflag:s20], $0x2800  }
0x34: {  	[sflag:s20] =	ssyncset.done $0x0  }
0x35: {  	[sflag:s20] =	ssyncadd.s32 $0xFFFFD800  }
0x36: {  	[spmem:s15] =	stream.linear.scatter [tilespmem:s19], [sflag:$0x4], $0x2800, $0x38;
	[tilespmem:$0x1F800] =	vst v63  }
0x37: {  	_ =	swait.ge [sflag:s20], $0x2800  }
0x38: {  	[sflag:s20] =	ssyncset.done $0x0  }
0x39: {  	[sflag:s20] =	ssyncadd.s32 $0xFFFFD800  }
0x3a: {  	[spmem:s16] =	stream.linear.scatter [tilespmem:s19], [sflag:$0x4], $0x2800, $0x38;
	[tilespmem:$0x1F800] =	vst v63  }
0x3b: {  	_ =	swait.ge [sflag:s20], $0x2800  }
0x3c: {  	[sflag:s20] =	ssyncset.done $0x0  }
0x3d: {  	[sflag:s20] =	ssyncadd.s32 $0xFFFFD800  }
0x3e: {  	[spmem:s17] =	stream.linear.scatter [tilespmem:s19], [sflag:$0x4], $0x2800, $0x38;
	[tilespmem:$0x1F800] =	vst v63  }
0x3f: {  	_ =	swait.ge [sflag:s20], $0x2800  }
0x40: {  	[sflag:s20] =	ssyncset.done $0x0  }
0x41: {  	[sflag:s20] =	ssyncadd.s32 $0xFFFFD800  }
0x42: {  	[spmem:s18] =	stream.linear.scatter [tilespmem:s19], [sflag:$0x4], $0x2800, $0x38;
	[tilespmem:$0x1F800] =	vst v63  }
0x43: {  	_ =	swait.ge [sflag:s20], $0x2800  }
0x44: {  	[sflag:s20] =	ssyncset.done $0x0  }
0x45: {  	s5 =	simm.s32 $0x0;
	s6 =	rddreg [dreg:$0x4];
	[sflag:s20] =	ssyncadd.s32 $0xFFFFD800  }
0x46: {  	[tilespmem:s5], [sflag:$0x4] =	stream.linear.gather [hbm4b:s6+s5], $0x1F80, $0x38;
	[tilespmem:$0x1F800] =	vst v63  }
0x47: {  	_ =	swait.ge [sflag:s20], $0x1F80  }
0x48: {  	[sflag:s20] =	ssyncset.done $0x0  }
0x49: {  	s7 =	rddreg [dreg:$0x5];
	[sflag:s20] =	ssyncadd.s32 $0xFFFFE080  }
0x4a: {  	[tilespmem:s21], [sflag:$0x4] =	stream.linear.gather [hbm4b:s7+s5], $0x1F80, $0x38;
	[tilespmem:$0x1F800] =	vst v63  }
0x4b: {  	_ =	swait.ge [sflag:s20], $0x1F80  }
0x4c: {  	[sflag:s20] =	ssyncset.done $0x0  }
0x4d: {  	[sflag:s20] =	ssyncadd.s32 $0xFFFFE080  }
0x4e: {  	[tilespmem:s19], [sflag:$0x1] =	stream.indirect.gather [hbm4b:s4+s22], $0x80, s5, s22, $0xb8;
	[tilespmem:$0x1F800] =	vst v63  }
0x4f: {  	_ = 	snop  }
0x50: {  	[tilespmem:s24], [sflag:$0x2] =	stream.indirect.gather [hbm4b:s4+s22], $0x80, s23, s22, $0xb8;
	[tilespmem:$0x1F800] =	vst v63  }
0x51: {  	[bflag:$0x0] =	sbarrier.arrive $0xFFFF  }
0x52: {  	_ =	swait.ge [sflag:s25], $0x2800  }
0x53: {  	[sflag:s25] =	ssyncset.done $0x0  }
0x54: {  	s6 =	simm.s32 $0x100;
	[sflag:s25] =	ssyncadd.s32 $0xFFFFD800  }
0x55: {  	[tilespmem:s26], [sflag:$0x3] =	stream.indirect.gather [hbm4b:s4+s22], $0x80, s6, s22, $0xb8;
	[tilespmem:$0x1F800] =	vst v63  }
0x56: {  	s7 =	simm.s32 $0x2000  }
0x57: {  	[spmem:s2] =	stream.indirect.scatter.add.f32 [tilespmem:s19], [sflag:$0x4], $0x80, s7, s22, $0xb8;
	[tilespmem:$0x1F800] =	vst v63  }
0x58: {  	_ =	swait.ge [sflag:s20], $0x2800  }
0x59: {  	[sflag:s20] =	ssyncset.done $0x0  }
0x5a: {  	[sflag:s20] =	ssyncadd.s32 $0xFFFFD800  }
0x5b: {  	_ =	swait.ge [sflag:s28], $0x2800  }
0x5c: {  	[sflag:s28] =	ssyncset.done $0x0  }
0x5d: {  	s6 =	simm.s32 $0x180;
	[sflag:s28] =	ssyncadd.s32 $0xFFFFD800  }
0x5e: {  	[tilespmem:s19], [sflag:$0x1] =	stream.indirect.gather [hbm4b:s4+s22], $0x80, s6, s22, $0xb8;
	[tilespmem:$0x1F800] =	vst v63  }
0x5f: {  	s7 =	simm.s32 $0x2080  }
0x60: {  	[spmem:s2] =	stream.indirect.scatter.add.f32 [tilespmem:s24], [sflag:$0x4], $0x80, s7, s22, $0xb8;
	[tilespmem:$0x1F800] =	vst v63  }
0x61: {  	_ =	swait.ge [sflag:s20], $0x2800  }
0x62: {  	[sflag:s20] =	ssyncset.done $0x0  }
0x63: {  	[sflag:s20] =	ssyncadd.s32 $0xFFFFD800  }
0x64: {  	_ =	swait.ge [sflag:s29], $0x2800  }
0x65: {  	[sflag:s29] =	ssyncset.done $0x0  }
0x66: {  	s6 =	simm.s32 $0x200;
	[sflag:s29] =	ssyncadd.s32 $0xFFFFD800  }
0x67: {  	[tilespmem:s24], [sflag:$0x2] =	stream.indirect.gather [hbm4b:s4+s22], $0x80, s6, s22, $0xb8;
	[tilespmem:$0x1F800] =	vst v63  }
0x68: {  	s7 =	simm.s32 $0x2100  }
0x69: {  	[spmem:s2] =	stream.indirect.scatter.add.f32 [tilespmem:s26], [sflag:$0x4], $0x80, s7, s22, $0xb8;
	[tilespmem:$0x1F800] =	vst v63  }
0x6a: {  	_ =	swait.ge [sflag:s20], $0x2800  }
0x6b: {  	s5 =	simm.s32 $0x600;
	[sflag:s20] =	ssyncset.done $0x0  }
.LBB2_4:
0x6c: {  	p0 =	sne.s32 s5, $0x7200  }
0x6d: {  	[sflag:s20] =	ssyncadd.s32 $0xFFFFD800;
	s6 =	smov.u32 s5;
	s5 =	sadd.s32 $0x600, s5  }
0x6e: {  	_ = 	snop  }
0x6f: {  	_ =	swait.ge [sflag:s25], $0x2800  }
0x70: {  	s6 =	sshra.s32 s6, $0x2;
	[sflag:s25] =	ssyncset.done $0x0  }
0x71: {  	s7 =	sadd.s32 $0x100, s6;
	[sflag:s25] =	ssyncadd.s32 $0xFFFFD800  }
0x72: {  	[tilespmem:s26], [sflag:$0x3] =	stream.indirect.gather [hbm4b:s4+s22], $0x80, s7, s22, $0xb8;
	[tilespmem:$0x1F800] =	vst v63  }
0x73: {  	s7 =	sadd.s32 $0x2000, s6  }
0x74: {  	[spmem:s2] =	stream.indirect.scatter.add.f32 [tilespmem:s19], [sflag:$0x4], $0x80, s7, s22, $0xb8;
	[tilespmem:$0x1F800] =	vst v63  }
0x75: {  	_ =	swait.ge [sflag:s20], $0x2800  }
0x76: {  	[sflag:s20] =	ssyncset.done $0x0  }
0x77: {  	[sflag:s20] =	ssyncadd.s32 $0xFFFFD800  }
0x78: {  	_ =	swait.ge [sflag:s28], $0x2800  }
0x79: {  	[sflag:s28] =	ssyncset.done $0x0  }
0x7a: {  	s7 =	sadd.s32 $0x180, s6;
	[sflag:s28] =	ssyncadd.s32 $0xFFFFD800  }
0x7b: {  	[tilespmem:s19], [sflag:$0x1] =	stream.indirect.gather [hbm4b:s4+s22], $0x80, s7, s22, $0xb8;
	[tilespmem:$0x1F800] =	vst v63  }
0x7c: {  	s7 =	sadd.s32 $0x2080, s6  }
0x7d: {  	[spmem:s2] =	stream.indirect.scatter.add.f32 [tilespmem:s24], [sflag:$0x4], $0x80, s7, s22, $0xb8;
	[tilespmem:$0x1F800] =	vst v63  }
0x7e: {  	_ =	swait.ge [sflag:s20], $0x2800  }
0x7f: {  	[sflag:s20] =	ssyncset.done $0x0  }
0x80: {  	[sflag:s20] =	ssyncadd.s32 $0xFFFFD800  }
0x81: {  	_ =	swait.ge [sflag:s29], $0x2800  }
0x82: {  	[sflag:s29] =	ssyncset.done $0x0  }
0x83: {  	s7 =	sadd.s32 $0x200, s6;
	[sflag:s29] =	ssyncadd.s32 $0xFFFFD800  }
0x84: {  	[tilespmem:s24], [sflag:$0x2] =	stream.indirect.gather [hbm4b:s4+s22], $0x80, s7, s22, $0xb8;
	[tilespmem:$0x1F800] =	vst v63  }
.Ltmp1:
0x85: {  	_ = 	snop;
	(pc) =	sbr.rel @p0 .LBB2_4-.Ltmp1, $4  }
0x86: {  	s6 =	sadd.s32 $0x2100, s6  }
0x87: {  	[spmem:s2] =	stream.indirect.scatter.add.f32 [tilespmem:s26], [sflag:$0x4], $0x80, s6, s22, $0xb8;
	[tilespmem:$0x1F800] =	vst v63  }
0x88: {  	_ =	swait.ge [sflag:s20], $0x2800  }
0x89: {  	[sflag:s20] =	ssyncset.done $0x0  }
0x8a: {  	[sflag:s20] =	ssyncadd.s32 $0xFFFFD800  }
0x8b: {  	_ =	swait.ge [sflag:s25], $0x2800  }
0x8c: {  	[sflag:s25] =	ssyncset.done $0x0  }
0x8d: {  	[sflag:s25] =	ssyncadd.s32 $0xFFFFD800  }
0x8e: {  	[tilespmem:s26], [sflag:$0x3] =	stream.indirect.gather [hbm4b:s4+s22], $0x80, s30, s22, $0xb8;
	[tilespmem:$0x1F800] =	vst v63  }
0x8f: {  	_ = 	snop  }
0x90: {  	[spmem:s2] =	stream.indirect.scatter.add.f32 [tilespmem:s19], [sflag:$0x4], $0x80, s31, s22, $0xb8;
	[tilespmem:$0x1F800] =	vst v63  }
0x91: {  	_ =	swait.ge [sflag:s20], $0x2800  }
0x92: {  	[sflag:s20] =	ssyncset.done $0x0  }
0x93: {  	[sflag:s20] =	ssyncadd.s32 $0xFFFFD800  }
0x94: {  	_ =	swait.ge [sflag:s28], $0x2800  }
0x95: {  	[sflag:s28] =	ssyncset.done $0x0  }
0x96: {  	[sflag:s28] =	ssyncadd.s32 $0xFFFFD800  }
0x97: {  	[spmem:s2] =	stream.indirect.scatter.add.f32 [tilespmem:s24], [sflag:$0x4], $0x80, s1, s22, $0xb8;
	[tilespmem:$0x1F800] =	vst v63  }
0x98: {  	_ =	swait.ge [sflag:s20], $0x2800  }
0x99: {  	[sflag:s20] =	ssyncset.done $0x0  }
0x9a: {  	[sflag:s20] =	ssyncadd.s32 $0xFFFFD800  }
0x9b: {  	_ =	swait.ge [sflag:s29], $0x2800  }
0x9c: {  	[sflag:s29] =	ssyncset.done $0x0  }
0x9d: {  	[sflag:s29] =	ssyncadd.s32 $0xFFFFD800  }
0x9e: {  	[spmem:s2] =	stream.indirect.scatter.add.f32 [tilespmem:s26], [sflag:$0x4], $0x80, s0, s22, $0xb8;
	[tilespmem:$0x1F800] =	vst v63  }
0x9f: {  	_ =	swait.ge [sflag:s20], $0x2800  }
0xa0: {  	[sflag:s20] =	ssyncset.done $0x0  }
0xa1: {  	s5 =	simm.s32 $0x0;
	s6 =	rddreg [dreg:$0x6];
	[sflag:s20] =	ssyncadd.s32 $0xFFFFD800  }
0xa2: {  	[tilespmem:s5], [sflag:$0x4] =	stream.linear.gather [hbm4b:s6+s5], $0x1F80, $0x38;
	[tilespmem:$0x1F800] =	vst v63  }
0xa3: {  	_ =	swait.ge [sflag:s20], $0x1F80  }
0xa4: {  	[sflag:s20] =	ssyncset.done $0x0  }
0xa5: {  	[sflag:s20] =	ssyncadd.s32 $0xFFFFE080  }
0xa6: {  	[tilespmem:s21], [sflag:$0x4] =	stream.linear.gather [hbm4b:s8+s5], $0x1F80, $0x38;
	[tilespmem:$0x1F800] =	vst v63  }
0xa7: {  	_ =	swait.ge [sflag:s20], $0x1F80  }
0xa8: {  	[sflag:s20] =	ssyncset.done $0x0  }
0xa9: {  	[sflag:s20] =	ssyncadd.s32 $0xFFFFE080  }
0xaa: {  	[tilespmem:s19], [sflag:$0x1] =	stream.indirect.gather [hbm4b:s4+s22], $0x80, s5, s22, $0xb8;
	[tilespmem:$0x1F800] =	vst v63  }
0xab: {  	_ = 	snop  }
0xac: {  	[tilespmem:s24], [sflag:$0x2] =	stream.indirect.gather [hbm4b:s4+s22], $0x80, s23, s22, $0xb8;
	[tilespmem:$0x1F800] =	vst v63  }
0xad: {  	_ =	swait.ge [sflag:s25], $0x2800  }
0xae: {  	[sflag:s25] =	ssyncset.done $0x0  }
0xaf: {  	s6 =	simm.s32 $0x100;
	[sflag:s25] =	ssyncadd.s32 $0xFFFFD800  }
0xb0: {  	[tilespmem:s26], [sflag:$0x3] =	stream.indirect.gather [hbm4b:s4+s22], $0x80, s6, s22, $0xb8;
	[tilespmem:$0x1F800] =	vst v63  }
0xb1: {  	s7 =	simm.s32 $0x2000  }
0xb2: {  	[spmem:s2] =	stream.indirect.scatter.add.f32 [tilespmem:s19], [sflag:$0x4], $0x80, s7, s22, $0xb8;
	[tilespmem:$0x1F800] =	vst v63  }
0xb3: {  	_ =	swait.ge [sflag:s20], $0x2800  }
0xb4: {  	[sflag:s20] =	ssyncset.done $0x0  }
0xb5: {  	[sflag:s20] =	ssyncadd.s32 $0xFFFFD800  }
0xb6: {  	_ =	swait.ge [sflag:s28], $0x2800  }
0xb7: {  	[sflag:s28] =	ssyncset.done $0x0  }
0xb8: {  	s6 =	simm.s32 $0x180;
	[sflag:s28] =	ssyncadd.s32 $0xFFFFD800  }
0xb9: {  	[tilespmem:s19], [sflag:$0x1] =	stream.indirect.gather [hbm4b:s4+s22], $0x80, s6, s22, $0xb8;
	[tilespmem:$0x1F800] =	vst v63  }
0xba: {  	s7 =	simm.s32 $0x2080  }
0xbb: {  	[spmem:s2] =	stream.indirect.scatter.add.f32 [tilespmem:s24], [sflag:$0x4], $0x80, s7, s22, $0xb8;
	[tilespmem:$0x1F800] =	vst v63  }
0xbc: {  	_ =	swait.ge [sflag:s20], $0x2800  }
0xbd: {  	[sflag:s20] =	ssyncset.done $0x0  }
0xbe: {  	[sflag:s20] =	ssyncadd.s32 $0xFFFFD800  }
0xbf: {  	_ =	swait.ge [sflag:s29], $0x2800  }
0xc0: {  	[sflag:s29] =	ssyncset.done $0x0  }
0xc1: {  	s6 =	simm.s32 $0x200;
	[sflag:s29] =	ssyncadd.s32 $0xFFFFD800  }
0xc2: {  	[tilespmem:s24], [sflag:$0x2] =	stream.indirect.gather [hbm4b:s4+s22], $0x80, s6, s22, $0xb8;
	[tilespmem:$0x1F800] =	vst v63  }
0xc3: {  	s7 =	simm.s32 $0x2100  }
0xc4: {  	[spmem:s2] =	stream.indirect.scatter.add.f32 [tilespmem:s26], [sflag:$0x4], $0x80, s7, s22, $0xb8;
	[tilespmem:$0x1F800] =	vst v63  }
0xc5: {  	_ =	swait.ge [sflag:s20], $0x2800  }
0xc6: {  	s5 =	simm.s32 $0x600;
	[sflag:s20] =	ssyncset.done $0x0  }
.LBB2_6:
0xc7: {  	p0 =	sne.s32 s5, $0x7200  }
0xc8: {  	[sflag:s20] =	ssyncadd.s32 $0xFFFFD800;
	s6 =	smov.u32 s5;
	s5 =	sadd.s32 $0x600, s5  }
0xc9: {  	_ = 	snop  }
0xca: {  	_ =	swait.ge [sflag:s25], $0x2800  }
0xcb: {  	s6 =	sshra.s32 s6, $0x2;
	[sflag:s25] =	ssyncset.done $0x0  }
0xcc: {  	s7 =	sadd.s32 $0x100, s6;
	[sflag:s25] =	ssyncadd.s32 $0xFFFFD800  }
0xcd: {  	[tilespmem:s26], [sflag:$0x3] =	stream.indirect.gather [hbm4b:s4+s22], $0x80, s7, s22, $0xb8;
	[tilespmem:$0x1F800] =	vst v63  }
0xce: {  	s7 =	sadd.s32 $0x2000, s6  }
0xcf: {  	[spmem:s2] =	stream.indirect.scatter.add.f32 [tilespmem:s19], [sflag:$0x4], $0x80, s7, s22, $0xb8;
	[tilespmem:$0x1F800] =	vst v63  }
0xd0: {  	_ =	swait.ge [sflag:s20], $0x2800  }
0xd1: {  	[sflag:s20] =	ssyncset.done $0x0  }
0xd2: {  	[sflag:s20] =	ssyncadd.s32 $0xFFFFD800  }
0xd3: {  	_ =	swait.ge [sflag:s28], $0x2800  }
0xd4: {  	[sflag:s28] =	ssyncset.done $0x0  }
0xd5: {  	s7 =	sadd.s32 $0x180, s6;
	[sflag:s28] =	ssyncadd.s32 $0xFFFFD800  }
0xd6: {  	[tilespmem:s19], [sflag:$0x1] =	stream.indirect.gather [hbm4b:s4+s22], $0x80, s7, s22, $0xb8;
	[tilespmem:$0x1F800] =	vst v63  }
0xd7: {  	s7 =	sadd.s32 $0x2080, s6  }
0xd8: {  	[spmem:s2] =	stream.indirect.scatter.add.f32 [tilespmem:s24], [sflag:$0x4], $0x80, s7, s22, $0xb8;
	[tilespmem:$0x1F800] =	vst v63  }
0xd9: {  	_ =	swait.ge [sflag:s20], $0x2800  }
0xda: {  	[sflag:s20] =	ssyncset.done $0x0  }
0xdb: {  	[sflag:s20] =	ssyncadd.s32 $0xFFFFD800  }
0xdc: {  	_ =	swait.ge [sflag:s29], $0x2800  }
0xdd: {  	[sflag:s29] =	ssyncset.done $0x0  }
0xde: {  	s7 =	sadd.s32 $0x200, s6;
	[sflag:s29] =	ssyncadd.s32 $0xFFFFD800  }
0xdf: {  	[tilespmem:s24], [sflag:$0x2] =	stream.indirect.gather [hbm4b:s4+s22], $0x80, s7, s22, $0xb8;
	[tilespmem:$0x1F800] =	vst v63  }
.Ltmp2:
0xe0: {  	_ = 	snop;
	(pc) =	sbr.rel @p0 .LBB2_6-.Ltmp2, $4  }
0xe1: {  	s6 =	sadd.s32 $0x2100, s6  }
0xe2: {  	[spmem:s2] =	stream.indirect.scatter.add.f32 [tilespmem:s26], [sflag:$0x4], $0x80, s6, s22, $0xb8;
	[tilespmem:$0x1F800] =	vst v63  }
0xe3: {  	_ =	swait.ge [sflag:s20], $0x2800  }
0xe4: {  	[sflag:s20] =	ssyncset.done $0x0  }
0xe5: {  	[sflag:s20] =	ssyncadd.s32 $0xFFFFD800  }
0xe6: {  	_ =	swait.ge [sflag:s25], $0x2800  }
0xe7: {  	[sflag:s25] =	ssyncset.done $0x0  }
0xe8: {  	[sflag:s25] =	ssyncadd.s32 $0xFFFFD800  }
0xe9: {  	[tilespmem:s26], [sflag:$0x3] =	stream.indirect.gather [hbm4b:s4+s22], $0x80, s30, s22, $0xb8;
	[tilespmem:$0x1F800] =	vst v63  }
0xea: {  	_ = 	snop  }
0xeb: {  	[spmem:s2] =	stream.indirect.scatter.add.f32 [tilespmem:s19], [sflag:$0x4], $0x80, s31, s22, $0xb8;
	[tilespmem:$0x1F800] =	vst v63  }
0xec: {  	_ =	swait.ge [sflag:s20], $0x2800  }
0xed: {  	[sflag:s20] =	ssyncset.done $0x0  }
0xee: {  	[sflag:s20] =	ssyncadd.s32 $0xFFFFD800  }
0xef: {  	_ =	swait.ge [sflag:s28], $0x2800  }
0xf0: {  	[sflag:s28] =	ssyncset.done $0x0  }
0xf1: {  	[sflag:s28] =	ssyncadd.s32 $0xFFFFD800  }
0xf2: {  	[spmem:s2] =	stream.indirect.scatter.add.f32 [tilespmem:s24], [sflag:$0x4], $0x80, s1, s22, $0xb8;
	[tilespmem:$0x1F800] =	vst v63  }
0xf3: {  	_ =	swait.ge [sflag:s20], $0x2800  }
0xf4: {  	[sflag:s20] =	ssyncset.done $0x0  }
0xf5: {  	[sflag:s20] =	ssyncadd.s32 $0xFFFFD800  }
0xf6: {  	_ =	swait.ge [sflag:s29], $0x2800  }
0xf7: {  	[sflag:s29] =	ssyncset.done $0x0  }
0xf8: {  	[sflag:s29] =	ssyncadd.s32 $0xFFFFD800  }
0xf9: {  	[spmem:s2] =	stream.indirect.scatter.add.f32 [tilespmem:s26], [sflag:$0x4], $0x80, s0, s22, $0xb8;
	[tilespmem:$0x1F800] =	vst v63  }
0xfa: {  	s5 =	stileid.u32;
	_ =	swait.ge [sflag:s20], $0x2800  }
0xfb: {  	s6 =	sshrl.u32 s9, $0x3;
	s3 =	sadd.s32 $0x1, s3;
	[sflag:s20] =	ssyncset.done $0x0  }
0xfc: {  	s5 =	sshll.u32 s5, $0x6;
	p0 =	sne.s32 s3, s11;
	[sflag:s20] =	ssyncadd.s32 $0xFFFFD800  }
.Ltmp3:
0xfd: {  	s5 =	sor.u32 $0x1C04, s5;
	[bflag:$0x0] =	sbarrier.arrive $0xFFFF;
	(pc) =	sbr.rel @p0 .LBB2_1-.Ltmp3, $4  }
0xfe: {  	[hbm:s10], [sflag:s5] =	dma.local [spmem:s6], $0x2800  }
0xff: {  	_ =	swait.ge [sflag:s20], $0x2800  }
0x100: {  	[sflag:s20] =	ssyncset.done $0x0  }
0x101: {  	[sflag:s20] =	ssyncadd.s32 $0xFFFFD800  }
0x102: {  	_ =	sfence.sel $0x180000  }
0x103: {  	[bflag:$0x0] =	sbarrier.arrive $0xFFFF  }
0x104: {  	_ =	strace $0x9000004D  }
0x105: {  	s0 =	stileid.u32;
	[bflag:$0x2] =	sbarrier.arrive $0xFFFF  }
0x106: {  	p0 =	sne.s32 s0, $0x0;
	s0 =	rddreg [dreg:$0x3]  }
0x107: {  	s0 =	sadd.s32 @!p0 $0x100000, s0  }
0x108: {  	[sflag:s0] =	ssyncadd.tile.s32 @!p0 $0x1;
	_ =	shalt  }
.Lfunc_end2:
_tile_overlayer_lowered:
.L_overlay_start_2:
0x109: {  	(tag) =	ssettag $0x2  }
0x10a: {  	s0 =	rddreg [dreg:$0x0];
	s2 =	stileid.u32  }
0x10b: {  	s1 =	rddreg [dreg:$0x1];
	p0 =	sne.s32 s2, $0x0  }
0x10c: {  	s3 =	rddreg [dreg:$0x2];
	[bflag:$0x3] =	sbarrier.arrive $0xFFFF;
	s2 =	simm.s32 @!p0 $0x1C04  }
0x10d: {  	[timem:s3], [sflag:s2] =	dma.local @!p0 [hbm:s0], s1  }
0x10e: {  	s0 =	simm.s32 @!p0 $0x4  }
0x10f: {  	_ =	swait.ge @!p0 [sflag:s0], s1  }
0x110: {  	s1 =	ssub.s32 @!p0 $0x0, s1;
	[sflag:s0] =	ssyncset.done @!p0 $0x0  }
0x111: {  	[sflag:s0] =	ssyncadd.s32 @!p0 s1  }
0x112: {  	[bflag:$0x3] =	sbarrier.arrive $0xFFFF  }
0x113: {  	_ =	shalt  }

// kernel: kernel.8.cloned.1.call-start
scs
__scs_entry_jumppad:
0x0: {  	(pc) =	sbr.rel $0x88, $3  }
0x1: {  	(tag) =	ssettag $0x0;
	lr =	simm.s32 $0x1  }
0x2: {  	[smem:$0x3F99] =	sst lr;
	_ =	strace $0xD0000000  }
0x3: {  	_ = 	snop  }
0x4: {  	_ = 	snop  }
0x5: {  	_ = 	snop  }
0x6: {  	_ = 	snop  }
0x7: {  	_ = 	snop  }
__scs_overlays_trampoline_lowered:
0x8: {  	[smem:$0x3FA8] =	sst s0  }
0x9: {  	[smem:$0x3FA9] =	sst s1  }
0xa: {  	[smem:$0x3FAA] =	sst s2  }
0xb: {  	[smem:$0x3FAB] =	sst s3  }
0xc: {  	[smem:$0x3FAC] =	sst s4  }
0xd: {  	[smem:$0x3FAD] =	sst s5  }
0xe: {  	[smem:$0x3FAE] =	sst s6  }
0xf: {  	[smem:$0x3FAF] =	sst s7  }
0x10: {  	[smem:$0x3FB0] =	sst s8  }
0x11: {  	[smem:$0x3FB1] =	sst s9;
	s0 =	simm.s32 @!p0 $0x0  }
0x12: {  	s1 =	sld [smem:$0x3F97];
	s0 =	simm.s32 @p0 $0x1  }
0x13: {  	[smem:$0x3FB2] =	sst s0;
	s0 =	simm.s32 @!p1 $0x0  }
0x14: {  	s2 =	sld [smem:$0x3F96];
	s0 =	simm.s32 @p1 $0x1  }
0x15: {  	[smem:$0x3FB3] =	sst s0;
	s0 =	simm.s32 @!p2 $0x0  }
0x16: {  	s3 =	sld [smem:$0x3FDB];
	s0 =	simm.s32 @p2 $0x1  }
0x17: {  	s4 =	simm.s32 $0x1BF5;
	[smem:$0x3FB5] =	sst s0  }
0x18: {  	s0 =	sld [smem:$0x3F98];
	_ =	swait.ge [sflag:s4], $0x0  }
0x19: {  	s7 =	sld [smem:$0x3F99]  }
0x1a: {  	s8 =	sadd.s32 $0xFFFFE003, lr  }
0x1b: {  	s9 =	sadd.s32 $0xFFFFFEF7, lr;
	s5 =	simm.s32 $0xFFFFFFFF;
	p2 =	slt.u32 s8, $0xFFFFF086  }
0x1c: {  	p1 =	slt.u32 s9, $0xF7A;
	s5 =	simm.s32 @!p2 $0x0  }
0x1d: {  	s5 =	simm.s32 @p1 $0x1;
	p0 =	seq.s32 s7, s2  }
0x1e: {  	s7 =	smul.u32 @!p0 $0xF7A, s2;
	p2 =	seq.s32 @!p0 s5, $0x0  }
0x1f: {  	s9 =	smul.u32 $0xF7A, s1;
	s8 =	simm.s32 @!p0 $0x1BF5;
	p2 =	por !p2, p0  }
0x20: {  	[sflag:s8] =	ssyncset.s32 @!p0 $0xFFFFF086;
	s6 =	sadd.s32 @!p0 s3, s7;
	s7 =	simm.s32 @!p0 $0x108  }
0x21: {  	s3 =	sadd.s32 s3, s9;
	s6 =	sadd.s32 @!p0 $0x88, s6;
	s7 =	simm.s32 @p2 $0x1082  }
0x22: {  	[simem:s7], [sflag:s8] =	dma.local @!p0 [hbm:s6], $0xF7A  }
0x23: {  	s9 =	sor.u32 $0xD0000000, s2;
	s6 =	simm.s32 $0x108;
	_ =	swait.ge @!p0 [sflag:s8], $0x0  }
0x24: {  	s3 =	sadd.s32 $0x88, s3;
	s6 =	simm.s32 @!p1 $0x1082;
	[sflag:s4] =	ssyncset.s32 $0xFFFFF086  }
0x25: {  	[simem:s6], [sflag:s4] =	dma.local [hbm:s3], $0xF7A  }
0x26: {  	[smem:$0x3F99] =	sst s1;
	(tag) =	ssettag s2;
	_ =	strace s9  }
0x27: {  	s1 =	sld [smem:$0x3FA9]  }
0x28: {  	s2 =	sld [smem:$0x3FAA]  }
0x29: {  	s4 =	sld [smem:$0x3FAC]  }
0x2a: {  	p0 =	seq.s32 s5, $0x0;
	s5 =	sld [smem:$0x3FAD]  }
0x2b: {  	s6 =	sld [smem:$0x3FAE]  }
0x2c: {  	s7 =	sld [smem:$0x3FAF]  }
0x2d: {  	s3 =	simm.s32 $0x108;
	s8 =	sld [smem:$0x3FB0]  }
0x2e: {  	s3 =	simm.s32 @!p0 $0x1082;
	s9 =	sld [smem:$0x3FB1]  }
0x2f: {  	lr =	sadd.s32 s0, s3;
	s0 =	sld [smem:$0x3FA8]  }
0x30: {  	s3 =	sld [smem:$0x3FAB]  }
0x31: {  	[smem:$0x3FB4] =	sst s10  }
0x32: {  	s10 =	sld [smem:$0x3FB2];
	_ =	sdelay $0x3  }
0x33: {  	p0 =	seq.s32 s10, $0x1;
	s10 =	sld [smem:$0x3FB4];
	_ =	sdelay $0x3  }
0x34: {  	[smem:$0x3FB4] =	sst s10  }
0x35: {  	s10 =	sld [smem:$0x3FB3];
	_ =	sdelay $0x3  }
0x36: {  	p1 =	seq.s32 s10, $0x1;
	s10 =	sld [smem:$0x3FB4];
	_ =	sdelay $0x3  }
0x37: {  	[smem:$0x3FB4] =	sst s10  }
0x38: {  	s10 =	sld [smem:$0x3FB5]  }
0x39: {  	_ = 	snop;
	(pc) =	sbr.ind lr, $3  }
0x3a: {  	_ = 	snop  }
0x3b: {  	_ = 	snop  }
0x3c: {  	p2 =	seq.s32 s10, $0x1;
	s10 =	sld [smem:$0x3FB4]  }
0x3d: {  	_ =	shalt  }
0x3e: {  	_ =	shalt  }
0x3f: {  	_ =	shalt  }
0x40: {  	_ =	shalt  }
0x41: {  	_ =	shalt  }
0x42: {  	_ =	shalt  }
0x43: {  	_ =	shalt  }
0x44: {  	_ =	shalt  }
0x45: {  	_ =	shalt  }
0x46: {  	_ =	shalt  }
0x47: {  	_ =	shalt  }
0x48: {  	_ =	shalt  }
0x49: {  	_ =	shalt  }
0x4a: {  	_ =	shalt  }
0x4b: {  	_ =	shalt  }
0x4c: {  	_ =	shalt  }
0x4d: {  	_ =	shalt  }
0x4e: {  	_ =	shalt  }
0x4f: {  	_ =	shalt  }
0x50: {  	_ =	shalt  }
0x51: {  	_ =	shalt  }
0x52: {  	_ =	shalt  }
0x53: {  	_ =	shalt  }
0x54: {  	_ =	shalt  }
0x55: {  	_ =	shalt  }
0x56: {  	_ =	shalt  }
0x57: {  	_ =	shalt  }
0x58: {  	_ =	shalt  }
0x59: {  	_ =	shalt  }
0x5a: {  	_ =	shalt  }
0x5b: {  	_ =	shalt  }
0x5c: {  	_ =	shalt  }
0x5d: {  	_ =	shalt  }
0x5e: {  	_ =	shalt  }
0x5f: {  	_ =	shalt  }
0x60: {  	_ =	shalt  }
0x61: {  	_ =	shalt  }
0x62: {  	_ =	shalt  }
0x63: {  	_ =	shalt  }
0x64: {  	_ =	shalt  }
0x65: {  	_ =	shalt  }
0x66: {  	_ =	shalt  }
0x67: {  	_ =	shalt  }
0x68: {  	_ =	shalt  }
0x69: {  	_ =	shalt  }
0x6a: {  	_ =	shalt  }
0x6b: {  	_ =	shalt  }
0x6c: {  	_ =	shalt  }
0x6d: {  	_ =	shalt  }
0x6e: {  	_ =	shalt  }
0x6f: {  	_ =	shalt  }
0x70: {  	_ =	shalt  }
0x71: {  	_ =	shalt  }
0x72: {  	_ =	shalt  }
0x73: {  	_ =	shalt  }
0x74: {  	_ =	shalt  }
0x75: {  	_ =	shalt  }
0x76: {  	_ =	shalt  }
0x77: {  	_ =	shalt  }
0x78: {  	_ =	shalt  }
0x79: {  	_ =	shalt  }
0x7a: {  	_ =	shalt  }
0x7b: {  	_ =	shalt  }
0x7c: {  	_ =	shalt  }
0x7d: {  	_ =	shalt  }
0x7e: {  	_ =	shalt  }
0x7f: {  	_ =	shalt  }
0x80: {  	_ =	shalt  }
0x81: {  	_ =	shalt  }
0x82: {  	_ =	shalt  }
0x83: {  	_ =	shalt  }
0x84: {  	_ =	shalt  }
0x85: {  	_ =	shalt  }
0x86: {  	_ =	shalt  }
0x87: {  	_ =	shalt  }
.Lfunc_end0:
.L_simem_size_0:
called_computation_lowered:
.L_overlay_start_0:
0x88: {  	s2 =	sld [smem:$0x3FD9]  }
0x89: {  	s3 =	sld [smem:$0x3FFE];
	_ =	sdelay $0x1  }
0x8a: {  	s1 =	srdreg.scid  }
0x8b: {  	s0 =	sand.u32 $0x1, s1  }
0x8c: {  	s17 =	sshll.u32 s0, $0xA;
	s2 =	sadd.s32 s3, s2  }
0x8d: {  	s2 =	sadd.s32 s2, s17  }
0x8e: {  	[smem:$0x3FC0] =	sst s2  }
0x8f: {  	_ = 	snop  }
0x90: {  	s2 =	sld [smem:$0x3FD0];
	(tm) =	ssettm $0x1  }
0x91: {  	s18 =	sld [smem:$0x3FFB];
	_ =	sdelay $0x3  }
0x92: {  	_ =	strace s18  }
0x93: {  	s3 =	sld [smem:$0x3FFC];
	_ =	sdelay $0x3  }
0x94: {  	_ =	strace s3  }
0x95: {  	s3 =	sld [smem:$0x3FFD];
	_ =	sdelay $0x3  }
0x96: {  	_ =	strace s3  }
0x97: {  	_ =	strace $0x8FFFFFFF  }
0x98: {  	s19 =	sld [smem:$0x3FDB];
	_ =	sdelay $0x1  }
0x99: {  	s4 =	simm.s32 $_scs_section_size  }
0x9a: {  	s5 =	simm.s32 $_size__tile_overlayer_lowered;
	s6 =	simm.s32 $_tile_overlayer_lowered  }
0x9b: {  	s22 =	simm.s32 $0x1BFF;
	s21 =	sshll.u32 s6, $0x1;
	s3 =	sadd.s32 s4, s19  }
0x9c: {  	s7 =	simm.s32 $0x0;
	s20 =	sshll.u32 s5, $0x1;
	s5 =	sadd.s32 s21, s3  }
0x9d: {  	[timem:s7], [sflag:s22] =	dma.local [hbm:s5], s20  }
0x9e: {  	_ =	swait.ge [sflag:s22], s20  }
0x9f: {  	s4 =	ssub.s32 $0x0, s20;
	[sflag:s22] =	ssyncset.done $0x0  }
0xa0: {  	[sflag:s22] =	ssyncadd.s32 s4;
	_ =	sdelay $0x1  }
0xa1: {  	s23 =	simm.s32 $0x1B8B  }
0xa2: {  	_ =	swait.ge [sflag:s23], $0x1  }
0xa3: {  	[sflag:s23] =	ssyncset.done $0x0  }
0xa4: {  	s25 =	simm.s32 $0x1B8E;
	s24 =	sld [smem:$0x3FFE];
	[sflag:s23] =	ssyncadd.s32 $0xFFFFFFFF  }
0xa5: {  	s26 =	simm.s32 $execute0_lowered;
	[smem:$0x3FD2] =	sst s25  }
0xa6: {  	s5 =	sshll.u32 s26, $0x1;
	_ =	strace $0x80000046;
	[dreg:$0x1] =	wrdreg $0xFFFFFFFF  }
0xa7: {  	s28 =	simm.s32 $_size_execute0_lowered;
	s3 =	sadd.s32 s3, s5;
	[dreg:$0x0] =	wrdreg $0x0  }
0xa8: {  	s5 =	sshll.u32 s28, $0x1;
	[dreg:$0x2] =	wrdreg s3  }
0xa9: {  	[dreg:$0x3] =	wrdreg s5  }
0xaa: {  	[dreg:$0x4] =	wrdreg $0xC0  }
0xab: {  	_ =	task [dreg:s7], $0x5FFFF  }
0xac: {  	[dreg:$0x1] =	wrdreg $0xFFFFFFFF  }
0xad: {  	[dreg:$0x0] =	wrdreg $0x60  }
0xae: {  	[dreg:$0x2] =	wrdreg s2  }
0xaf: {  	[dreg:$0x3] =	wrdreg s24  }
0xb0: {  	[dreg:$0x4] =	wrdreg $0x43000  }
0xb1: {  	[dreg:$0x5] =	wrdreg $0x9  }
0xb2: {  	_ =	task.clear_ibuf [dreg:s7], $0x6FFFF;
	_ =	strace $0x90000046  }
0xb3: {  	s29 =	simm.s32 $0x9;
	_ =	strace $0x80000048  }
0xb4: {  	_ =	swait.ge [sflag:s29], $0x1  }
0xb5: {  	[sflag:s29] =	ssyncadd.s32 $0xFFFFFFFF  }
0xb6: {  	_ =	strace $0x90000048  }
0xb7: {  	_ =	sfence  }
0xb8: {  	s30 =	sld [smem:$0x0];
	_ =	sdelay $0x2  }
0xb9: {  	s31 =	sshll.u32 s1, $0xD;
	s1 =	sshrl.u32 s1, $0x2  }
0xba: {  	s3 =	sand.u32 $0x4000, s31;
	s1 =	sadd.s32 s1, s30  }
0xbb: {  	s0 =	sor.u32 s3, s0;
	s1 =	sshll.u32 s1, $0x11  }
0xbc: {  	s0 =	sor.u32 s1, s0  }
0xbd: {  	s0 =	sadd.s32 $0x8F2B, s0  }
0xbe: {  	[sflag:s0] =	ssyncadd.remote.s32 $0x1  }
0xbf: {  	_ =	sfence.sel $0xFFFF  }
0xc0: {  	[dreg:$0x0] =	wrdreg $0xFFFFFFFF;
	(pc) =	sbr.abs _section_cstart, $3  }
0xc1: {  	[dreg:$0x1] =	wrdreg $0xFFFFFFFF  }
0xc2: {  	_ =	task.clear_ibuf [dreg:s7], $0x2FFFF;
	_ =	strace $0x9FFFFFFF  }
0xc3: {  	(tm) =	ssettm $0x7FFFFFFF  }
tec
execute0_lowered:
.L_overlay_start_1:
0x0: {  	(tag) =	ssettag $0x1  }
0x1: {  	s4 =	rddreg [dreg:$0x0]  }
0x2: {  	s1 =	srdreg.scid;
	s5 =	rddreg [dreg:$0x1]  }
0x3: {  	s0 =	stileid.u32;
	s2 =	rddreg [dreg:$0x2]  }
0x4: {  	s3 =	simm.s32 $0x0;
	s11 =	simm.s32 $0x4080;
	s12 =	simm.s32 $0x50  }
0x5: {  	s13 =	simm.s32 $0x4000;
	s6 =	sand.u32 $0x1, s1;
	s1 =	rddreg [dreg:$0x3]  }
0x6: {  	s16 =	simm.s32 $0x0;
	s7 =	smul.u32 $0x280, s0;
	[smem:$0x7FF] =	sst s3  }
0x7: {  	s9 =	sshll.u32 s0, $0xB;
	s14 =	sshll.u32 s0, $0x6;
	s8 =	smul.u32 $0x2800, s6  }
0x8: {  	_ =	strace $0x80000047;
	s30 =	ssub.s32 $0x2, s6;
	s6 =	sshll.u32 s6, $0xF  }
0x9: {  	s4 =	sadd.s32 s4, s9;
	s9 =	simm.s32 $0x2000;
	s14 =	sor.u32 $0x1C01, s14  }
0xa: {  	s10 =	sshrl.u32 s30, $0x1;
	s4 =	sadd.s32 s6, s4;
	s8 =	sadd.s32 s7, s8  }
0xb: {  	s31 =	ssub.s32 s30, s10;
	s10 =	simm.s32 $0x1;
	s8 =	sshrl.u32 s8, $0x3  }
0xc: {  	s8 =	sadd.s32 s8, s5;
	s5 =	sadd.s32 s7, s2;
	s7 =	smax.u32 s31, $0x1  }
0xd: {  	v0 =	vimm.f32 $1.000000000e+00;
	v1 =	vimm.f32 $0.0e+00;
	s6 =	sadd.s32 $0x2400, s8;
	s8 =	sadd.s32 $0x400, s4;
	s15 =	sshrl.u32 s5, $0x3  }
.LBB2_1:
0xe: {  	[tilespmem:s3], [sflag:$0x1] =	stream.linear.gather [hbm4b:s4+s3], $0x1F80, $0x38;
	[tilespmem:$0x4580] =	vst v63  }
0xf: {  	_ = 	snop  }
0x10: {  	[tilespmem:s9], [sflag:$0x1] =	stream.linear.gather [hbm4b:s8+s3], $0x1F80, $0x38;
	[tilespmem:$0x4580] =	vst v63  }
0x11: {  	_ =	swait.ge [sflag:s10], $0x3F00  }
0x12: {  	[sflag:s10] =	ssyncset.done $0x0  }
0x13: {  	[sflag:s10] =	ssyncadd.s32 $0xFFFFC100  }
0x14: {  	[tilespmem:$0x4000] =	vst v0  }
0x15: {  	[tilespmem:$0x4010] =	vst v0  }
0x16: {  	[tilespmem:$0x4020] =	vst v0  }
0x17: {  	[tilespmem:$0x4030] =	vst v0  }
0x18: {  	[tilespmem:$0x4040] =	vst v0  }
0x19: {  	[tilespmem:$0x4080] =	vst v1  }
0x1a: {  	[tilespmem:$0x4090] =	vst v1  }
0x1b: {  	[tilespmem:$0x40A0] =	vst v1  }
0x1c: {  	[tilespmem:$0x40B0] =	vst v1  }
0x1d: {  	[tilespmem:$0x40C0] =	vst v1  }
0x1e: {  	[tilespmem:$0x40D0] =	vst v1  }
0x1f: {  	[tilespmem:$0x40E0] =	vst v1  }
0x20: {  	[tilespmem:$0x40F0] =	vst v1  }
0x21: {  	[tilespmem:$0x4100] =	vst v1  }
0x22: {  	[tilespmem:$0x4110] =	vst v1  }
0x23: {  	[tilespmem:$0x4120] =	vst v1  }
0x24: {  	[tilespmem:$0x4130] =	vst v1  }
0x25: {  	[tilespmem:$0x4140] =	vst v1  }
0x26: {  	[tilespmem:$0x4150] =	vst v1  }
0x27: {  	[tilespmem:$0x4160] =	vst v1  }
0x28: {  	[tilespmem:$0x4170] =	vst v1  }
0x29: {  	[tilespmem:$0x4180] =	vst v1  }
0x2a: {  	[tilespmem:$0x4190] =	vst v1  }
0x2b: {  	[tilespmem:$0x41A0] =	vst v1  }
0x2c: {  	[tilespmem:$0x41B0] =	vst v1  }
0x2d: {  	[tilespmem:$0x41C0] =	vst v1  }
0x2e: {  	[tilespmem:$0x41D0] =	vst v1  }
0x2f: {  	[tilespmem:$0x41E0] =	vst v1  }
0x30: {  	[tilespmem:$0x41F0] =	vst v1  }
0x31: {  	[tilespmem:$0x4200] =	vst v1  }
0x32: {  	[tilespmem:$0x4210] =	vst v1  }
0x33: {  	[tilespmem:$0x4220] =	vst v1  }
0x34: {  	[tilespmem:$0x4230] =	vst v1  }
0x35: {  	[tilespmem:$0x4240] =	vst v1  }
0x36: {  	[tilespmem:$0x4250] =	vst v1  }
0x37: {  	[tilespmem:$0x4260] =	vst v1  }
0x38: {  	[tilespmem:$0x4270] =	vst v1  }
0x39: {  	[tilespmem:$0x4280] =	vst v1  }
0x3a: {  	[tilespmem:$0x4290] =	vst v1  }
0x3b: {  	[tilespmem:$0x42A0] =	vst v1  }
0x3c: {  	[tilespmem:$0x42B0] =	vst v1  }
0x3d: {  	[tilespmem:$0x42C0] =	vst v1  }
0x3e: {  	[tilespmem:$0x42D0] =	vst v1  }
0x3f: {  	[tilespmem:$0x42E0] =	vst v1  }
0x40: {  	[tilespmem:$0x42F0] =	vst v1  }
0x41: {  	[spmem:s5] =	stream.linear.scatter [tilespmem:s11], [sflag:$0x1], $0x280, $0x38;
	[tilespmem:$0x4580] =	vst v63  }
0x42: {  	_ =	swait.ge [sflag:s10], $0x280  }
0x43: {  	[sflag:s10] =	ssyncset.done $0x0  }
0x44: {  	[sflag:s10] =	ssyncadd.s32 $0xFFFFFD80  }
0x45: {  	s17 =	simm.s32 $0x0;
	[bflag:$0x0] =	sbarrier.arrive $0xFFFF  }
.LBB2_2:
0x46: {  	p0 =	sne.s32 s17, $0x7C00  }
.Ltmp0:
0x47: {  	s18 =	sshra.s32 s17, $0x2;
	(pc) =	sbr.rel @p0 .LBB2_2-.Ltmp0, $4  }
0x48: {  	[spmem:s2] =	stream.indirect.scatter.add.f32 [tilespmem:s13], [sflag:$0x1], $0x1, s18, s12, $0xb8;
	[tilespmem:$0x4580] =	vst v63  }
0x49: {  	_ =	swait.ge [sflag:s10], $0x50  }
0x4a: {  	[sflag:s10] =	ssyncset.done $0x0  }
0x4b: {  	s17 =	sadd.s32 $0x200, s17;
	[sflag:s10] =	ssyncadd.s32 $0xFFFFFFB0  }
0x4c: {  	s17 =	simm.s32 $0x2000  }
0x4d: {  	[spmem:s2] =	stream.indirect.scatter.add.f32 [tilespmem:s13], [sflag:$0x1], $0x1, s17, s12, $0xb8;
	[tilespmem:$0x4580] =	vst v63  }
0x4e: {  	s17 =	simm.s32 $0x200;
	_ =	swait.ge [sflag:s10], $0x50  }
.LBB2_4:
0x4f: {  	s18 =	sshra.s32 s17, $0x2;
	[sflag:s10] =	ssyncset.done $0x0;
	p0 =	sne.s32 s17, $0x7C00  }
.Ltmp1:
0x50: {  	s18 =	sadd.s32 $0x2000, s18;
	[sflag:s10] =	ssyncadd.s32 $0xFFFFFFB0;
	(pc) =	sbr.rel @p0 .LBB2_4-.Ltmp1, $3  }
0x51: {  	[spmem:s2] =	stream.indirect.scatter.add.f32 [tilespmem:s13], [sflag:$0x1], $0x1, s18, s12, $0xb8;
	[tilespmem:$0x4580] =	vst v63  }
0x52: {  	s17 =	sadd.s32 $0x200, s17;
	_ =	sdelay $0x1  }
0x53: {  	_ =	swait.ge [sflag:s10], $0x50  }
0x54: {  	[sflag:s10] =	ssyncset.done $0x0;
	s16 =	sadd.s32 $0x1, s16  }
0x55: {  	[sflag:s10] =	ssyncadd.s32 $0xFFFFFFB0;
	p0 =	sne.s32 s16, s7  }
.Ltmp2:
0x56: {  	[bflag:$0x0] =	sbarrier.arrive $0xFFFF;
	(pc) =	sbr.rel @p0 .LBB2_1-.Ltmp2, $4  }
0x57: {  	[hbm:s6], [sflag:s14] =	dma.local [spmem:s15], $0x50  }
0x58: {  	_ =	swait.ge [sflag:s10], $0x50  }
0x59: {  	[sflag:s10] =	ssyncset.done $0x0  }
0x5a: {  	[sflag:s10] =	ssyncadd.s32 $0xFFFFFFB0  }
0x5b: {  	_ =	sfence.sel $0x180000  }
0x5c: {  	[bflag:$0x0] =	sbarrier.arrive $0xFFFF  }
0x5d: {  	p0 =	sne.s32 s0, $0x0;
	_ =	strace $0x90000047  }
0x5e: {  	s0 =	sadd.s32 @!p0 $0x100000, s1;
	[bflag:$0x2] =	sbarrier.arrive $0xFFFF  }
0x5f: {  	[sflag:s0] =	ssyncadd.tile.s32 @!p0 $0x1;
	_ =	shalt  }
.Lfunc_end2:
_tile_overlayer_lowered:
.L_overlay_start_2:
0x60: {  	(tag) =	ssettag $0x2  }
0x61: {  	s0 =	rddreg [dreg:$0x0];
	s2 =	stileid.u32  }
0x62: {  	s1 =	rddreg [dreg:$0x1];
	p0 =	sne.s32 s2, $0x0  }
0x63: {  	s3 =	rddreg [dreg:$0x2];
	[bflag:$0x3] =	sbarrier.arrive $0xFFFF;
	s2 =	simm.s32 @!p0 $0x1C01  }
0x64: {  	[timem:s3], [sflag:s2] =	dma.local @!p0 [hbm:s0], s1  }
0x65: {  	s0 =	simm.s32 @!p0 $0x1  }
0x66: {  	_ =	swait.ge @!p0 [sflag:s0], s1  }
0x67: {  	s1 =	ssub.s32 @!p0 $0x0, s1;
	[sflag:s0] =	ssyncset.done @!p0 $0x0  }
0x68: {  	[sflag:s0] =	ssyncadd.s32 @!p0 s1  }
0x69: {  	[bflag:$0x3] =	sbarrier.arrive $0xFFFF  }
0x6a: {  	_ =	shalt  }

</sc_bundles>
